<compile_context>
chip_gen: v7x
topology: tpu7x:2x2x1
jax: 0.10.2.dev20260603
libtpu: 0.0.44.dev20260713+nightly
codegen_flags: <defaults>
</compile_context>

<pallas_src>
import functools

import jax
import jax.numpy as jnp
from jax import lax
from jax.experimental import pallas as pl
from jax.experimental.pallas import tpu as pltpu
from jax.experimental.pallas import tpu_sc as plsc

_NC = 2
_NS = 16
_NW = _NC * _NS
_D = 64
_L = 16
_RB = 4
_SCALE = 8.0


@functools.lru_cache(maxsize=None)
def _build(N, S):
    rows_per_w = N // _NW
    n_chunks = rows_per_w // _RB
    chunk_tok = _RB * S
    splits = []
    off = 0
    while off < S:
        n = min(128, S - off)
        splits.append((off, n))
        off += n
    mesh = plsc.VectorSubcoreMesh(
        core_axis_name="c", subcore_axis_name="s",
        num_cores=_NC, num_subcores=_NS)

    @functools.partial(
        pl.kernel,
        out_type=jax.ShapeDtypeStruct((N, S, 2 * _D), jnp.float32),
        mesh=mesh,
        scratch_types=[
            pltpu.VMEM((rows_per_w, S), jnp.int32),
            pltpu.VMEM((_RB, S, _D), jnp.float32),
            pltpu.VMEM((_RB, S, _D), jnp.float32),
            pltpu.SemaphoreType.DMA,
            pltpu.SemaphoreType.DMA,
            pltpu.SemaphoreType.DMA,
            pltpu.SemaphoreType.DMA,
        ],
        compiler_params=pltpu.CompilerParams(use_tc_tiling_on_sc=False),
    )
    def k(tok_hbm, table_hbm, out_hbm, idx_v, rows0, rows1, g0, g1, s0, s1):
        wid = lax.axis_index("s") * _NC + lax.axis_index("c")
        base = wid * rows_per_w
        rows = (rows0, rows1)
        gsems = (g0, g1)
        ssems = (s0, s1)

        pltpu.sync_copy(tok_hbm.at[pl.ds(base, rows_per_w)], idx_v)

        def fire_gather(kc, b):
            for rb in range(_RB):
                for off, n in splits:
                    pltpu.async_copy(
                        table_hbm.at[idx_v.at[kc * _RB + rb, pl.ds(off, n)]],
                        rows[b].at[rb, pl.ds(off, n)], gsems[b])

        def drain_gather(b):
            pltpu.make_async_copy(out_hbm.at[pl.ds(base, _RB),
                                             pl.ds(0, S), pl.ds(0, _D)],
                                  rows[b], gsems[b]).wait()

        def fire_scatter(kc, b):
            pltpu.async_copy(rows[b],
                             out_hbm.at[pl.ds(base + kc * _RB, _RB),
                                        pl.ds(0, S), pl.ds(0, _D)],
                             ssems[b])

        def drain_scatter(b):
            pltpu.make_async_copy(rows[b],
                                  out_hbm.at[pl.ds(base, _RB),
                                             pl.ds(0, S), pl.ds(0, _D)],
                                  ssems[b]).wait()

        def scale(b):
            for rb in range(_RB):
                @plsc.parallel_loop(0, S, unroll=8)
                def _scale(r):
                    for c in range(_D // _L):
                        sl = pl.ds(c * _L, _L)
                        rows[b][rb, r, sl] = rows[b][rb, r, sl] * _SCALE

        fire_gather(0, 0)

        @pl.loop(0, n_chunks, step=2)
        def _chunk(k0):
            for b in (0, 1):
                kc = k0 + b

                @pl.when(kc + 1 < n_chunks)
                def _prefetch():
                    @pl.when(kc >= 1)
                    def _reuse():
                        drain_scatter(1 - b)
                    fire_gather(kc + 1, 1 - b)

                drain_gather(b)
                scale(b)
                fire_scatter(kc, b)

        drain_scatter(0)
        drain_scatter(1)

    return k


def kernel(tokens, embedding_weight):
    n, s = tokens.shape
    v, d = embedding_weight.shape
    wpad = jnp.pad(embedding_weight, ((0, 0), (0, d))).reshape(2 * v, d)
    out = _build(n, s)(tokens.astype(jnp.int32) * 2, wpad)
    return out[:, :, :_D]

# --- scband reference (transcript-rebuilt; emitter-appended) ---
"""Pipeline reference for scband-token-embedding-13237089206916 (READ-ONLY COPY).

The authoritative reference and input builder live on the scoring server;
editing this copy changes nothing except your own understanding.
"""

import jax, jax.numpy as jnp
import numpy as np
import math

CHARSET_SIZE = 1000000
EMBED_DIM = 64

def setup_inputs(seed: int = 0) -> dict:
    key = jax.random.key(seed)
    k_tok, k_emb = jax.random.split(key)
    tokens = jax.random.randint(k_tok, (4096, 200), 0, CHARSET_SIZE, dtype=jnp.int64 if jax.config.jax_enable_x64 else jnp.int32)
    embedding_weight = jax.random.normal(k_emb, (CHARSET_SIZE, EMBED_DIM), dtype=jnp.float32)
    return {"tokens": tokens, "embedding_weight": embedding_weight}

def reference(tokens, embedding_weight):
    # Faithful translation of TokenEmbedding.forward:
    # math.sqrt(embed_dim) * nn.Embedding(tokens)
    emb = jnp.take(embedding_weight, tokens, axis=0)
    return math.sqrt(EMBED_DIM) * emb

if __name__ == "__main__":
    import jax
    _d = setup_inputs()
    print(jax.jit(kernel)(*tuple(_d.values())))

</pallas_src>

<mosaic_0001>
#map = affine_map<(d0, d1) -> (0, 0)>
#map1 = affine_map<(d0, d1) -> (0, 0, 0)>
module attributes {stable_mosaic.version = 14 : i64} {
  func.func @k(%arg0: i32, %arg1: i32, %arg2: memref<4096x200xi32, #tpu.memory_space<hbm>>, %arg3: memref<2000000x64xf32, #tpu.memory_space<hbm>>, %arg4: memref<4096x200x128xf32, #tpu.memory_space<hbm>>, %arg5: memref<128x200xi32, #tpu.memory_space<vmem>>, %arg6: memref<4x200x64xf32, #tpu.memory_space<vmem>>, %arg7: memref<4x200x64xf32, #tpu.memory_space<vmem>>, %arg8: memref<!tpu.dma_semaphore, #tpu.memory_space<semaphore_mem>>, %arg9: memref<!tpu.dma_semaphore, #tpu.memory_space<semaphore_mem>>, %arg10: memref<!tpu.dma_semaphore, #tpu.memory_space<semaphore_mem>>, %arg11: memref<!tpu.dma_semaphore, #tpu.memory_space<semaphore_mem>>) attributes {dimension_semantics = [#tpu.dimension_semantics<core_parallel>, #tpu.dimension_semantics<subcore_parallel>], iteration_bounds = array<i64: 2, 16>, scalar_prefetch = 0 : i64, scratch_operands = 7 : i64, tpu.core_type = #tpu.core_type<sc_vector_subcore>, window_params = [{transform_indices = #map}, {transform_indices = #map}, {transform_indices = #map1}]} {
    %mul3A = arith.constant 2 : i32
    %mul3A_0 = arith.muli %arg1, %mul3A : i32
    %add3A = arith.addi %mul3A_0, %arg0 : i32
    %mul3A_1 = arith.constant 128 : i32
    %mul3A_2 = arith.muli %add3A, %mul3A_1 : i32
    "tpu.region"() ({
      %run_scoped3A = tpu.sem_alloc : memref<!tpu.dma_semaphore, #tpu.memory_space<semaphore_mem>>
      %dma_start3A_113 = arith.constant 0 : i32
      %dma_start3A_114 = tpu.memref_slice %arg2[%mul3A_2, %dma_start3A_113] : memref<4096x200xi32, #tpu.memory_space<hbm>> -> memref<128x200xi32, #tpu.memory_space<hbm>>
      %dma_start3A_115 = arith.constant 0 : i32
      %dma_start3A_116 = tpu.memref_slice %arg2[%mul3A_2, %dma_start3A_115] : memref<4096x200xi32, #tpu.memory_space<hbm>> -> memref<128x200xi32, #tpu.memory_space<hbm>>
      tpu.enqueue_dma source(%dma_start3A_116 : memref<128x200xi32, #tpu.memory_space<hbm>>) target(%arg5 : memref<128x200xi32, #tpu.memory_space<vmem>>) target_semaphore(%run_scoped3A : memref<!tpu.dma_semaphore, #tpu.memory_space<semaphore_mem>>)
      %dma_wait3A_117 = arith.constant 0 : i32
      %dma_wait3A_118 = tpu.memref_slice %arg2[%mul3A_2, %dma_wait3A_117] : memref<4096x200xi32, #tpu.memory_space<hbm>> -> memref<128x200xi32, #tpu.memory_space<hbm>>
      %dma_wait3A_119 = arith.constant 0 : i32
      %dma_wait3A_120 = tpu.memref_slice %arg2[%mul3A_2, %dma_wait3A_119] : memref<4096x200xi32, #tpu.memory_space<hbm>> -> memref<128x200xi32, #tpu.memory_space<hbm>>
      tpu.wait_dma2 semaphore(%run_scoped3A : memref<!tpu.dma_semaphore, #tpu.memory_space<semaphore_mem>>) src(%dma_wait3A_120 : memref<128x200xi32, #tpu.memory_space<hbm>>) dst(%arg5 : memref<128x200xi32, #tpu.memory_space<vmem>>)
      tpu.yield
    }) : () -> ()
    %dma_start3A = arith.constant 0 : i32
    %dma_start3A_3 = arith.constant 0 : i32
    %dma_start3A_4 = arith.constant 0 : i32
    %dma_start3A_5 = arith.constant 0 : i32
    %dma_start3A_6 = tpu.memref_slice %arg6[%dma_start3A_3, %dma_start3A_4, %dma_start3A_5] : memref<4x200x64xf32, #tpu.memory_space<vmem>> -> memref<1x128x64xf32, #tpu.memory_space<vmem>>
    %dma_start3A_7 = tpu.memref_squeeze %dma_start3A_6 : memref<1x128x64xf32, #tpu.memory_space<vmem>> -> memref<128x64xf32, #tpu.memory_space<vmem>>
    %dma_start3A_8 = arith.constant 0 : i32
    %dma_start3A_9 = tpu.memref_slice %arg5[%dma_start3A, %dma_start3A_8] : memref<128x200xi32, #tpu.memory_space<vmem>> -> memref<1x128xi32, #tpu.memory_space<vmem>>
    %dma_start3A_10 = tpu.memref_squeeze %dma_start3A_9 : memref<1x128xi32, #tpu.memory_space<vmem>> -> memref<128xi32, #tpu.memory_space<vmem>>
    %dma_start3A_11 = arith.constant 0 : i32
    %dma_start3A_12 = arith.constant 0 : i32
    %dma_start3A_13 = tpu.memref_slice %arg3[%dma_start3A_11, %dma_start3A_12] : memref<2000000x64xf32, #tpu.memory_space<hbm>> -> memref<2000000x64xf32, #tpu.memory_space<hbm>>
    tpu.enqueue_indirect_dma source(%dma_start3A_13 : memref<2000000x64xf32, #tpu.memory_space<hbm>>) target(%dma_start3A_7 : memref<128x64xf32, #tpu.memory_space<vmem>>) offsets(%dma_start3A_10 : memref<128xi32, #tpu.memory_space<vmem>>) semaphore(%arg8 : memref<!tpu.dma_semaphore, #tpu.memory_space<semaphore_mem>>)
    %dma_start3A_14 = arith.constant 0 : i32
    %dma_start3A_15 = arith.constant 0 : i32
    %dma_start3A_16 = arith.constant 128 : i32
    %dma_start3A_17 = arith.constant 0 : i32
    %dma_start3A_18 = tpu.memref_slice %arg6[%dma_start3A_15, %dma_start3A_16, %dma_start3A_17] : memref<4x200x64xf32, #tpu.memory_space<vmem>> -> memref<1x72x64xf32, #tpu.memory_space<vmem>>
    %dma_start3A_19 = tpu.memref_squeeze %dma_start3A_18 : memref<1x72x64xf32, #tpu.memory_space<vmem>> -> memref<72x64xf32, #tpu.memory_space<vmem>>
    %dma_start3A_20 = arith.constant 128 : i32
    %dma_start3A_21 = tpu.memref_slice %arg5[%dma_start3A_14, %dma_start3A_20] : memref<128x200xi32, #tpu.memory_space<vmem>> -> memref<1x72xi32, #tpu.memory_space<vmem>>
    %dma_start3A_22 = tpu.memref_squeeze %dma_start3A_21 : memref<1x72xi32, #tpu.memory_space<vmem>> -> memref<72xi32, #tpu.memory_space<vmem>>
    %dma_start3A_23 = arith.constant 0 : i32
    %dma_start3A_24 = arith.constant 0 : i32
    %dma_start3A_25 = tpu.memref_slice %arg3[%dma_start3A_23, %dma_start3A_24] : memref<2000000x64xf32, #tpu.memory_space<hbm>> -> memref<2000000x64xf32, #tpu.memory_space<hbm>>
    tpu.enqueue_indirect_dma source(%dma_start3A_25 : memref<2000000x64xf32, #tpu.memory_space<hbm>>) target(%dma_start3A_19 : memref<72x64xf32, #tpu.memory_space<vmem>>) offsets(%dma_start3A_22 : memref<72xi32, #tpu.memory_space<vmem>>) semaphore(%arg8 : memref<!tpu.dma_semaphore, #tpu.memory_space<semaphore_mem>>)
    %dma_start3A_26 = arith.constant 1 : i32
    %dma_start3A_27 = arith.constant 1 : i32
    %dma_start3A_28 = arith.constant 0 : i32
    %dma_start3A_29 = arith.constant 0 : i32
    %dma_start3A_30 = tpu.memref_slice %arg6[%dma_start3A_27, %dma_start3A_28, %dma_start3A_29] : memref<4x200x64xf32, #tpu.memory_space<vmem>> -> memref<1x128x64xf32, #tpu.memory_space<vmem>>
    %dma_start3A_31 = tpu.memref_squeeze %dma_start3A_30 : memref<1x128x64xf32, #tpu.memory_space<vmem>> -> memref<128x64xf32, #tpu.memory_space<vmem>>
    %dma_start3A_32 = arith.constant 0 : i32
    %dma_start3A_33 = tpu.memref_slice %arg5[%dma_start3A_26, %dma_start3A_32] : memref<128x200xi32, #tpu.memory_space<vmem>> -> memref<1x128xi32, #tpu.memory_space<vmem>>
    %dma_start3A_34 = tpu.memref_squeeze %dma_start3A_33 : memref<1x128xi32, #tpu.memory_space<vmem>> -> memref<128xi32, #tpu.memory_space<vmem>>
    %dma_start3A_35 = arith.constant 0 : i32
    %dma_start3A_36 = arith.constant 0 : i32
    %dma_start3A_37 = tpu.memref_slice %arg3[%dma_start3A_35, %dma_start3A_36] : memref<2000000x64xf32, #tpu.memory_space<hbm>> -> memref<2000000x64xf32, #tpu.memory_space<hbm>>
    tpu.enqueue_indirect_dma source(%dma_start3A_37 : memref<2000000x64xf32, #tpu.memory_space<hbm>>) target(%dma_start3A_31 : memref<128x64xf32, #tpu.memory_space<vmem>>) offsets(%dma_start3A_34 : memref<128xi32, #tpu.memory_space<vmem>>) semaphore(%arg8 : memref<!tpu.dma_semaphore, #tpu.memory_space<semaphore_mem>>)
    %dma_start3A_38 = arith.constant 1 : i32
    %dma_start3A_39 = arith.constant 1 : i32
    %dma_start3A_40 = arith.constant 128 : i32
    %dma_start3A_41 = arith.constant 0 : i32
    %dma_start3A_42 = tpu.memref_slice %arg6[%dma_start3A_39, %dma_start3A_40, %dma_start3A_41] : memref<4x200x64xf32, #tpu.memory_space<vmem>> -> memref<1x72x64xf32, #tpu.memory_space<vmem>>
    %dma_start3A_43 = tpu.memref_squeeze %dma_start3A_42 : memref<1x72x64xf32, #tpu.memory_space<vmem>> -> memref<72x64xf32, #tpu.memory_space<vmem>>
    %dma_start3A_44 = arith.constant 128 : i32
    %dma_start3A_45 = tpu.memref_slice %arg5[%dma_start3A_38, %dma_start3A_44] : memref<128x200xi32, #tpu.memory_space<vmem>> -> memref<1x72xi32, #tpu.memory_space<vmem>>
    %dma_start3A_46 = tpu.memref_squeeze %dma_start3A_45 : memref<1x72xi32, #tpu.memory_space<vmem>> -> memref<72xi32, #tpu.memory_space<vmem>>
    %dma_start3A_47 = arith.constant 0 : i32
    %dma_start3A_48 = arith.constant 0 : i32
    %dma_start3A_49 = tpu.memref_slice %arg3[%dma_start3A_47, %dma_start3A_48] : memref<2000000x64xf32, #tpu.memory_space<hbm>> -> memref<2000000x64xf32, #tpu.memory_space<hbm>>
    tpu.enqueue_indirect_dma source(%dma_start3A_49 : memref<2000000x64xf32, #tpu.memory_space<hbm>>) target(%dma_start3A_43 : memref<72x64xf32, #tpu.memory_space<vmem>>) offsets(%dma_start3A_46 : memref<72xi32, #tpu.memory_space<vmem>>) semaphore(%arg8 : memref<!tpu.dma_semaphore, #tpu.memory_space<semaphore_mem>>)
    %dma_start3A_50 = arith.constant 2 : i32
    %dma_start3A_51 = arith.constant 2 : i32
    %dma_start3A_52 = arith.constant 0 : i32
    %dma_start3A_53 = arith.constant 0 : i32
    %dma_start3A_54 = tpu.memref_slice %arg6[%dma_start3A_51, %dma_start3A_52, %dma_start3A_53] : memref<4x200x64xf32, #tpu.memory_space<vmem>> -> memref<1x128x64xf32, #tpu.memory_space<vmem>>
    %dma_start3A_55 = tpu.memref_squeeze %dma_start3A_54 : memref<1x128x64xf32, #tpu.memory_space<vmem>> -> memref<128x64xf32, #tpu.memory_space<vmem>>
    %dma_start3A_56 = arith.constant 0 : i32
    %dma_start3A_57 = tpu.memref_slice %arg5[%dma_start3A_50, %dma_start3A_56] : memref<128x200xi32, #tpu.memory_space<vmem>> -> memref<1x128xi32, #tpu.memory_space<vmem>>
    %dma_start3A_58 = tpu.memref_squeeze %dma_start3A_57 : memref<1x128xi32, #tpu.memory_space<vmem>> -> memref<128xi32, #tpu.memory_space<vmem>>
    %dma_start3A_59 = arith.constant 0 : i32
    %dma_start3A_60 = arith.constant 0 : i32
    %dma_start3A_61 = tpu.memref_slice %arg3[%dma_start3A_59, %dma_start3A_60] : memref<2000000x64xf32, #tpu.memory_space<hbm>> -> memref<2000000x64xf32, #tpu.memory_space<hbm>>
    tpu.enqueue_indirect_dma source(%dma_start3A_61 : memref<2000000x64xf32, #tpu.memory_space<hbm>>) target(%dma_start3A_55 : memref<128x64xf32, #tpu.memory_space<vmem>>) offsets(%dma_start3A_58 : memref<128xi32, #tpu.memory_space<vmem>>) semaphore(%arg8 : memref<!tpu.dma_semaphore, #tpu.memory_space<semaphore_mem>>)
    %dma_start3A_62 = arith.constant 2 : i32
    %dma_start3A_63 = arith.constant 2 : i32
    %dma_start3A_64 = arith.constant 128 : i32
    %dma_start3A_65 = arith.constant 0 : i32
    %dma_start3A_66 = tpu.memref_slice %arg6[%dma_start3A_63, %dma_start3A_64, %dma_start3A_65] : memref<4x200x64xf32, #tpu.memory_space<vmem>> -> memref<1x72x64xf32, #tpu.memory_space<vmem>>
    %dma_start3A_67 = tpu.memref_squeeze %dma_start3A_66 : memref<1x72x64xf32, #tpu.memory_space<vmem>> -> memref<72x64xf32, #tpu.memory_space<vmem>>
    %dma_start3A_68 = arith.constant 128 : i32
    %dma_start3A_69 = tpu.memref_slice %arg5[%dma_start3A_62, %dma_start3A_68] : memref<128x200xi32, #tpu.memory_space<vmem>> -> memref<1x72xi32, #tpu.memory_space<vmem>>
    %dma_start3A_70 = tpu.memref_squeeze %dma_start3A_69 : memref<1x72xi32, #tpu.memory_space<vmem>> -> memref<72xi32, #tpu.memory_space<vmem>>
    %dma_start3A_71 = arith.constant 0 : i32
    %dma_start3A_72 = arith.constant 0 : i32
    %dma_start3A_73 = tpu.memref_slice %arg3[%dma_start3A_71, %dma_start3A_72] : memref<2000000x64xf32, #tpu.memory_space<hbm>> -> memref<2000000x64xf32, #tpu.memory_space<hbm>>
    tpu.enqueue_indirect_dma source(%dma_start3A_73 : memref<2000000x64xf32, #tpu.memory_space<hbm>>) target(%dma_start3A_67 : memref<72x64xf32, #tpu.memory_space<vmem>>) offsets(%dma_start3A_70 : memref<72xi32, #tpu.memory_space<vmem>>) semaphore(%arg8 : memref<!tpu.dma_semaphore, #tpu.memory_space<semaphore_mem>>)
    %dma_start3A_74 = arith.constant 3 : i32
    %dma_start3A_75 = arith.constant 3 : i32
    %dma_start3A_76 = arith.constant 0 : i32
    %dma_start3A_77 = arith.constant 0 : i32
    %dma_start3A_78 = tpu.memref_slice %arg6[%dma_start3A_75, %dma_start3A_76, %dma_start3A_77] : memref<4x200x64xf32, #tpu.memory_space<vmem>> -> memref<1x128x64xf32, #tpu.memory_space<vmem>>
    %dma_start3A_79 = tpu.memref_squeeze %dma_start3A_78 : memref<1x128x64xf32, #tpu.memory_space<vmem>> -> memref<128x64xf32, #tpu.memory_space<vmem>>
    %dma_start3A_80 = arith.constant 0 : i32
    %dma_start3A_81 = tpu.memref_slice %arg5[%dma_start3A_74, %dma_start3A_80] : memref<128x200xi32, #tpu.memory_space<vmem>> -> memref<1x128xi32, #tpu.memory_space<vmem>>
    %dma_start3A_82 = tpu.memref_squeeze %dma_start3A_81 : memref<1x128xi32, #tpu.memory_space<vmem>> -> memref<128xi32, #tpu.memory_space<vmem>>
    %dma_start3A_83 = arith.constant 0 : i32
    %dma_start3A_84 = arith.constant 0 : i32
    %dma_start3A_85 = tpu.memref_slice %arg3[%dma_start3A_83, %dma_start3A_84] : memref<2000000x64xf32, #tpu.memory_space<hbm>> -> memref<2000000x64xf32, #tpu.memory_space<hbm>>
    tpu.enqueue_indirect_dma source(%dma_start3A_85 : memref<2000000x64xf32, #tpu.memory_space<hbm>>) target(%dma_start3A_79 : memref<128x64xf32, #tpu.memory_space<vmem>>) offsets(%dma_start3A_82 : memref<128xi32, #tpu.memory_space<vmem>>) semaphore(%arg8 : memref<!tpu.dma_semaphore, #tpu.memory_space<semaphore_mem>>)
    %dma_start3A_86 = arith.constant 3 : i32
    %dma_start3A_87 = arith.constant 3 : i32
    %dma_start3A_88 = arith.constant 128 : i32
    %dma_start3A_89 = arith.constant 0 : i32
    %dma_start3A_90 = tpu.memref_slice %arg6[%dma_start3A_87, %dma_start3A_88, %dma_start3A_89] : memref<4x200x64xf32, #tpu.memory_space<vmem>> -> memref<1x72x64xf32, #tpu.memory_space<vmem>>
    %dma_start3A_91 = tpu.memref_squeeze %dma_start3A_90 : memref<1x72x64xf32, #tpu.memory_space<vmem>> -> memref<72x64xf32, #tpu.memory_space<vmem>>
    %dma_start3A_92 = arith.constant 128 : i32
    %dma_start3A_93 = tpu.memref_slice %arg5[%dma_start3A_86, %dma_start3A_92] : memref<128x200xi32, #tpu.memory_space<vmem>> -> memref<1x72xi32, #tpu.memory_space<vmem>>
    %dma_start3A_94 = tpu.memref_squeeze %dma_start3A_93 : memref<1x72xi32, #tpu.memory_space<vmem>> -> memref<72xi32, #tpu.memory_space<vmem>>
    %dma_start3A_95 = arith.constant 0 : i32
    %dma_start3A_96 = arith.constant 0 : i32
    %dma_start3A_97 = tpu.memref_slice %arg3[%dma_start3A_95, %dma_start3A_96] : memref<2000000x64xf32, #tpu.memory_space<hbm>> -> memref<2000000x64xf32, #tpu.memory_space<hbm>>
    tpu.enqueue_indirect_dma source(%dma_start3A_97 : memref<2000000x64xf32, #tpu.memory_space<hbm>>) target(%dma_start3A_91 : memref<72x64xf32, #tpu.memory_space<vmem>>) offsets(%dma_start3A_94 : memref<72xi32, #tpu.memory_space<vmem>>) semaphore(%arg8 : memref<!tpu.dma_semaphore, #tpu.memory_space<semaphore_mem>>)
    %scan3A = arith.constant 0 : i32
    %scan3A_98 = arith.constant 16 : i32
    %scan3A_99 = arith.addi %scan3A, %scan3A_98 : i32
    %scan3A_100 = arith.constant 1 : i32
    scf.for %scan3A_113 = %scan3A to %scan3A_99 step %scan3A_100  : i32 {
      %mul3A_114 = arith.constant 2 : i32
      %mul3A_115 = arith.muli %scan3A_113, %mul3A_114 : i32
      %add3A_116 = arith.constant 0 : i32
      %add3A_117 = arith.addi %add3A_116, %mul3A_115 : i32
      %add3A_118 = arith.constant 0 : i32
      %add3A_119 = arith.addi %add3A_117, %add3A_118 : i32
      %add3A_120 = arith.constant 1 : i32
      %add3A_121 = arith.addi %add3A_119, %add3A_120 : i32
      %lt3A = arith.constant 32 : i32
      %lt3A_122 = arith.cmpi slt, %add3A_121, %lt3A : i32
      %convert_element_type3A = arith.extui %lt3A_122 : i1 to i32
      %cond3A = arith.constant 0 : i32
      %cond3A_123 = arith.cmpi ne, %convert_element_type3A, %cond3A : i32
      scf.if %cond3A_123 {
        %ge3A = arith.constant 1 : i32
        %ge3A_186 = arith.cmpi sge, %add3A_119, %ge3A : i32
        %convert_element_type3A_187 = arith.extui %ge3A_186 : i1 to i32
        %cond3A_188 = arith.constant 0 : i32
        %cond3A_189 = arith.cmpi ne, %convert_element_type3A_187, %cond3A_188 : i32
        scf.if %cond3A_189 {
          %dma_wait3A_312 = arith.constant 0 : i32
          %dma_wait3A_313 = arith.constant 0 : i32
          %dma_wait3A_314 = tpu.memref_slice %arg4[%mul3A_2, %dma_wait3A_312, %dma_wait3A_313] : memref<4096x200x128xf32, #tpu.memory_space<hbm>> -> memref<4x200x64xf32, #tpu.memory_space<hbm>>
          %dma_wait3A_315 = arith.constant 0 : i32
          %dma_wait3A_316 = arith.constant 0 : i32
          %dma_wait3A_317 = tpu.memref_slice %arg4[%mul3A_2, %dma_wait3A_315, %dma_wait3A_316] : memref<4096x200x128xf32, #tpu.memory_space<hbm>> -> memref<4x200x64xf32, #tpu.memory_space<hbm>>
          tpu.wait_dma2 semaphore(%arg11 : memref<!tpu.dma_semaphore, #tpu.memory_space<semaphore_mem>>) src(%arg7 : memref<4x200x64xf32, #tpu.memory_space<vmem>>) dst(%dma_wait3A_317 : memref<4x200x64xf32, #tpu.memory_space<hbm>>)
        } else {
        }
        %add3A_190 = arith.constant 1 : i32
        %add3A_191 = arith.addi %add3A_119, %add3A_190 : i32
        %mul3A_192 = arith.constant 4 : i32
        %mul3A_193 = arith.muli %add3A_191, %mul3A_192 : i32
        %add3A_194 = arith.constant 0 : i32
        %add3A_195 = arith.addi %mul3A_193, %add3A_194 : i32
        %dma_start3A_196 = arith.constant 0 : i32
        %dma_start3A_197 = arith.constant 0 : i32
        %dma_start3A_198 = arith.constant 0 : i32
        %dma_start3A_199 = tpu.memref_slice %arg7[%dma_start3A_196, %dma_start3A_197, %dma_start3A_198] : memref<4x200x64xf32, #tpu.memory_space<vmem>> -> memref<1x128x64xf32, #tpu.memory_space<vmem>>
        %dma_start3A_200 = tpu.memref_squeeze %dma_start3A_199 : memref<1x128x64xf32, #tpu.memory_space<vmem>> -> memref<128x64xf32, #tpu.memory_space<vmem>>
        %dma_start3A_201 = arith.constant 0 : i32
        %dma_start3A_202 = tpu.memref_slice %arg5[%add3A_195, %dma_start3A_201] : memref<128x200xi32, #tpu.memory_space<vmem>> -> memref<1x128xi32, #tpu.memory_space<vmem>>
        %dma_start3A_203 = tpu.memref_squeeze %dma_start3A_202 : memref<1x128xi32, #tpu.memory_space<vmem>> -> memref<128xi32, #tpu.memory_space<vmem>>
        %dma_start3A_204 = arith.constant 0 : i32
        %dma_start3A_205 = arith.constant 0 : i32
        %dma_start3A_206 = tpu.memref_slice %arg3[%dma_start3A_204, %dma_start3A_205] : memref<2000000x64xf32, #tpu.memory_space<hbm>> -> memref<2000000x64xf32, #tpu.memory_space<hbm>>
        tpu.enqueue_indirect_dma source(%dma_start3A_206 : memref<2000000x64xf32, #tpu.memory_space<hbm>>) target(%dma_start3A_200 : memref<128x64xf32, #tpu.memory_space<vmem>>) offsets(%dma_start3A_203 : memref<128xi32, #tpu.memory_space<vmem>>) semaphore(%arg9 : memref<!tpu.dma_semaphore, #tpu.memory_space<semaphore_mem>>)
        %mul3A_207 = arith.constant 4 : i32
        %mul3A_208 = arith.muli %add3A_191, %mul3A_207 : i32
        %add3A_209 = arith.constant 0 : i32
        %add3A_210 = arith.addi %mul3A_208, %add3A_209 : i32
        %dma_start3A_211 = arith.constant 0 : i32
        %dma_start3A_212 = arith.constant 128 : i32
        %dma_start3A_213 = arith.constant 0 : i32
        %dma_start3A_214 = tpu.memref_slice %arg7[%dma_start3A_211, %dma_start3A_212, %dma_start3A_213] : memref<4x200x64xf32, #tpu.memory_space<vmem>> -> memref<1x72x64xf32, #tpu.memory_space<vmem>>
        %dma_start3A_215 = tpu.memref_squeeze %dma_start3A_214 : memref<1x72x64xf32, #tpu.memory_space<vmem>> -> memref<72x64xf32, #tpu.memory_space<vmem>>
        %dma_start3A_216 = arith.constant 128 : i32
        %dma_start3A_217 = tpu.memref_slice %arg5[%add3A_210, %dma_start3A_216] : memref<128x200xi32, #tpu.memory_space<vmem>> -> memref<1x72xi32, #tpu.memory_space<vmem>>
        %dma_start3A_218 = tpu.memref_squeeze %dma_start3A_217 : memref<1x72xi32, #tpu.memory_space<vmem>> -> memref<72xi32, #tpu.memory_space<vmem>>
        %dma_start3A_219 = arith.constant 0 : i32
        %dma_start3A_220 = arith.constant 0 : i32
        %dma_start3A_221 = tpu.memref_slice %arg3[%dma_start3A_219, %dma_start3A_220] : memref<2000000x64xf32, #tpu.memory_space<hbm>> -> memref<2000000x64xf32, #tpu.memory_space<hbm>>
        tpu.enqueue_indirect_dma source(%dma_start3A_221 : memref<2000000x64xf32, #tpu.memory_space<hbm>>) target(%dma_start3A_215 : memref<72x64xf32, #tpu.memory_space<vmem>>) offsets(%dma_start3A_218 : memref<72xi32, #tpu.memory_space<vmem>>) semaphore(%arg9 : memref<!tpu.dma_semaphore, #tpu.memory_space<semaphore_mem>>)
        %mul3A_222 = arith.constant 4 : i32
        %mul3A_223 = arith.muli %add3A_191, %mul3A_222 : i32
        %add3A_224 = arith.constant 1 : i32
        %add3A_225 = arith.addi %mul3A_223, %add3A_224 : i32
        %dma_start3A_226 = arith.constant 1 : i32
        %dma_start3A_227 = arith.constant 0 : i32
        %dma_start3A_228 = arith.constant 0 : i32
        %dma_start3A_229 = tpu.memref_slice %arg7[%dma_start3A_226, %dma_start3A_227, %dma_start3A_228] : memref<4x200x64xf32, #tpu.memory_space<vmem>> -> memref<1x128x64xf32, #tpu.memory_space<vmem>>
        %dma_start3A_230 = tpu.memref_squeeze %dma_start3A_229 : memref<1x128x64xf32, #tpu.memory_space<vmem>> -> memref<128x64xf32, #tpu.memory_space<vmem>>
        %dma_start3A_231 = arith.constant 0 : i32
        %dma_start3A_232 = tpu.memref_slice %arg5[%add3A_225, %dma_start3A_231] : memref<128x200xi32, #tpu.memory_space<vmem>> -> memref<1x128xi32, #tpu.memory_space<vmem>>
        %dma_start3A_233 = tpu.memref_squeeze %dma_start3A_232 : memref<1x128xi32, #tpu.memory_space<vmem>> -> memref<128xi32, #tpu.memory_space<vmem>>
        %dma_start3A_234 = arith.constant 0 : i32
        %dma_start3A_235 = arith.constant 0 : i32
        %dma_start3A_236 = tpu.memref_slice %arg3[%dma_start3A_234, %dma_start3A_235] : memref<2000000x64xf32, #tpu.memory_space<hbm>> -> memref<2000000x64xf32, #tpu.memory_space<hbm>>
        tpu.enqueue_indirect_dma source(%dma_start3A_236 : memref<2000000x64xf32, #tpu.memory_space<hbm>>) target(%dma_start3A_230 : memref<128x64xf32, #tpu.memory_space<vmem>>) offsets(%dma_start3A_233 : memref<128xi32, #tpu.memory_space<vmem>>) semaphore(%arg9 : memref<!tpu.dma_semaphore, #tpu.memory_space<semaphore_mem>>)
        %mul3A_237 = arith.constant 4 : i32
        %mul3A_238 = arith.muli %add3A_191, %mul3A_237 : i32
        %add3A_239 = arith.constant 1 : i32
        %add3A_240 = arith.addi %mul3A_238, %add3A_239 : i32
        %dma_start3A_241 = arith.constant 1 : i32
        %dma_start3A_242 = arith.constant 128 : i32
        %dma_start3A_243 = arith.constant 0 : i32
        %dma_start3A_244 = tpu.memref_slice %arg7[%dma_start3A_241, %dma_start3A_242, %dma_start3A_243] : memref<4x200x64xf32, #tpu.memory_space<vmem>> -> memref<1x72x64xf32, #tpu.memory_space<vmem>>
        %dma_start3A_245 = tpu.memref_squeeze %dma_start3A_244 : memref<1x72x64xf32, #tpu.memory_space<vmem>> -> memref<72x64xf32, #tpu.memory_space<vmem>>
        %dma_start3A_246 = arith.constant 128 : i32
        %dma_start3A_247 = tpu.memref_slice %arg5[%add3A_240, %dma_start3A_246] : memref<128x200xi32, #tpu.memory_space<vmem>> -> memref<1x72xi32, #tpu.memory_space<vmem>>
        %dma_start3A_248 = tpu.memref_squeeze %dma_start3A_247 : memref<1x72xi32, #tpu.memory_space<vmem>> -> memref<72xi32, #tpu.memory_space<vmem>>
        %dma_start3A_249 = arith.constant 0 : i32
        %dma_start3A_250 = arith.constant 0 : i32
        %dma_start3A_251 = tpu.memref_slice %arg3[%dma_start3A_249, %dma_start3A_250] : memref<2000000x64xf32, #tpu.memory_space<hbm>> -> memref<2000000x64xf32, #tpu.memory_space<hbm>>
        tpu.enqueue_indirect_dma source(%dma_start3A_251 : memref<2000000x64xf32, #tpu.memory_space<hbm>>) target(%dma_start3A_245 : memref<72x64xf32, #tpu.memory_space<vmem>>) offsets(%dma_start3A_248 : memref<72xi32, #tpu.memory_space<vmem>>) semaphore(%arg9 : memref<!tpu.dma_semaphore, #tpu.memory_space<semaphore_mem>>)
        %mul3A_252 = arith.constant 4 : i32
        %mul3A_253 = arith.muli %add3A_191, %mul3A_252 : i32
        %add3A_254 = arith.constant 2 : i32
        %add3A_255 = arith.addi %mul3A_253, %add3A_254 : i32
        %dma_start3A_256 = arith.constant 2 : i32
        %dma_start3A_257 = arith.constant 0 : i32
        %dma_start3A_258 = arith.constant 0 : i32
        %dma_start3A_259 = tpu.memref_slice %arg7[%dma_start3A_256, %dma_start3A_257, %dma_start3A_258] : memref<4x200x64xf32, #tpu.memory_space<vmem>> -> memref<1x128x64xf32, #tpu.memory_space<vmem>>
        %dma_start3A_260 = tpu.memref_squeeze %dma_start3A_259 : memref<1x128x64xf32, #tpu.memory_space<vmem>> -> memref<128x64xf32, #tpu.memory_space<vmem>>
        %dma_start3A_261 = arith.constant 0 : i32
        %dma_start3A_262 = tpu.memref_slice %arg5[%add3A_255, %dma_start3A_261] : memref<128x200xi32, #tpu.memory_space<vmem>> -> memref<1x128xi32, #tpu.memory_space<vmem>>
        %dma_start3A_263 = tpu.memref_squeeze %dma_start3A_262 : memref<1x128xi32, #tpu.memory_space<vmem>> -> memref<128xi32, #tpu.memory_space<vmem>>
        %dma_start3A_264 = arith.constant 0 : i32
        %dma_start3A_265 = arith.constant 0 : i32
        %dma_start3A_266 = tpu.memref_slice %arg3[%dma_start3A_264, %dma_start3A_265] : memref<2000000x64xf32, #tpu.memory_space<hbm>> -> memref<2000000x64xf32, #tpu.memory_space<hbm>>
        tpu.enqueue_indirect_dma source(%dma_start3A_266 : memref<2000000x64xf32, #tpu.memory_space<hbm>>) target(%dma_start3A_260 : memref<128x64xf32, #tpu.memory_space<vmem>>) offsets(%dma_start3A_263 : memref<128xi32, #tpu.memory_space<vmem>>) semaphore(%arg9 : memref<!tpu.dma_semaphore, #tpu.memory_space<semaphore_mem>>)
        %mul3A_267 = arith.constant 4 : i32
        %mul3A_268 = arith.muli %add3A_191, %mul3A_267 : i32
        %add3A_269 = arith.constant 2 : i32
        %add3A_270 = arith.addi %mul3A_268, %add3A_269 : i32
        %dma_start3A_271 = arith.constant 2 : i32
        %dma_start3A_272 = arith.constant 128 : i32
        %dma_start3A_273 = arith.constant 0 : i32
        %dma_start3A_274 = tpu.memref_slice %arg7[%dma_start3A_271, %dma_start3A_272, %dma_start3A_273] : memref<4x200x64xf32, #tpu.memory_space<vmem>> -> memref<1x72x64xf32, #tpu.memory_space<vmem>>
        %dma_start3A_275 = tpu.memref_squeeze %dma_start3A_274 : memref<1x72x64xf32, #tpu.memory_space<vmem>> -> memref<72x64xf32, #tpu.memory_space<vmem>>
        %dma_start3A_276 = arith.constant 128 : i32
        %dma_start3A_277 = tpu.memref_slice %arg5[%add3A_270, %dma_start3A_276] : memref<128x200xi32, #tpu.memory_space<vmem>> -> memref<1x72xi32, #tpu.memory_space<vmem>>
        %dma_start3A_278 = tpu.memref_squeeze %dma_start3A_277 : memref<1x72xi32, #tpu.memory_space<vmem>> -> memref<72xi32, #tpu.memory_space<vmem>>
        %dma_start3A_279 = arith.constant 0 : i32
        %dma_start3A_280 = arith.constant 0 : i32
        %dma_start3A_281 = tpu.memref_slice %arg3[%dma_start3A_279, %dma_start3A_280] : memref<2000000x64xf32, #tpu.memory_space<hbm>> -> memref<2000000x64xf32, #tpu.memory_space<hbm>>
        tpu.enqueue_indirect_dma source(%dma_start3A_281 : memref<2000000x64xf32, #tpu.memory_space<hbm>>) target(%dma_start3A_275 : memref<72x64xf32, #tpu.memory_space<vmem>>) offsets(%dma_start3A_278 : memref<72xi32, #tpu.memory_space<vmem>>) semaphore(%arg9 : memref<!tpu.dma_semaphore, #tpu.memory_space<semaphore_mem>>)
        %mul3A_282 = arith.constant 4 : i32
        %mul3A_283 = arith.muli %add3A_191, %mul3A_282 : i32
        %add3A_284 = arith.constant 3 : i32
        %add3A_285 = arith.addi %mul3A_283, %add3A_284 : i32
        %dma_start3A_286 = arith.constant 3 : i32
        %dma_start3A_287 = arith.constant 0 : i32
        %dma_start3A_288 = arith.constant 0 : i32
        %dma_start3A_289 = tpu.memref_slice %arg7[%dma_start3A_286, %dma_start3A_287, %dma_start3A_288] : memref<4x200x64xf32, #tpu.memory_space<vmem>> -> memref<1x128x64xf32, #tpu.memory_space<vmem>>
        %dma_start3A_290 = tpu.memref_squeeze %dma_start3A_289 : memref<1x128x64xf32, #tpu.memory_space<vmem>> -> memref<128x64xf32, #tpu.memory_space<vmem>>
        %dma_start3A_291 = arith.constant 0 : i32
        %dma_start3A_292 = tpu.memref_slice %arg5[%add3A_285, %dma_start3A_291] : memref<128x200xi32, #tpu.memory_space<vmem>> -> memref<1x128xi32, #tpu.memory_space<vmem>>
        %dma_start3A_293 = tpu.memref_squeeze %dma_start3A_292 : memref<1x128xi32, #tpu.memory_space<vmem>> -> memref<128xi32, #tpu.memory_space<vmem>>
        %dma_start3A_294 = arith.constant 0 : i32
        %dma_start3A_295 = arith.constant 0 : i32
        %dma_start3A_296 = tpu.memref_slice %arg3[%dma_start3A_294, %dma_start3A_295] : memref<2000000x64xf32, #tpu.memory_space<hbm>> -> memref<2000000x64xf32, #tpu.memory_space<hbm>>
        tpu.enqueue_indirect_dma source(%dma_start3A_296 : memref<2000000x64xf32, #tpu.memory_space<hbm>>) target(%dma_start3A_290 : memref<128x64xf32, #tpu.memory_space<vmem>>) offsets(%dma_start3A_293 : memref<128xi32, #tpu.memory_space<vmem>>) semaphore(%arg9 : memref<!tpu.dma_semaphore, #tpu.memory_space<semaphore_mem>>)
        %mul3A_297 = arith.constant 4 : i32
        %mul3A_298 = arith.muli %add3A_191, %mul3A_297 : i32
        %add3A_299 = arith.constant 3 : i32
        %add3A_300 = arith.addi %mul3A_298, %add3A_299 : i32
        %dma_start3A_301 = arith.constant 3 : i32
        %dma_start3A_302 = arith.constant 128 : i32
        %dma_start3A_303 = arith.constant 0 : i32
        %dma_start3A_304 = tpu.memref_slice %arg7[%dma_start3A_301, %dma_start3A_302, %dma_start3A_303] : memref<4x200x64xf32, #tpu.memory_space<vmem>> -> memref<1x72x64xf32, #tpu.memory_space<vmem>>
        %dma_start3A_305 = tpu.memref_squeeze %dma_start3A_304 : memref<1x72x64xf32, #tpu.memory_space<vmem>> -> memref<72x64xf32, #tpu.memory_space<vmem>>
        %dma_start3A_306 = arith.constant 128 : i32
        %dma_start3A_307 = tpu.memref_slice %arg5[%add3A_300, %dma_start3A_306] : memref<128x200xi32, #tpu.memory_space<vmem>> -> memref<1x72xi32, #tpu.memory_space<vmem>>
        %dma_start3A_308 = tpu.memref_squeeze %dma_start3A_307 : memref<1x72xi32, #tpu.memory_space<vmem>> -> memref<72xi32, #tpu.memory_space<vmem>>
        %dma_start3A_309 = arith.constant 0 : i32
        %dma_start3A_310 = arith.constant 0 : i32
        %dma_start3A_311 = tpu.memref_slice %arg3[%dma_start3A_309, %dma_start3A_310] : memref<2000000x64xf32, #tpu.memory_space<hbm>> -> memref<2000000x64xf32, #tpu.memory_space<hbm>>
        tpu.enqueue_indirect_dma source(%dma_start3A_311 : memref<2000000x64xf32, #tpu.memory_space<hbm>>) target(%dma_start3A_305 : memref<72x64xf32, #tpu.memory_space<vmem>>) offsets(%dma_start3A_308 : memref<72xi32, #tpu.memory_space<vmem>>) semaphore(%arg9 : memref<!tpu.dma_semaphore, #tpu.memory_space<semaphore_mem>>)
      } else {
      }
      %dma_wait3A_124 = arith.constant 0 : i32
      %dma_wait3A_125 = arith.constant 0 : i32
      %dma_wait3A_126 = tpu.memref_slice %arg4[%mul3A_2, %dma_wait3A_124, %dma_wait3A_125] : memref<4096x200x128xf32, #tpu.memory_space<hbm>> -> memref<4x200x64xf32, #tpu.memory_space<hbm>>
      %dma_wait3A_127 = arith.constant 0 : i32
      %dma_wait3A_128 = arith.constant 0 : i32
      %dma_wait3A_129 = tpu.memref_slice %arg4[%mul3A_2, %dma_wait3A_127, %dma_wait3A_128] : memref<4096x200x128xf32, #tpu.memory_space<hbm>> -> memref<4x200x64xf32, #tpu.memory_space<hbm>>
      tpu.wait_dma2 semaphore(%arg8 : memref<!tpu.dma_semaphore, #tpu.memory_space<semaphore_mem>>) src(%dma_wait3A_129 : memref<4x200x64xf32, #tpu.memory_space<hbm>>) dst(%arg6 : memref<4x200x64xf32, #tpu.memory_space<vmem>>)
      %parallel_loop3A = arith.constant 0 : i32
      %parallel_loop3A_130 = arith.constant 200 : i32
      %parallel_loop3A_131 = arith.constant 1 : i32
      scf.for %parallel_loop3A_186 = %parallel_loop3A to %parallel_loop3A_130 step %parallel_loop3A_131  : i32 {
        %parallel_loop3A_187 = arith.constant 0 : i32
        %parallel_loop3A_188 = arith.index_cast %parallel_loop3A_187 : i32 to index
        %parallel_loop3A_189 = arith.index_cast %parallel_loop3A_186 : i32 to index
        %parallel_loop3A_190 = arith.constant 0 : index
        %parallel_loop3A_191 = tpu.vector_load %arg6[%parallel_loop3A_188, %parallel_loop3A_189, %parallel_loop3A_190] {strides = array<i32>} : memref<4x200x64xf32, #tpu.memory_space<vmem>>, vector<1x1x16xf32>,
        %parallel_loop3A_192 = vector.shape_cast %parallel_loop3A_191 : vector<1x1x16xf32> to vector<16xf32>
        %parallel_loop3A_193 = arith.constant 8.000000e+00 : f32
        %parallel_loop3A_194 = vector.broadcast %parallel_loop3A_193 : f32 to vector<16xf32>
        %parallel_loop3A_195 = arith.mulf %parallel_loop3A_192, %parallel_loop3A_194 : vector<16xf32>
        %parallel_loop3A_196 = arith.constant 0 : i32
        %parallel_loop3A_197 = arith.index_cast %parallel_loop3A_196 : i32 to index
        %parallel_loop3A_198 = arith.index_cast %parallel_loop3A_186 : i32 to index
        %parallel_loop3A_199 = arith.constant 0 : index
        %parallel_loop3A_200 = tpu.vector_load %arg6[%parallel_loop3A_197, %parallel_loop3A_198, %parallel_loop3A_199] {strides = array<i32>} : memref<4x200x64xf32, #tpu.memory_space<vmem>>, vector<1x1x16xf32>,
        %parallel_loop3A_201 = vector.shape_cast %parallel_loop3A_200 : vector<1x1x16xf32> to vector<16xf32>
        %parallel_loop3A_202 = vector.shape_cast %parallel_loop3A_195 : vector<16xf32> to vector<1x1x16xf32>
        tpu.vector_store %arg6[%parallel_loop3A_197, %parallel_loop3A_198, %parallel_loop3A_199], %parallel_loop3A_202 {strides = array<i32>} : memref<4x200x64xf32, #tpu.memory_space<vmem>>, vector<1x1x16xf32>,
        %parallel_loop3A_203 = arith.constant 0 : i32
        %parallel_loop3A_204 = arith.index_cast %parallel_loop3A_203 : i32 to index
        %parallel_loop3A_205 = arith.index_cast %parallel_loop3A_186 : i32 to index
        %parallel_loop3A_206 = arith.constant 16 : index
        %parallel_loop3A_207 = tpu.vector_load %arg6[%parallel_loop3A_204, %parallel_loop3A_205, %parallel_loop3A_206] {strides = array<i32>} : memref<4x200x64xf32, #tpu.memory_space<vmem>>, vector<1x1x16xf32>,
        %parallel_loop3A_208 = vector.shape_cast %parallel_loop3A_207 : vector<1x1x16xf32> to vector<16xf32>
        %parallel_loop3A_209 = arith.constant 8.000000e+00 : f32
        %parallel_loop3A_210 = vector.broadcast %parallel_loop3A_209 : f32 to vector<16xf32>
        %parallel_loop3A_211 = arith.mulf %parallel_loop3A_208, %parallel_loop3A_210 : vector<16xf32>
        %parallel_loop3A_212 = arith.constant 0 : i32
        %parallel_loop3A_213 = arith.index_cast %parallel_loop3A_212 : i32 to index
        %parallel_loop3A_214 = arith.index_cast %parallel_loop3A_186 : i32 to index
        %parallel_loop3A_215 = arith.constant 16 : index
        %parallel_loop3A_216 = tpu.vector_load %arg6[%parallel_loop3A_213, %parallel_loop3A_214, %parallel_loop3A_215] {strides = array<i32>} : memref<4x200x64xf32, #tpu.memory_space<vmem>>, vector<1x1x16xf32>,
        %parallel_loop3A_217 = vector.shape_cast %parallel_loop3A_216 : vector<1x1x16xf32> to vector<16xf32>
        %parallel_loop3A_218 = vector.shape_cast %parallel_loop3A_211 : vector<16xf32> to vector<1x1x16xf32>
        tpu.vector_store %arg6[%parallel_loop3A_213, %parallel_loop3A_214, %parallel_loop3A_215], %parallel_loop3A_218 {strides = array<i32>} : memref<4x200x64xf32, #tpu.memory_space<vmem>>, vector<1x1x16xf32>,
        %parallel_loop3A_219 = arith.constant 0 : i32
        %parallel_loop3A_220 = arith.index_cast %parallel_loop3A_219 : i32 to index
        %parallel_loop3A_221 = arith.index_cast %parallel_loop3A_186 : i32 to index
        %parallel_loop3A_222 = arith.constant 32 : index
        %parallel_loop3A_223 = tpu.vector_load %arg6[%parallel_loop3A_220, %parallel_loop3A_221, %parallel_loop3A_222] {strides = array<i32>} : memref<4x200x64xf32, #tpu.memory_space<vmem>>, vector<1x1x16xf32>,
        %parallel_loop3A_224 = vector.shape_cast %parallel_loop3A_223 : vector<1x1x16xf32> to vector<16xf32>
        %parallel_loop3A_225 = arith.constant 8.000000e+00 : f32
        %parallel_loop3A_226 = vector.broadcast %parallel_loop3A_225 : f32 to vector<16xf32>
        %parallel_loop3A_227 = arith.mulf %parallel_loop3A_224, %parallel_loop3A_226 : vector<16xf32>
        %parallel_loop3A_228 = arith.constant 0 : i32
        %parallel_loop3A_229 = arith.index_cast %parallel_loop3A_228 : i32 to index
        %parallel_loop3A_230 = arith.index_cast %parallel_loop3A_186 : i32 to index
        %parallel_loop3A_231 = arith.constant 32 : index
        %parallel_loop3A_232 = tpu.vector_load %arg6[%parallel_loop3A_229, %parallel_loop3A_230, %parallel_loop3A_231] {strides = array<i32>} : memref<4x200x64xf32, #tpu.memory_space<vmem>>, vector<1x1x16xf32>,
        %parallel_loop3A_233 = vector.shape_cast %parallel_loop3A_232 : vector<1x1x16xf32> to vector<16xf32>
        %parallel_loop3A_234 = vector.shape_cast %parallel_loop3A_227 : vector<16xf32> to vector<1x1x16xf32>
        tpu.vector_store %arg6[%parallel_loop3A_229, %parallel_loop3A_230, %parallel_loop3A_231], %parallel_loop3A_234 {strides = array<i32>} : memref<4x200x64xf32, #tpu.memory_space<vmem>>, vector<1x1x16xf32>,
        %parallel_loop3A_235 = arith.constant 0 : i32
        %parallel_loop3A_236 = arith.index_cast %parallel_loop3A_235 : i32 to index
        %parallel_loop3A_237 = arith.index_cast %parallel_loop3A_186 : i32 to index
        %parallel_loop3A_238 = arith.constant 48 : index
        %parallel_loop3A_239 = tpu.vector_load %arg6[%parallel_loop3A_236, %parallel_loop3A_237, %parallel_loop3A_238] {strides = array<i32>} : memref<4x200x64xf32, #tpu.memory_space<vmem>>, vector<1x1x16xf32>,
        %parallel_loop3A_240 = vector.shape_cast %parallel_loop3A_239 : vector<1x1x16xf32> to vector<16xf32>
        %parallel_loop3A_241 = arith.constant 8.000000e+00 : f32
        %parallel_loop3A_242 = vector.broadcast %parallel_loop3A_241 : f32 to vector<16xf32>
        %parallel_loop3A_243 = arith.mulf %parallel_loop3A_240, %parallel_loop3A_242 : vector<16xf32>
        %parallel_loop3A_244 = arith.constant 0 : i32
        %parallel_loop3A_245 = arith.index_cast %parallel_loop3A_244 : i32 to index
        %parallel_loop3A_246 = arith.index_cast %parallel_loop3A_186 : i32 to index
        %parallel_loop3A_247 = arith.constant 48 : index
        %parallel_loop3A_248 = tpu.vector_load %arg6[%parallel_loop3A_245, %parallel_loop3A_246, %parallel_loop3A_247] {strides = array<i32>} : memref<4x200x64xf32, #tpu.memory_space<vmem>>, vector<1x1x16xf32>,
        %parallel_loop3A_249 = vector.shape_cast %parallel_loop3A_248 : vector<1x1x16xf32> to vector<16xf32>
        %parallel_loop3A_250 = vector.shape_cast %parallel_loop3A_243 : vector<16xf32> to vector<1x1x16xf32>
        tpu.vector_store %arg6[%parallel_loop3A_245, %parallel_loop3A_246, %parallel_loop3A_247], %parallel_loop3A_250 {strides = array<i32>} : memref<4x200x64xf32, #tpu.memory_space<vmem>>, vector<1x1x16xf32>,
      } {sc.loop_unroll_factor = 8 : i64, sc.parallel_access}
      %parallel_loop3A_132 = arith.constant 0 : i32
      %parallel_loop3A_133 = arith.constant 200 : i32
      %parallel_loop3A_134 = arith.constant 1 : i32
      scf.for %parallel_loop3A_186 = %parallel_loop3A_132 to %parallel_loop3A_133 step %parallel_loop3A_134  : i32 {
        %parallel_loop3A_187 = arith.constant 1 : i32
        %parallel_loop3A_188 = arith.index_cast %parallel_loop3A_187 : i32 to index
        %parallel_loop3A_189 = arith.index_cast %parallel_loop3A_186 : i32 to index
        %parallel_loop3A_190 = arith.constant 0 : index
        %parallel_loop3A_191 = tpu.vector_load %arg6[%parallel_loop3A_188, %parallel_loop3A_189, %parallel_loop3A_190] {strides = array<i32>} : memref<4x200x64xf32, #tpu.memory_space<vmem>>, vector<1x1x16xf32>,
        %parallel_loop3A_192 = vector.shape_cast %parallel_loop3A_191 : vector<1x1x16xf32> to vector<16xf32>
        %parallel_loop3A_193 = arith.constant 8.000000e+00 : f32
        %parallel_loop3A_194 = vector.broadcast %parallel_loop3A_193 : f32 to vector<16xf32>
        %parallel_loop3A_195 = arith.mulf %parallel_loop3A_192, %parallel_loop3A_194 : vector<16xf32>
        %parallel_loop3A_196 = arith.constant 1 : i32
        %parallel_loop3A_197 = arith.index_cast %parallel_loop3A_196 : i32 to index
        %parallel_loop3A_198 = arith.index_cast %parallel_loop3A_186 : i32 to index
        %parallel_loop3A_199 = arith.constant 0 : index
        %parallel_loop3A_200 = tpu.vector_load %arg6[%parallel_loop3A_197, %parallel_loop3A_198, %parallel_loop3A_199] {strides = array<i32>} : memref<4x200x64xf32, #tpu.memory_space<vmem>>, vector<1x1x16xf32>,
        %parallel_loop3A_201 = vector.shape_cast %parallel_loop3A_200 : vector<1x1x16xf32> to vector<16xf32>
        %parallel_loop3A_202 = vector.shape_cast %parallel_loop3A_195 : vector<16xf32> to vector<1x1x16xf32>
        tpu.vector_store %arg6[%parallel_loop3A_197, %parallel_loop3A_198, %parallel_loop3A_199], %parallel_loop3A_202 {strides = array<i32>} : memref<4x200x64xf32, #tpu.memory_space<vmem>>, vector<1x1x16xf32>,
        %parallel_loop3A_203 = arith.constant 1 : i32
        %parallel_loop3A_204 = arith.index_cast %parallel_loop3A_203 : i32 to index
        %parallel_loop3A_205 = arith.index_cast %parallel_loop3A_186 : i32 to index
        %parallel_loop3A_206 = arith.constant 16 : index
        %parallel_loop3A_207 = tpu.vector_load %arg6[%parallel_loop3A_204, %parallel_loop3A_205, %parallel_loop3A_206] {strides = array<i32>} : memref<4x200x64xf32, #tpu.memory_space<vmem>>, vector<1x1x16xf32>,
        %parallel_loop3A_208 = vector.shape_cast %parallel_loop3A_207 : vector<1x1x16xf32> to vector<16xf32>
        %parallel_loop3A_209 = arith.constant 8.000000e+00 : f32
        %parallel_loop3A_210 = vector.broadcast %parallel_loop3A_209 : f32 to vector<16xf32>
        %parallel_loop3A_211 = arith.mulf %parallel_loop3A_208, %parallel_loop3A_210 : vector<16xf32>
        %parallel_loop3A_212 = arith.constant 1 : i32
        %parallel_loop3A_213 = arith.index_cast %parallel_loop3A_212 : i32 to index
        %parallel_loop3A_214 = arith.index_cast %parallel_loop3A_186 : i32 to index
        %parallel_loop3A_215 = arith.constant 16 : index
        %parallel_loop3A_216 = tpu.vector_load %arg6[%parallel_loop3A_213, %parallel_loop3A_214, %parallel_loop3A_215] {strides = array<i32>} : memref<4x200x64xf32, #tpu.memory_space<vmem>>, vector<1x1x16xf32>,
        %parallel_loop3A_217 = vector.shape_cast %parallel_loop3A_216 : vector<1x1x16xf32> to vector<16xf32>
        %parallel_loop3A_218 = vector.shape_cast %parallel_loop3A_211 : vector<16xf32> to vector<1x1x16xf32>
        tpu.vector_store %arg6[%parallel_loop3A_213, %parallel_loop3A_214, %parallel_loop3A_215], %parallel_loop3A_218 {strides = array<i32>} : memref<4x200x64xf32, #tpu.memory_space<vmem>>, vector<1x1x16xf32>,
        %parallel_loop3A_219 = arith.constant 1 : i32
        %parallel_loop3A_220 = arith.index_cast %parallel_loop3A_219 : i32 to index
        %parallel_loop3A_221 = arith.index_cast %parallel_loop3A_186 : i32 to index
        %parallel_loop3A_222 = arith.constant 32 : index
        %parallel_loop3A_223 = tpu.vector_load %arg6[%parallel_loop3A_220, %parallel_loop3A_221, %parallel_loop3A_222] {strides = array<i32>} : memref<4x200x64xf32, #tpu.memory_space<vmem>>, vector<1x1x16xf32>,
        %parallel_loop3A_224 = vector.shape_cast %parallel_loop3A_223 : vector<1x1x16xf32> to vector<16xf32>
        %parallel_loop3A_225 = arith.constant 8.000000e+00 : f32
        %parallel_loop3A_226 = vector.broadcast %parallel_loop3A_225 : f32 to vector<16xf32>
        %parallel_loop3A_227 = arith.mulf %parallel_loop3A_224, %parallel_loop3A_226 : vector<16xf32>
        %parallel_loop3A_228 = arith.constant 1 : i32
        %parallel_loop3A_229 = arith.index_cast %parallel_loop3A_228 : i32 to index
        %parallel_loop3A_230 = arith.index_cast %parallel_loop3A_186 : i32 to index
        %parallel_loop3A_231 = arith.constant 32 : index
        %parallel_loop3A_232 = tpu.vector_load %arg6[%parallel_loop3A_229, %parallel_loop3A_230, %parallel_loop3A_231] {strides = array<i32>} : memref<4x200x64xf32, #tpu.memory_space<vmem>>, vector<1x1x16xf32>,
        %parallel_loop3A_233 = vector.shape_cast %parallel_loop3A_232 : vector<1x1x16xf32> to vector<16xf32>
        %parallel_loop3A_234 = vector.shape_cast %parallel_loop3A_227 : vector<16xf32> to vector<1x1x16xf32>
        tpu.vector_store %arg6[%parallel_loop3A_229, %parallel_loop3A_230, %parallel_loop3A_231], %parallel_loop3A_234 {strides = array<i32>} : memref<4x200x64xf32, #tpu.memory_space<vmem>>, vector<1x1x16xf32>,
        %parallel_loop3A_235 = arith.constant 1 : i32
        %parallel_loop3A_236 = arith.index_cast %parallel_loop3A_235 : i32 to index
        %parallel_loop3A_237 = arith.index_cast %parallel_loop3A_186 : i32 to index
        %parallel_loop3A_238 = arith.constant 48 : index
        %parallel_loop3A_239 = tpu.vector_load %arg6[%parallel_loop3A_236, %parallel_loop3A_237, %parallel_loop3A_238] {strides = array<i32>} : memref<4x200x64xf32, #tpu.memory_space<vmem>>, vector<1x1x16xf32>,
        %parallel_loop3A_240 = vector.shape_cast %parallel_loop3A_239 : vector<1x1x16xf32> to vector<16xf32>
        %parallel_loop3A_241 = arith.constant 8.000000e+00 : f32
        %parallel_loop3A_242 = vector.broadcast %parallel_loop3A_241 : f32 to vector<16xf32>
        %parallel_loop3A_243 = arith.mulf %parallel_loop3A_240, %parallel_loop3A_242 : vector<16xf32>
        %parallel_loop3A_244 = arith.constant 1 : i32
        %parallel_loop3A_245 = arith.index_cast %parallel_loop3A_244 : i32 to index
        %parallel_loop3A_246 = arith.index_cast %parallel_loop3A_186 : i32 to index
        %parallel_loop3A_247 = arith.constant 48 : index
        %parallel_loop3A_248 = tpu.vector_load %arg6[%parallel_loop3A_245, %parallel_loop3A_246, %parallel_loop3A_247] {strides = array<i32>} : memref<4x200x64xf32, #tpu.memory_space<vmem>>, vector<1x1x16xf32>,
        %parallel_loop3A_249 = vector.shape_cast %parallel_loop3A_248 : vector<1x1x16xf32> to vector<16xf32>
        %parallel_loop3A_250 = vector.shape_cast %parallel_loop3A_243 : vector<16xf32> to vector<1x1x16xf32>
        tpu.vector_store %arg6[%parallel_loop3A_245, %parallel_loop3A_246, %parallel_loop3A_247], %parallel_loop3A_250 {strides = array<i32>} : memref<4x200x64xf32, #tpu.memory_space<vmem>>, vector<1x1x16xf32>,
      } {sc.loop_unroll_factor = 8 : i64, sc.parallel_access}
      %parallel_loop3A_135 = arith.constant 0 : i32
      %parallel_loop3A_136 = arith.constant 200 : i32
      %parallel_loop3A_137 = arith.constant 1 : i32
      scf.for %parallel_loop3A_186 = %parallel_loop3A_135 to %parallel_loop3A_136 step %parallel_loop3A_137  : i32 {
        %parallel_loop3A_187 = arith.constant 2 : i32
        %parallel_loop3A_188 = arith.index_cast %parallel_loop3A_187 : i32 to index
        %parallel_loop3A_189 = arith.index_cast %parallel_loop3A_186 : i32 to index
        %parallel_loop3A_190 = arith.constant 0 : index
        %parallel_loop3A_191 = tpu.vector_load %arg6[%parallel_loop3A_188, %parallel_loop3A_189, %parallel_loop3A_190] {strides = array<i32>} : memref<4x200x64xf32, #tpu.memory_space<vmem>>, vector<1x1x16xf32>,
        %parallel_loop3A_192 = vector.shape_cast %parallel_loop3A_191 : vector<1x1x16xf32> to vector<16xf32>
        %parallel_loop3A_193 = arith.constant 8.000000e+00 : f32
        %parallel_loop3A_194 = vector.broadcast %parallel_loop3A_193 : f32 to vector<16xf32>
        %parallel_loop3A_195 = arith.mulf %parallel_loop3A_192, %parallel_loop3A_194 : vector<16xf32>
        %parallel_loop3A_196 = arith.constant 2 : i32
        %parallel_loop3A_197 = arith.index_cast %parallel_loop3A_196 : i32 to index
        %parallel_loop3A_198 = arith.index_cast %parallel_loop3A_186 : i32 to index
        %parallel_loop3A_199 = arith.constant 0 : index
        %parallel_loop3A_200 = tpu.vector_load %arg6[%parallel_loop3A_197, %parallel_loop3A_198, %parallel_loop3A_199] {strides = array<i32>} : memref<4x200x64xf32, #tpu.memory_space<vmem>>, vector<1x1x16xf32>,
        %parallel_loop3A_201 = vector.shape_cast %parallel_loop3A_200 : vector<1x1x16xf32> to vector<16xf32>
        %parallel_loop3A_202 = vector.shape_cast %parallel_loop3A_195 : vector<16xf32> to vector<1x1x16xf32>
        tpu.vector_store %arg6[%parallel_loop3A_197, %parallel_loop3A_198, %parallel_loop3A_199], %parallel_loop3A_202 {strides = array<i32>} : memref<4x200x64xf32, #tpu.memory_space<vmem>>, vector<1x1x16xf32>,
        %parallel_loop3A_203 = arith.constant 2 : i32
        %parallel_loop3A_204 = arith.index_cast %parallel_loop3A_203 : i32 to index
        %parallel_loop3A_205 = arith.index_cast %parallel_loop3A_186 : i32 to index
        %parallel_loop3A_206 = arith.constant 16 : index
        %parallel_loop3A_207 = tpu.vector_load %arg6[%parallel_loop3A_204, %parallel_loop3A_205, %parallel_loop3A_206] {strides = array<i32>} : memref<4x200x64xf32, #tpu.memory_space<vmem>>, vector<1x1x16xf32>,
        %parallel_loop3A_208 = vector.shape_cast %parallel_loop3A_207 : vector<1x1x16xf32> to vector<16xf32>
        %parallel_loop3A_209 = arith.constant 8.000000e+00 : f32
        %parallel_loop3A_210 = vector.broadcast %parallel_loop3A_209 : f32 to vector<16xf32>
        %parallel_loop3A_211 = arith.mulf %parallel_loop3A_208, %parallel_loop3A_210 : vector<16xf32>
        %parallel_loop3A_212 = arith.constant 2 : i32
        %parallel_loop3A_213 = arith.index_cast %parallel_loop3A_212 : i32 to index
        %parallel_loop3A_214 = arith.index_cast %parallel_loop3A_186 : i32 to index
        %parallel_loop3A_215 = arith.constant 16 : index
        %parallel_loop3A_216 = tpu.vector_load %arg6[%parallel_loop3A_213, %parallel_loop3A_214, %parallel_loop3A_215] {strides = array<i32>} : memref<4x200x64xf32, #tpu.memory_space<vmem>>, vector<1x1x16xf32>,
        %parallel_loop3A_217 = vector.shape_cast %parallel_loop3A_216 : vector<1x1x16xf32> to vector<16xf32>
        %parallel_loop3A_218 = vector.shape_cast %parallel_loop3A_211 : vector<16xf32> to vector<1x1x16xf32>
        tpu.vector_store %arg6[%parallel_loop3A_213, %parallel_loop3A_214, %parallel_loop3A_215], %parallel_loop3A_218 {strides = array<i32>} : memref<4x200x64xf32, #tpu.memory_space<vmem>>, vector<1x1x16xf32>,
        %parallel_loop3A_219 = arith.constant 2 : i32
        %parallel_loop3A_220 = arith.index_cast %parallel_loop3A_219 : i32 to index
        %parallel_loop3A_221 = arith.index_cast %parallel_loop3A_186 : i32 to index
        %parallel_loop3A_222 = arith.constant 32 : index
        %parallel_loop3A_223 = tpu.vector_load %arg6[%parallel_loop3A_220, %parallel_loop3A_221, %parallel_loop3A_222] {strides = array<i32>} : memref<4x200x64xf32, #tpu.memory_space<vmem>>, vector<1x1x16xf32>,
        %parallel_loop3A_224 = vector.shape_cast %parallel_loop3A_223 : vector<1x1x16xf32> to vector<16xf32>
        %parallel_loop3A_225 = arith.constant 8.000000e+00 : f32
        %parallel_loop3A_226 = vector.broadcast %parallel_loop3A_225 : f32 to vector<16xf32>
        %parallel_loop3A_227 = arith.mulf %parallel_loop3A_224, %parallel_loop3A_226 : vector<16xf32>
        %parallel_loop3A_228 = arith.constant 2 : i32
        %parallel_loop3A_229 = arith.index_cast %parallel_loop3A_228 : i32 to index
        %parallel_loop3A_230 = arith.index_cast %parallel_loop3A_186 : i32 to index
        %parallel_loop3A_231 = arith.constant 32 : index
        %parallel_loop3A_232 = tpu.vector_load %arg6[%parallel_loop3A_229, %parallel_loop3A_230, %parallel_loop3A_231] {strides = array<i32>} : memref<4x200x64xf32, #tpu.memory_space<vmem>>, vector<1x1x16xf32>,
        %parallel_loop3A_233 = vector.shape_cast %parallel_loop3A_232 : vector<1x1x16xf32> to vector<16xf32>
        %parallel_loop3A_234 = vector.shape_cast %parallel_loop3A_227 : vector<16xf32> to vector<1x1x16xf32>
        tpu.vector_store %arg6[%parallel_loop3A_229, %parallel_loop3A_230, %parallel_loop3A_231], %parallel_loop3A_234 {strides = array<i32>} : memref<4x200x64xf32, #tpu.memory_space<vmem>>, vector<1x1x16xf32>,
        %parallel_loop3A_235 = arith.constant 2 : i32
        %parallel_loop3A_236 = arith.index_cast %parallel_loop3A_235 : i32 to index
        %parallel_loop3A_237 = arith.index_cast %parallel_loop3A_186 : i32 to index
        %parallel_loop3A_238 = arith.constant 48 : index
        %parallel_loop3A_239 = tpu.vector_load %arg6[%parallel_loop3A_236, %parallel_loop3A_237, %parallel_loop3A_238] {strides = array<i32>} : memref<4x200x64xf32, #tpu.memory_space<vmem>>, vector<1x1x16xf32>,
        %parallel_loop3A_240 = vector.shape_cast %parallel_loop3A_239 : vector<1x1x16xf32> to vector<16xf32>
        %parallel_loop3A_241 = arith.constant 8.000000e+00 : f32
        %parallel_loop3A_242 = vector.broadcast %parallel_loop3A_241 : f32 to vector<16xf32>
        %parallel_loop3A_243 = arith.mulf %parallel_loop3A_240, %parallel_loop3A_242 : vector<16xf32>
        %parallel_loop3A_244 = arith.constant 2 : i32
        %parallel_loop3A_245 = arith.index_cast %parallel_loop3A_244 : i32 to index
        %parallel_loop3A_246 = arith.index_cast %parallel_loop3A_186 : i32 to index
        %parallel_loop3A_247 = arith.constant 48 : index
        %parallel_loop3A_248 = tpu.vector_load %arg6[%parallel_loop3A_245, %parallel_loop3A_246, %parallel_loop3A_247] {strides = array<i32>} : memref<4x200x64xf32, #tpu.memory_space<vmem>>, vector<1x1x16xf32>,
        %parallel_loop3A_249 = vector.shape_cast %parallel_loop3A_248 : vector<1x1x16xf32> to vector<16xf32>
        %parallel_loop3A_250 = vector.shape_cast %parallel_loop3A_243 : vector<16xf32> to vector<1x1x16xf32>
        tpu.vector_store %arg6[%parallel_loop3A_245, %parallel_loop3A_246, %parallel_loop3A_247], %parallel_loop3A_250 {strides = array<i32>} : memref<4x200x64xf32, #tpu.memory_space<vmem>>, vector<1x1x16xf32>,
      } {sc.loop_unroll_factor = 8 : i64, sc.parallel_access}
      %parallel_loop3A_138 = arith.constant 0 : i32
      %parallel_loop3A_139 = arith.constant 200 : i32
      %parallel_loop3A_140 = arith.constant 1 : i32
      scf.for %parallel_loop3A_186 = %parallel_loop3A_138 to %parallel_loop3A_139 step %parallel_loop3A_140  : i32 {
        %parallel_loop3A_187 = arith.constant 3 : i32
        %parallel_loop3A_188 = arith.index_cast %parallel_loop3A_187 : i32 to index
        %parallel_loop3A_189 = arith.index_cast %parallel_loop3A_186 : i32 to index
        %parallel_loop3A_190 = arith.constant 0 : index
        %parallel_loop3A_191 = tpu.vector_load %arg6[%parallel_loop3A_188, %parallel_loop3A_189, %parallel_loop3A_190] {strides = array<i32>} : memref<4x200x64xf32, #tpu.memory_space<vmem>>, vector<1x1x16xf32>,
        %parallel_loop3A_192 = vector.shape_cast %parallel_loop3A_191 : vector<1x1x16xf32> to vector<16xf32>
        %parallel_loop3A_193 = arith.constant 8.000000e+00 : f32
        %parallel_loop3A_194 = vector.broadcast %parallel_loop3A_193 : f32 to vector<16xf32>
        %parallel_loop3A_195 = arith.mulf %parallel_loop3A_192, %parallel_loop3A_194 : vector<16xf32>
        %parallel_loop3A_196 = arith.constant 3 : i32
        %parallel_loop3A_197 = arith.index_cast %parallel_loop3A_196 : i32 to index
        %parallel_loop3A_198 = arith.index_cast %parallel_loop3A_186 : i32 to index
        %parallel_loop3A_199 = arith.constant 0 : index
        %parallel_loop3A_200 = tpu.vector_load %arg6[%parallel_loop3A_197, %parallel_loop3A_198, %parallel_loop3A_199] {strides = array<i32>} : memref<4x200x64xf32, #tpu.memory_space<vmem>>, vector<1x1x16xf32>,
        %parallel_loop3A_201 = vector.shape_cast %parallel_loop3A_200 : vector<1x1x16xf32> to vector<16xf32>
        %parallel_loop3A_202 = vector.shape_cast %parallel_loop3A_195 : vector<16xf32> to vector<1x1x16xf32>
        tpu.vector_store %arg6[%parallel_loop3A_197, %parallel_loop3A_198, %parallel_loop3A_199], %parallel_loop3A_202 {strides = array<i32>} : memref<4x200x64xf32, #tpu.memory_space<vmem>>, vector<1x1x16xf32>,
        %parallel_loop3A_203 = arith.constant 3 : i32
        %parallel_loop3A_204 = arith.index_cast %parallel_loop3A_203 : i32 to index
        %parallel_loop3A_205 = arith.index_cast %parallel_loop3A_186 : i32 to index
        %parallel_loop3A_206 = arith.constant 16 : index
        %parallel_loop3A_207 = tpu.vector_load %arg6[%parallel_loop3A_204, %parallel_loop3A_205, %parallel_loop3A_206] {strides = array<i32>} : memref<4x200x64xf32, #tpu.memory_space<vmem>>, vector<1x1x16xf32>,
        %parallel_loop3A_208 = vector.shape_cast %parallel_loop3A_207 : vector<1x1x16xf32> to vector<16xf32>
        %parallel_loop3A_209 = arith.constant 8.000000e+00 : f32
        %parallel_loop3A_210 = vector.broadcast %parallel_loop3A_209 : f32 to vector<16xf32>
        %parallel_loop3A_211 = arith.mulf %parallel_loop3A_208, %parallel_loop3A_210 : vector<16xf32>
        %parallel_loop3A_212 = arith.constant 3 : i32
        %parallel_loop3A_213 = arith.index_cast %parallel_loop3A_212 : i32 to index
        %parallel_loop3A_214 = arith.index_cast %parallel_loop3A_186 : i32 to index
        %parallel_loop3A_215 = arith.constant 16 : index
        %parallel_loop3A_216 = tpu.vector_load %arg6[%parallel_loop3A_213, %parallel_loop3A_214, %parallel_loop3A_215] {strides = array<i32>} : memref<4x200x64xf32, #tpu.memory_space<vmem>>, vector<1x1x16xf32>,
        %parallel_loop3A_217 = vector.shape_cast %parallel_loop3A_216 : vector<1x1x16xf32> to vector<16xf32>
        %parallel_loop3A_218 = vector.shape_cast %parallel_loop3A_211 : vector<16xf32> to vector<1x1x16xf32>
        tpu.vector_store %arg6[%parallel_loop3A_213, %parallel_loop3A_214, %parallel_loop3A_215], %parallel_loop3A_218 {strides = array<i32>} : memref<4x200x64xf32, #tpu.memory_space<vmem>>, vector<1x1x16xf32>,
        %parallel_loop3A_219 = arith.constant 3 : i32
        %parallel_loop3A_220 = arith.index_cast %parallel_loop3A_219 : i32 to index
        %parallel_loop3A_221 = arith.index_cast %parallel_loop3A_186 : i32 to index
        %parallel_loop3A_222 = arith.constant 32 : index
        %parallel_loop3A_223 = tpu.vector_load %arg6[%parallel_loop3A_220, %parallel_loop3A_221, %parallel_loop3A_222] {strides = array<i32>} : memref<4x200x64xf32, #tpu.memory_space<vmem>>, vector<1x1x16xf32>,
        %parallel_loop3A_224 = vector.shape_cast %parallel_loop3A_223 : vector<1x1x16xf32> to vector<16xf32>
        %parallel_loop3A_225 = arith.constant 8.000000e+00 : f32
        %parallel_loop3A_226 = vector.broadcast %parallel_loop3A_225 : f32 to vector<16xf32>
        %parallel_loop3A_227 = arith.mulf %parallel_loop3A_224, %parallel_loop3A_226 : vector<16xf32>
        %parallel_loop3A_228 = arith.constant 3 : i32
        %parallel_loop3A_229 = arith.index_cast %parallel_loop3A_228 : i32 to index
        %parallel_loop3A_230 = arith.index_cast %parallel_loop3A_186 : i32 to index
        %parallel_loop3A_231 = arith.constant 32 : index
        %parallel_loop3A_232 = tpu.vector_load %arg6[%parallel_loop3A_229, %parallel_loop3A_230, %parallel_loop3A_231] {strides = array<i32>} : memref<4x200x64xf32, #tpu.memory_space<vmem>>, vector<1x1x16xf32>,
        %parallel_loop3A_233 = vector.shape_cast %parallel_loop3A_232 : vector<1x1x16xf32> to vector<16xf32>
        %parallel_loop3A_234 = vector.shape_cast %parallel_loop3A_227 : vector<16xf32> to vector<1x1x16xf32>
        tpu.vector_store %arg6[%parallel_loop3A_229, %parallel_loop3A_230, %parallel_loop3A_231], %parallel_loop3A_234 {strides = array<i32>} : memref<4x200x64xf32, #tpu.memory_space<vmem>>, vector<1x1x16xf32>,
        %parallel_loop3A_235 = arith.constant 3 : i32
        %parallel_loop3A_236 = arith.index_cast %parallel_loop3A_235 : i32 to index
        %parallel_loop3A_237 = arith.index_cast %parallel_loop3A_186 : i32 to index
        %parallel_loop3A_238 = arith.constant 48 : index
        %parallel_loop3A_239 = tpu.vector_load %arg6[%parallel_loop3A_236, %parallel_loop3A_237, %parallel_loop3A_238] {strides = array<i32>} : memref<4x200x64xf32, #tpu.memory_space<vmem>>, vector<1x1x16xf32>,
        %parallel_loop3A_240 = vector.shape_cast %parallel_loop3A_239 : vector<1x1x16xf32> to vector<16xf32>
        %parallel_loop3A_241 = arith.constant 8.000000e+00 : f32
        %parallel_loop3A_242 = vector.broadcast %parallel_loop3A_241 : f32 to vector<16xf32>
        %parallel_loop3A_243 = arith.mulf %parallel_loop3A_240, %parallel_loop3A_242 : vector<16xf32>
        %parallel_loop3A_244 = arith.constant 3 : i32
        %parallel_loop3A_245 = arith.index_cast %parallel_loop3A_244 : i32 to index
        %parallel_loop3A_246 = arith.index_cast %parallel_loop3A_186 : i32 to index
        %parallel_loop3A_247 = arith.constant 48 : index
        %parallel_loop3A_248 = tpu.vector_load %arg6[%parallel_loop3A_245, %parallel_loop3A_246, %parallel_loop3A_247] {strides = array<i32>} : memref<4x200x64xf32, #tpu.memory_space<vmem>>, vector<1x1x16xf32>,
        %parallel_loop3A_249 = vector.shape_cast %parallel_loop3A_248 : vector<1x1x16xf32> to vector<16xf32>
        %parallel_loop3A_250 = vector.shape_cast %parallel_loop3A_243 : vector<16xf32> to vector<1x1x16xf32>
        tpu.vector_store %arg6[%parallel_loop3A_245, %parallel_loop3A_246, %parallel_loop3A_247], %parallel_loop3A_250 {strides = array<i32>} : memref<4x200x64xf32, #tpu.memory_space<vmem>>, vector<1x1x16xf32>,
      } {sc.loop_unroll_factor = 8 : i64, sc.parallel_access}
      %mul3A_141 = arith.constant 4 : i32
      %mul3A_142 = arith.muli %add3A_119, %mul3A_141 : i32
      %add3A_143 = arith.addi %mul3A_2, %mul3A_142 : i32
      %dma_start3A_144 = arith.constant 0 : i32
      %dma_start3A_145 = arith.constant 0 : i32
      %dma_start3A_146 = tpu.memref_slice %arg4[%add3A_143, %dma_start3A_144, %dma_start3A_145] : memref<4096x200x128xf32, #tpu.memory_space<hbm>> -> memref<4x200x64xf32, #tpu.memory_space<hbm>>
      %dma_start3A_147 = arith.constant 0 : i32
      %dma_start3A_148 = arith.constant 0 : i32
      %dma_start3A_149 = tpu.memref_slice %arg4[%add3A_143, %dma_start3A_147, %dma_start3A_148] : memref<4096x200x128xf32, #tpu.memory_space<hbm>> -> memref<4x200x64xf32, #tpu.memory_space<hbm>>
      tpu.enqueue_dma source(%arg6 : memref<4x200x64xf32, #tpu.memory_space<vmem>>) target(%dma_start3A_149 : memref<4x200x64xf32, #tpu.memory_space<hbm>>) target_semaphore(%arg10 : memref<!tpu.dma_semaphore, #tpu.memory_space<semaphore_mem>>)
      %add3A_150 = arith.constant 1 : i32
      %add3A_151 = arith.addi %add3A_117, %add3A_150 : i32
      %add3A_152 = arith.constant 1 : i32
      %add3A_153 = arith.addi %add3A_151, %add3A_152 : i32
      %lt3A_154 = arith.constant 32 : i32
      %lt3A_155 = arith.cmpi slt, %add3A_153, %lt3A_154 : i32
      %convert_element_type3A_156 = arith.extui %lt3A_155 : i1 to i32
      %cond3A_157 = arith.constant 0 : i32
      %cond3A_158 = arith.cmpi ne, %convert_element_type3A_156, %cond3A_157 : i32
      scf.if %cond3A_158 {
        %ge3A = arith.constant 1 : i32
        %ge3A_186 = arith.cmpi sge, %add3A_151, %ge3A : i32
        %convert_element_type3A_187 = arith.extui %ge3A_186 : i1 to i32
        %cond3A_188 = arith.constant 0 : i32
        %cond3A_189 = arith.cmpi ne, %convert_element_type3A_187, %cond3A_188 : i32
        scf.if %cond3A_189 {
          %dma_wait3A_312 = arith.constant 0 : i32
          %dma_wait3A_313 = arith.constant 0 : i32
          %dma_wait3A_314 = tpu.memref_slice %arg4[%mul3A_2, %dma_wait3A_312, %dma_wait3A_313] : memref<4096x200x128xf32, #tpu.memory_space<hbm>> -> memref<4x200x64xf32, #tpu.memory_space<hbm>>
          %dma_wait3A_315 = arith.constant 0 : i32
          %dma_wait3A_316 = arith.constant 0 : i32
          %dma_wait3A_317 = tpu.memref_slice %arg4[%mul3A_2, %dma_wait3A_315, %dma_wait3A_316] : memref<4096x200x128xf32, #tpu.memory_space<hbm>> -> memref<4x200x64xf32, #tpu.memory_space<hbm>>
          tpu.wait_dma2 semaphore(%arg10 : memref<!tpu.dma_semaphore, #tpu.memory_space<semaphore_mem>>) src(%arg6 : memref<4x200x64xf32, #tpu.memory_space<vmem>>) dst(%dma_wait3A_317 : memref<4x200x64xf32, #tpu.memory_space<hbm>>)
        } else {
        }
        %add3A_190 = arith.constant 1 : i32
        %add3A_191 = arith.addi %add3A_151, %add3A_190 : i32
        %mul3A_192 = arith.constant 4 : i32
        %mul3A_193 = arith.muli %add3A_191, %mul3A_192 : i32
        %add3A_194 = arith.constant 0 : i32
        %add3A_195 = arith.addi %mul3A_193, %add3A_194 : i32
        %dma_start3A_196 = arith.constant 0 : i32
        %dma_start3A_197 = arith.constant 0 : i32
        %dma_start3A_198 = arith.constant 0 : i32
        %dma_start3A_199 = tpu.memref_slice %arg6[%dma_start3A_196, %dma_start3A_197, %dma_start3A_198] : memref<4x200x64xf32, #tpu.memory_space<vmem>> -> memref<1x128x64xf32, #tpu.memory_space<vmem>>
        %dma_start3A_200 = tpu.memref_squeeze %dma_start3A_199 : memref<1x128x64xf32, #tpu.memory_space<vmem>> -> memref<128x64xf32, #tpu.memory_space<vmem>>
        %dma_start3A_201 = arith.constant 0 : i32
        %dma_start3A_202 = tpu.memref_slice %arg5[%add3A_195, %dma_start3A_201] : memref<128x200xi32, #tpu.memory_space<vmem>> -> memref<1x128xi32, #tpu.memory_space<vmem>>
        %dma_start3A_203 = tpu.memref_squeeze %dma_start3A_202 : memref<1x128xi32, #tpu.memory_space<vmem>> -> memref<128xi32, #tpu.memory_space<vmem>>
        %dma_start3A_204 = arith.constant 0 : i32
        %dma_start3A_205 = arith.constant 0 : i32
        %dma_start3A_206 = tpu.memref_slice %arg3[%dma_start3A_204, %dma_start3A_205] : memref<2000000x64xf32, #tpu.memory_space<hbm>> -> memref<2000000x64xf32, #tpu.memory_space<hbm>>
        tpu.enqueue_indirect_dma source(%dma_start3A_206 : memref<2000000x64xf32, #tpu.memory_space<hbm>>) target(%dma_start3A_200 : memref<128x64xf32, #tpu.memory_space<vmem>>) offsets(%dma_start3A_203 : memref<128xi32, #tpu.memory_space<vmem>>) semaphore(%arg8 : memref<!tpu.dma_semaphore, #tpu.memory_space<semaphore_mem>>)
        %mul3A_207 = arith.constant 4 : i32
        %mul3A_208 = arith.muli %add3A_191, %mul3A_207 : i32
        %add3A_209 = arith.constant 0 : i32
        %add3A_210 = arith.addi %mul3A_208, %add3A_209 : i32
        %dma_start3A_211 = arith.constant 0 : i32
        %dma_start3A_212 = arith.constant 128 : i32
        %dma_start3A_213 = arith.constant 0 : i32
        %dma_start3A_214 = tpu.memref_slice %arg6[%dma_start3A_211, %dma_start3A_212, %dma_start3A_213] : memref<4x200x64xf32, #tpu.memory_space<vmem>> -> memref<1x72x64xf32, #tpu.memory_space<vmem>>
        %dma_start3A_215 = tpu.memref_squeeze %dma_start3A_214 : memref<1x72x64xf32, #tpu.memory_space<vmem>> -> memref<72x64xf32, #tpu.memory_space<vmem>>
        %dma_start3A_216 = arith.constant 128 : i32
        %dma_start3A_217 = tpu.memref_slice %arg5[%add3A_210, %dma_start3A_216] : memref<128x200xi32, #tpu.memory_space<vmem>> -> memref<1x72xi32, #tpu.memory_space<vmem>>
        %dma_start3A_218 = tpu.memref_squeeze %dma_start3A_217 : memref<1x72xi32, #tpu.memory_space<vmem>> -> memref<72xi32, #tpu.memory_space<vmem>>
        %dma_start3A_219 = arith.constant 0 : i32
        %dma_start3A_220 = arith.constant 0 : i32
        %dma_start3A_221 = tpu.memref_slice %arg3[%dma_start3A_219, %dma_start3A_220] : memref<2000000x64xf32, #tpu.memory_space<hbm>> -> memref<2000000x64xf32, #tpu.memory_space<hbm>>
        tpu.enqueue_indirect_dma source(%dma_start3A_221 : memref<2000000x64xf32, #tpu.memory_space<hbm>>) target(%dma_start3A_215 : memref<72x64xf32, #tpu.memory_space<vmem>>) offsets(%dma_start3A_218 : memref<72xi32, #tpu.memory_space<vmem>>) semaphore(%arg8 : memref<!tpu.dma_semaphore, #tpu.memory_space<semaphore_mem>>)
        %mul3A_222 = arith.constant 4 : i32
        %mul3A_223 = arith.muli %add3A_191, %mul3A_222 : i32
        %add3A_224 = arith.constant 1 : i32
        %add3A_225 = arith.addi %mul3A_223, %add3A_224 : i32
        %dma_start3A_226 = arith.constant 1 : i32
        %dma_start3A_227 = arith.constant 0 : i32
        %dma_start3A_228 = arith.constant 0 : i32
        %dma_start3A_229 = tpu.memref_slice %arg6[%dma_start3A_226, %dma_start3A_227, %dma_start3A_228] : memref<4x200x64xf32, #tpu.memory_space<vmem>> -> memref<1x128x64xf32, #tpu.memory_space<vmem>>
        %dma_start3A_230 = tpu.memref_squeeze %dma_start3A_229 : memref<1x128x64xf32, #tpu.memory_space<vmem>> -> memref<128x64xf32, #tpu.memory_space<vmem>>
        %dma_start3A_231 = arith.constant 0 : i32
        %dma_start3A_232 = tpu.memref_slice %arg5[%add3A_225, %dma_start3A_231] : memref<128x200xi32, #tpu.memory_space<vmem>> -> memref<1x128xi32, #tpu.memory_space<vmem>>
        %dma_start3A_233 = tpu.memref_squeeze %dma_start3A_232 : memref<1x128xi32, #tpu.memory_space<vmem>> -> memref<128xi32, #tpu.memory_space<vmem>>
        %dma_start3A_234 = arith.constant 0 : i32
        %dma_start3A_235 = arith.constant 0 : i32
        %dma_start3A_236 = tpu.memref_slice %arg3[%dma_start3A_234, %dma_start3A_235] : memref<2000000x64xf32, #tpu.memory_space<hbm>> -> memref<2000000x64xf32, #tpu.memory_space<hbm>>
        tpu.enqueue_indirect_dma source(%dma_start3A_236 : memref<2000000x64xf32, #tpu.memory_space<hbm>>) target(%dma_start3A_230 : memref<128x64xf32, #tpu.memory_space<vmem>>) offsets(%dma_start3A_233 : memref<128xi32, #tpu.memory_space<vmem>>) semaphore(%arg8 : memref<!tpu.dma_semaphore, #tpu.memory_space<semaphore_mem>>)
        %mul3A_237 = arith.constant 4 : i32
        %mul3A_238 = arith.muli %add3A_191, %mul3A_237 : i32
        %add3A_239 = arith.constant 1 : i32
        %add3A_240 = arith.addi %mul3A_238, %add3A_239 : i32
        %dma_start3A_241 = arith.constant 1 : i32
        %dma_start3A_242 = arith.constant 128 : i32
        %dma_start3A_243 = arith.constant 0 : i32
        %dma_start3A_244 = tpu.memref_slice %arg6[%dma_start3A_241, %dma_start3A_242, %dma_start3A_243] : memref<4x200x64xf32, #tpu.memory_space<vmem>> -> memref<1x72x64xf32, #tpu.memory_space<vmem>>
        %dma_start3A_245 = tpu.memref_squeeze %dma_start3A_244 : memref<1x72x64xf32, #tpu.memory_space<vmem>> -> memref<72x64xf32, #tpu.memory_space<vmem>>
        %dma_start3A_246 = arith.constant 128 : i32
        %dma_start3A_247 = tpu.memref_slice %arg5[%add3A_240, %dma_start3A_246] : memref<128x200xi32, #tpu.memory_space<vmem>> -> memref<1x72xi32, #tpu.memory_space<vmem>>
        %dma_start3A_248 = tpu.memref_squeeze %dma_start3A_247 : memref<1x72xi32, #tpu.memory_space<vmem>> -> memref<72xi32, #tpu.memory_space<vmem>>
        %dma_start3A_249 = arith.constant 0 : i32
        %dma_start3A_250 = arith.constant 0 : i32
        %dma_start3A_251 = tpu.memref_slice %arg3[%dma_start3A_249, %dma_start3A_250] : memref<2000000x64xf32, #tpu.memory_space<hbm>> -> memref<2000000x64xf32, #tpu.memory_space<hbm>>
        tpu.enqueue_indirect_dma source(%dma_start3A_251 : memref<2000000x64xf32, #tpu.memory_space<hbm>>) target(%dma_start3A_245 : memref<72x64xf32, #tpu.memory_space<vmem>>) offsets(%dma_start3A_248 : memref<72xi32, #tpu.memory_space<vmem>>) semaphore(%arg8 : memref<!tpu.dma_semaphore, #tpu.memory_space<semaphore_mem>>)
        %mul3A_252 = arith.constant 4 : i32
        %mul3A_253 = arith.muli %add3A_191, %mul3A_252 : i32
        %add3A_254 = arith.constant 2 : i32
        %add3A_255 = arith.addi %mul3A_253, %add3A_254 : i32
        %dma_start3A_256 = arith.constant 2 : i32
        %dma_start3A_257 = arith.constant 0 : i32
        %dma_start3A_258 = arith.constant 0 : i32
        %dma_start3A_259 = tpu.memref_slice %arg6[%dma_start3A_256, %dma_start3A_257, %dma_start3A_258] : memref<4x200x64xf32, #tpu.memory_space<vmem>> -> memref<1x128x64xf32, #tpu.memory_space<vmem>>
        %dma_start3A_260 = tpu.memref_squeeze %dma_start3A_259 : memref<1x128x64xf32, #tpu.memory_space<vmem>> -> memref<128x64xf32, #tpu.memory_space<vmem>>
        %dma_start3A_261 = arith.constant 0 : i32
        %dma_start3A_262 = tpu.memref_slice %arg5[%add3A_255, %dma_start3A_261] : memref<128x200xi32, #tpu.memory_space<vmem>> -> memref<1x128xi32, #tpu.memory_space<vmem>>
        %dma_start3A_263 = tpu.memref_squeeze %dma_start3A_262 : memref<1x128xi32, #tpu.memory_space<vmem>> -> memref<128xi32, #tpu.memory_space<vmem>>
        %dma_start3A_264 = arith.constant 0 : i32
        %dma_start3A_265 = arith.constant 0 : i32
        %dma_start3A_266 = tpu.memref_slice %arg3[%dma_start3A_264, %dma_start3A_265] : memref<2000000x64xf32, #tpu.memory_space<hbm>> -> memref<2000000x64xf32, #tpu.memory_space<hbm>>
        tpu.enqueue_indirect_dma source(%dma_start3A_266 : memref<2000000x64xf32, #tpu.memory_space<hbm>>) target(%dma_start3A_260 : memref<128x64xf32, #tpu.memory_space<vmem>>) offsets(%dma_start3A_263 : memref<128xi32, #tpu.memory_space<vmem>>) semaphore(%arg8 : memref<!tpu.dma_semaphore, #tpu.memory_space<semaphore_mem>>)
        %mul3A_267 = arith.constant 4 : i32
        %mul3A_268 = arith.muli %add3A_191, %mul3A_267 : i32
        %add3A_269 = arith.constant 2 : i32
        %add3A_270 = arith.addi %mul3A_268, %add3A_269 : i32
        %dma_start3A_271 = arith.constant 2 : i32
        %dma_start3A_272 = arith.constant 128 : i32
        %dma_start3A_273 = arith.constant 0 : i32
        %dma_start3A_274 = tpu.memref_slice %arg6[%dma_start3A_271, %dma_start3A_272, %dma_start3A_273] : memref<4x200x64xf32, #tpu.memory_space<vmem>> -> memref<1x72x64xf32, #tpu.memory_space<vmem>>
        %dma_start3A_275 = tpu.memref_squeeze %dma_start3A_274 : memref<1x72x64xf32, #tpu.memory_space<vmem>> -> memref<72x64xf32, #tpu.memory_space<vmem>>
        %dma_start3A_276 = arith.constant 128 : i32
        %dma_start3A_277 = tpu.memref_slice %arg5[%add3A_270, %dma_start3A_276] : memref<128x200xi32, #tpu.memory_space<vmem>> -> memref<1x72xi32, #tpu.memory_space<vmem>>
        %dma_start3A_278 = tpu.memref_squeeze %dma_start3A_277 : memref<1x72xi32, #tpu.memory_space<vmem>> -> memref<72xi32, #tpu.memory_space<vmem>>
        %dma_start3A_279 = arith.constant 0 : i32
        %dma_start3A_280 = arith.constant 0 : i32
        %dma_start3A_281 = tpu.memref_slice %arg3[%dma_start3A_279, %dma_start3A_280] : memref<2000000x64xf32, #tpu.memory_space<hbm>> -> memref<2000000x64xf32, #tpu.memory_space<hbm>>
        tpu.enqueue_indirect_dma source(%dma_start3A_281 : memref<2000000x64xf32, #tpu.memory_space<hbm>>) target(%dma_start3A_275 : memref<72x64xf32, #tpu.memory_space<vmem>>) offsets(%dma_start3A_278 : memref<72xi32, #tpu.memory_space<vmem>>) semaphore(%arg8 : memref<!tpu.dma_semaphore, #tpu.memory_space<semaphore_mem>>)
        %mul3A_282 = arith.constant 4 : i32
        %mul3A_283 = arith.muli %add3A_191, %mul3A_282 : i32
        %add3A_284 = arith.constant 3 : i32
        %add3A_285 = arith.addi %mul3A_283, %add3A_284 : i32
        %dma_start3A_286 = arith.constant 3 : i32
        %dma_start3A_287 = arith.constant 0 : i32
        %dma_start3A_288 = arith.constant 0 : i32
        %dma_start3A_289 = tpu.memref_slice %arg6[%dma_start3A_286, %dma_start3A_287, %dma_start3A_288] : memref<4x200x64xf32, #tpu.memory_space<vmem>> -> memref<1x128x64xf32, #tpu.memory_space<vmem>>
        %dma_start3A_290 = tpu.memref_squeeze %dma_start3A_289 : memref<1x128x64xf32, #tpu.memory_space<vmem>> -> memref<128x64xf32, #tpu.memory_space<vmem>>
        %dma_start3A_291 = arith.constant 0 : i32
        %dma_start3A_292 = tpu.memref_slice %arg5[%add3A_285, %dma_start3A_291] : memref<128x200xi32, #tpu.memory_space<vmem>> -> memref<1x128xi32, #tpu.memory_space<vmem>>
        %dma_start3A_293 = tpu.memref_squeeze %dma_start3A_292 : memref<1x128xi32, #tpu.memory_space<vmem>> -> memref<128xi32, #tpu.memory_space<vmem>>
        %dma_start3A_294 = arith.constant 0 : i32
        %dma_start3A_295 = arith.constant 0 : i32
        %dma_start3A_296 = tpu.memref_slice %arg3[%dma_start3A_294, %dma_start3A_295] : memref<2000000x64xf32, #tpu.memory_space<hbm>> -> memref<2000000x64xf32, #tpu.memory_space<hbm>>
        tpu.enqueue_indirect_dma source(%dma_start3A_296 : memref<2000000x64xf32, #tpu.memory_space<hbm>>) target(%dma_start3A_290 : memref<128x64xf32, #tpu.memory_space<vmem>>) offsets(%dma_start3A_293 : memref<128xi32, #tpu.memory_space<vmem>>) semaphore(%arg8 : memref<!tpu.dma_semaphore, #tpu.memory_space<semaphore_mem>>)
        %mul3A_297 = arith.constant 4 : i32
        %mul3A_298 = arith.muli %add3A_191, %mul3A_297 : i32
        %add3A_299 = arith.constant 3 : i32
        %add3A_300 = arith.addi %mul3A_298, %add3A_299 : i32
        %dma_start3A_301 = arith.constant 3 : i32
        %dma_start3A_302 = arith.constant 128 : i32
        %dma_start3A_303 = arith.constant 0 : i32
        %dma_start3A_304 = tpu.memref_slice %arg6[%dma_start3A_301, %dma_start3A_302, %dma_start3A_303] : memref<4x200x64xf32, #tpu.memory_space<vmem>> -> memref<1x72x64xf32, #tpu.memory_space<vmem>>
        %dma_start3A_305 = tpu.memref_squeeze %dma_start3A_304 : memref<1x72x64xf32, #tpu.memory_space<vmem>> -> memref<72x64xf32, #tpu.memory_space<vmem>>
        %dma_start3A_306 = arith.constant 128 : i32
        %dma_start3A_307 = tpu.memref_slice %arg5[%add3A_300, %dma_start3A_306] : memref<128x200xi32, #tpu.memory_space<vmem>> -> memref<1x72xi32, #tpu.memory_space<vmem>>
        %dma_start3A_308 = tpu.memref_squeeze %dma_start3A_307 : memref<1x72xi32, #tpu.memory_space<vmem>> -> memref<72xi32, #tpu.memory_space<vmem>>
        %dma_start3A_309 = arith.constant 0 : i32
        %dma_start3A_310 = arith.constant 0 : i32
        %dma_start3A_311 = tpu.memref_slice %arg3[%dma_start3A_309, %dma_start3A_310] : memref<2000000x64xf32, #tpu.memory_space<hbm>> -> memref<2000000x64xf32, #tpu.memory_space<hbm>>
        tpu.enqueue_indirect_dma source(%dma_start3A_311 : memref<2000000x64xf32, #tpu.memory_space<hbm>>) target(%dma_start3A_305 : memref<72x64xf32, #tpu.memory_space<vmem>>) offsets(%dma_start3A_308 : memref<72xi32, #tpu.memory_space<vmem>>) semaphore(%arg8 : memref<!tpu.dma_semaphore, #tpu.memory_space<semaphore_mem>>)
      } else {
      }
      %dma_wait3A_159 = arith.constant 0 : i32
      %dma_wait3A_160 = arith.constant 0 : i32
      %dma_wait3A_161 = tpu.memref_slice %arg4[%mul3A_2, %dma_wait3A_159, %dma_wait3A_160] : memref<4096x200x128xf32, #tpu.memory_space<hbm>> -> memref<4x200x64xf32, #tpu.memory_space<hbm>>
      %dma_wait3A_162 = arith.constant 0 : i32
      %dma_wait3A_163 = arith.constant 0 : i32
      %dma_wait3A_164 = tpu.memref_slice %arg4[%mul3A_2, %dma_wait3A_162, %dma_wait3A_163] : memref<4096x200x128xf32, #tpu.memory_space<hbm>> -> memref<4x200x64xf32, #tpu.memory_space<hbm>>
      tpu.wait_dma2 semaphore(%arg9 : memref<!tpu.dma_semaphore, #tpu.memory_space<semaphore_mem>>) src(%dma_wait3A_164 : memref<4x200x64xf32, #tpu.memory_space<hbm>>) dst(%arg7 : memref<4x200x64xf32, #tpu.memory_space<vmem>>)
      %parallel_loop3A_165 = arith.constant 0 : i32
      %parallel_loop3A_166 = arith.constant 200 : i32
      %parallel_loop3A_167 = arith.constant 1 : i32
      scf.for %parallel_loop3A_186 = %parallel_loop3A_165 to %parallel_loop3A_166 step %parallel_loop3A_167  : i32 {
        %parallel_loop3A_187 = arith.constant 0 : i32
        %parallel_loop3A_188 = arith.index_cast %parallel_loop3A_187 : i32 to index
        %parallel_loop3A_189 = arith.index_cast %parallel_loop3A_186 : i32 to index
        %parallel_loop3A_190 = arith.constant 0 : index
        %parallel_loop3A_191 = tpu.vector_load %arg7[%parallel_loop3A_188, %parallel_loop3A_189, %parallel_loop3A_190] {strides = array<i32>} : memref<4x200x64xf32, #tpu.memory_space<vmem>>, vector<1x1x16xf32>,
        %parallel_loop3A_192 = vector.shape_cast %parallel_loop3A_191 : vector<1x1x16xf32> to vector<16xf32>
        %parallel_loop3A_193 = arith.constant 8.000000e+00 : f32
        %parallel_loop3A_194 = vector.broadcast %parallel_loop3A_193 : f32 to vector<16xf32>
        %parallel_loop3A_195 = arith.mulf %parallel_loop3A_192, %parallel_loop3A_194 : vector<16xf32>
        %parallel_loop3A_196 = arith.constant 0 : i32
        %parallel_loop3A_197 = arith.index_cast %parallel_loop3A_196 : i32 to index
        %parallel_loop3A_198 = arith.index_cast %parallel_loop3A_186 : i32 to index
        %parallel_loop3A_199 = arith.constant 0 : index
        %parallel_loop3A_200 = tpu.vector_load %arg7[%parallel_loop3A_197, %parallel_loop3A_198, %parallel_loop3A_199] {strides = array<i32>} : memref<4x200x64xf32, #tpu.memory_space<vmem>>, vector<1x1x16xf32>,
        %parallel_loop3A_201 = vector.shape_cast %parallel_loop3A_200 : vector<1x1x16xf32> to vector<16xf32>
        %parallel_loop3A_202 = vector.shape_cast %parallel_loop3A_195 : vector<16xf32> to vector<1x1x16xf32>
        tpu.vector_store %arg7[%parallel_loop3A_197, %parallel_loop3A_198, %parallel_loop3A_199], %parallel_loop3A_202 {strides = array<i32>} : memref<4x200x64xf32, #tpu.memory_space<vmem>>, vector<1x1x16xf32>,
        %parallel_loop3A_203 = arith.constant 0 : i32
        %parallel_loop3A_204 = arith.index_cast %parallel_loop3A_203 : i32 to index
        %parallel_loop3A_205 = arith.index_cast %parallel_loop3A_186 : i32 to index
        %parallel_loop3A_206 = arith.constant 16 : index
        %parallel_loop3A_207 = tpu.vector_load %arg7[%parallel_loop3A_204, %parallel_loop3A_205, %parallel_loop3A_206] {strides = array<i32>} : memref<4x200x64xf32, #tpu.memory_space<vmem>>, vector<1x1x16xf32>,
        %parallel_loop3A_208 = vector.shape_cast %parallel_loop3A_207 : vector<1x1x16xf32> to vector<16xf32>
        %parallel_loop3A_209 = arith.constant 8.000000e+00 : f32
        %parallel_loop3A_210 = vector.broadcast %parallel_loop3A_209 : f32 to vector<16xf32>
        %parallel_loop3A_211 = arith.mulf %parallel_loop3A_208, %parallel_loop3A_210 : vector<16xf32>
        %parallel_loop3A_212 = arith.constant 0 : i32
        %parallel_loop3A_213 = arith.index_cast %parallel_loop3A_212 : i32 to index
        %parallel_loop3A_214 = arith.index_cast %parallel_loop3A_186 : i32 to index
        %parallel_loop3A_215 = arith.constant 16 : index
        %parallel_loop3A_216 = tpu.vector_load %arg7[%parallel_loop3A_213, %parallel_loop3A_214, %parallel_loop3A_215] {strides = array<i32>} : memref<4x200x64xf32, #tpu.memory_space<vmem>>, vector<1x1x16xf32>,
        %parallel_loop3A_217 = vector.shape_cast %parallel_loop3A_216 : vector<1x1x16xf32> to vector<16xf32>
        %parallel_loop3A_218 = vector.shape_cast %parallel_loop3A_211 : vector<16xf32> to vector<1x1x16xf32>
        tpu.vector_store %arg7[%parallel_loop3A_213, %parallel_loop3A_214, %parallel_loop3A_215], %parallel_loop3A_218 {strides = array<i32>} : memref<4x200x64xf32, #tpu.memory_space<vmem>>, vector<1x1x16xf32>,
        %parallel_loop3A_219 = arith.constant 0 : i32
        %parallel_loop3A_220 = arith.index_cast %parallel_loop3A_219 : i32 to index
        %parallel_loop3A_221 = arith.index_cast %parallel_loop3A_186 : i32 to index
        %parallel_loop3A_222 = arith.constant 32 : index
        %parallel_loop3A_223 = tpu.vector_load %arg7[%parallel_loop3A_220, %parallel_loop3A_221, %parallel_loop3A_222] {strides = array<i32>} : memref<4x200x64xf32, #tpu.memory_space<vmem>>, vector<1x1x16xf32>,
        %parallel_loop3A_224 = vector.shape_cast %parallel_loop3A_223 : vector<1x1x16xf32> to vector<16xf32>
        %parallel_loop3A_225 = arith.constant 8.000000e+00 : f32
        %parallel_loop3A_226 = vector.broadcast %parallel_loop3A_225 : f32 to vector<16xf32>
        %parallel_loop3A_227 = arith.mulf %parallel_loop3A_224, %parallel_loop3A_226 : vector<16xf32>
        %parallel_loop3A_228 = arith.constant 0 : i32
        %parallel_loop3A_229 = arith.index_cast %parallel_loop3A_228 : i32 to index
        %parallel_loop3A_230 = arith.index_cast %parallel_loop3A_186 : i32 to index
        %parallel_loop3A_231 = arith.constant 32 : index
        %parallel_loop3A_232 = tpu.vector_load %arg7[%parallel_loop3A_229, %parallel_loop3A_230, %parallel_loop3A_231] {strides = array<i32>} : memref<4x200x64xf32, #tpu.memory_space<vmem>>, vector<1x1x16xf32>,
        %parallel_loop3A_233 = vector.shape_cast %parallel_loop3A_232 : vector<1x1x16xf32> to vector<16xf32>
        %parallel_loop3A_234 = vector.shape_cast %parallel_loop3A_227 : vector<16xf32> to vector<1x1x16xf32>
        tpu.vector_store %arg7[%parallel_loop3A_229, %parallel_loop3A_230, %parallel_loop3A_231], %parallel_loop3A_234 {strides = array<i32>} : memref<4x200x64xf32, #tpu.memory_space<vmem>>, vector<1x1x16xf32>,
        %parallel_loop3A_235 = arith.constant 0 : i32
        %parallel_loop3A_236 = arith.index_cast %parallel_loop3A_235 : i32 to index
        %parallel_loop3A_237 = arith.index_cast %parallel_loop3A_186 : i32 to index
        %parallel_loop3A_238 = arith.constant 48 : index
        %parallel_loop3A_239 = tpu.vector_load %arg7[%parallel_loop3A_236, %parallel_loop3A_237, %parallel_loop3A_238] {strides = array<i32>} : memref<4x200x64xf32, #tpu.memory_space<vmem>>, vector<1x1x16xf32>,
        %parallel_loop3A_240 = vector.shape_cast %parallel_loop3A_239 : vector<1x1x16xf32> to vector<16xf32>
        %parallel_loop3A_241 = arith.constant 8.000000e+00 : f32
        %parallel_loop3A_242 = vector.broadcast %parallel_loop3A_241 : f32 to vector<16xf32>
        %parallel_loop3A_243 = arith.mulf %parallel_loop3A_240, %parallel_loop3A_242 : vector<16xf32>
        %parallel_loop3A_244 = arith.constant 0 : i32
        %parallel_loop3A_245 = arith.index_cast %parallel_loop3A_244 : i32 to index
        %parallel_loop3A_246 = arith.index_cast %parallel_loop3A_186 : i32 to index
        %parallel_loop3A_247 = arith.constant 48 : index
        %parallel_loop3A_248 = tpu.vector_load %arg7[%parallel_loop3A_245, %parallel_loop3A_246, %parallel_loop3A_247] {strides = array<i32>} : memref<4x200x64xf32, #tpu.memory_space<vmem>>, vector<1x1x16xf32>,
        %parallel_loop3A_249 = vector.shape_cast %parallel_loop3A_248 : vector<1x1x16xf32> to vector<16xf32>
        %parallel_loop3A_250 = vector.shape_cast %parallel_loop3A_243 : vector<16xf32> to vector<1x1x16xf32>
        tpu.vector_store %arg7[%parallel_loop3A_245, %parallel_loop3A_246, %parallel_loop3A_247], %parallel_loop3A_250 {strides = array<i32>} : memref<4x200x64xf32, #tpu.memory_space<vmem>>, vector<1x1x16xf32>,
      } {sc.loop_unroll_factor = 8 : i64, sc.parallel_access}
      %parallel_loop3A_168 = arith.constant 0 : i32
      %parallel_loop3A_169 = arith.constant 200 : i32
      %parallel_loop3A_170 = arith.constant 1 : i32
      scf.for %parallel_loop3A_186 = %parallel_loop3A_168 to %parallel_loop3A_169 step %parallel_loop3A_170  : i32 {
        %parallel_loop3A_187 = arith.constant 1 : i32
        %parallel_loop3A_188 = arith.index_cast %parallel_loop3A_187 : i32 to index
        %parallel_loop3A_189 = arith.index_cast %parallel_loop3A_186 : i32 to index
        %parallel_loop3A_190 = arith.constant 0 : index
        %parallel_loop3A_191 = tpu.vector_load %arg7[%parallel_loop3A_188, %parallel_loop3A_189, %parallel_loop3A_190] {strides = array<i32>} : memref<4x200x64xf32, #tpu.memory_space<vmem>>, vector<1x1x16xf32>,
        %parallel_loop3A_192 = vector.shape_cast %parallel_loop3A_191 : vector<1x1x16xf32> to vector<16xf32>
        %parallel_loop3A_193 = arith.constant 8.000000e+00 : f32
        %parallel_loop3A_194 = vector.broadcast %parallel_loop3A_193 : f32 to vector<16xf32>
        %parallel_loop3A_195 = arith.mulf %parallel_loop3A_192, %parallel_loop3A_194 : vector<16xf32>
        %parallel_loop3A_196 = arith.constant 1 : i32
        %parallel_loop3A_197 = arith.index_cast %parallel_loop3A_196 : i32 to index
        %parallel_loop3A_198 = arith.index_cast %parallel_loop3A_186 : i32 to index
        %parallel_loop3A_199 = arith.constant 0 : index
        %parallel_loop3A_200 = tpu.vector_load %arg7[%parallel_loop3A_197, %parallel_loop3A_198, %parallel_loop3A_199] {strides = array<i32>} : memref<4x200x64xf32, #tpu.memory_space<vmem>>, vector<1x1x16xf32>,
        %parallel_loop3A_201 = vector.shape_cast %parallel_loop3A_200 : vector<1x1x16xf32> to vector<16xf32>
        %parallel_loop3A_202 = vector.shape_cast %parallel_loop3A_195 : vector<16xf32> to vector<1x1x16xf32>
        tpu.vector_store %arg7[%parallel_loop3A_197, %parallel_loop3A_198, %parallel_loop3A_199], %parallel_loop3A_202 {strides = array<i32>} : memref<4x200x64xf32, #tpu.memory_space<vmem>>, vector<1x1x16xf32>,
        %parallel_loop3A_203 = arith.constant 1 : i32
        %parallel_loop3A_204 = arith.index_cast %parallel_loop3A_203 : i32 to index
        %parallel_loop3A_205 = arith.index_cast %parallel_loop3A_186 : i32 to index
        %parallel_loop3A_206 = arith.constant 16 : index
        %parallel_loop3A_207 = tpu.vector_load %arg7[%parallel_loop3A_204, %parallel_loop3A_205, %parallel_loop3A_206] {strides = array<i32>} : memref<4x200x64xf32, #tpu.memory_space<vmem>>, vector<1x1x16xf32>,
        %parallel_loop3A_208 = vector.shape_cast %parallel_loop3A_207 : vector<1x1x16xf32> to vector<16xf32>
        %parallel_loop3A_209 = arith.constant 8.000000e+00 : f32
        %parallel_loop3A_210 = vector.broadcast %parallel_loop3A_209 : f32 to vector<16xf32>
        %parallel_loop3A_211 = arith.mulf %parallel_loop3A_208, %parallel_loop3A_210 : vector<16xf32>
        %parallel_loop3A_212 = arith.constant 1 : i32
        %parallel_loop3A_213 = arith.index_cast %parallel_loop3A_212 : i32 to index
        %parallel_loop3A_214 = arith.index_cast %parallel_loop3A_186 : i32 to index
        %parallel_loop3A_215 = arith.constant 16 : index
        %parallel_loop3A_216 = tpu.vector_load %arg7[%parallel_loop3A_213, %parallel_loop3A_214, %parallel_loop3A_215] {strides = array<i32>} : memref<4x200x64xf32, #tpu.memory_space<vmem>>, vector<1x1x16xf32>,
        %parallel_loop3A_217 = vector.shape_cast %parallel_loop3A_216 : vector<1x1x16xf32> to vector<16xf32>
        %parallel_loop3A_218 = vector.shape_cast %parallel_loop3A_211 : vector<16xf32> to vector<1x1x16xf32>
        tpu.vector_store %arg7[%parallel_loop3A_213, %parallel_loop3A_214, %parallel_loop3A_215], %parallel_loop3A_218 {strides = array<i32>} : memref<4x200x64xf32, #tpu.memory_space<vmem>>, vector<1x1x16xf32>,
        %parallel_loop3A_219 = arith.constant 1 : i32
        %parallel_loop3A_220 = arith.index_cast %parallel_loop3A_219 : i32 to index
        %parallel_loop3A_221 = arith.index_cast %parallel_loop3A_186 : i32 to index
        %parallel_loop3A_222 = arith.constant 32 : index
        %parallel_loop3A_223 = tpu.vector_load %arg7[%parallel_loop3A_220, %parallel_loop3A_221, %parallel_loop3A_222] {strides = array<i32>} : memref<4x200x64xf32, #tpu.memory_space<vmem>>, vector<1x1x16xf32>,
        %parallel_loop3A_224 = vector.shape_cast %parallel_loop3A_223 : vector<1x1x16xf32> to vector<16xf32>
        %parallel_loop3A_225 = arith.constant 8.000000e+00 : f32
        %parallel_loop3A_226 = vector.broadcast %parallel_loop3A_225 : f32 to vector<16xf32>
        %parallel_loop3A_227 = arith.mulf %parallel_loop3A_224, %parallel_loop3A_226 : vector<16xf32>
        %parallel_loop3A_228 = arith.constant 1 : i32
        %parallel_loop3A_229 = arith.index_cast %parallel_loop3A_228 : i32 to index
        %parallel_loop3A_230 = arith.index_cast %parallel_loop3A_186 : i32 to index
        %parallel_loop3A_231 = arith.constant 32 : index
        %parallel_loop3A_232 = tpu.vector_load %arg7[%parallel_loop3A_229, %parallel_loop3A_230, %parallel_loop3A_231] {strides = array<i32>} : memref<4x200x64xf32, #tpu.memory_space<vmem>>, vector<1x1x16xf32>,
        %parallel_loop3A_233 = vector.shape_cast %parallel_loop3A_232 : vector<1x1x16xf32> to vector<16xf32>
        %parallel_loop3A_234 = vector.shape_cast %parallel_loop3A_227 : vector<16xf32> to vector<1x1x16xf32>
        tpu.vector_store %arg7[%parallel_loop3A_229, %parallel_loop3A_230, %parallel_loop3A_231], %parallel_loop3A_234 {strides = array<i32>} : memref<4x200x64xf32, #tpu.memory_space<vmem>>, vector<1x1x16xf32>,
        %parallel_loop3A_235 = arith.constant 1 : i32
        %parallel_loop3A_236 = arith.index_cast %parallel_loop3A_235 : i32 to index
        %parallel_loop3A_237 = arith.index_cast %parallel_loop3A_186 : i32 to index
        %parallel_loop3A_238 = arith.constant 48 : index
        %parallel_loop3A_239 = tpu.vector_load %arg7[%parallel_loop3A_236, %parallel_loop3A_237, %parallel_loop3A_238] {strides = array<i32>} : memref<4x200x64xf32, #tpu.memory_space<vmem>>, vector<1x1x16xf32>,
        %parallel_loop3A_240 = vector.shape_cast %parallel_loop3A_239 : vector<1x1x16xf32> to vector<16xf32>
        %parallel_loop3A_241 = arith.constant 8.000000e+00 : f32
        %parallel_loop3A_242 = vector.broadcast %parallel_loop3A_241 : f32 to vector<16xf32>
        %parallel_loop3A_243 = arith.mulf %parallel_loop3A_240, %parallel_loop3A_242 : vector<16xf32>
        %parallel_loop3A_244 = arith.constant 1 : i32
        %parallel_loop3A_245 = arith.index_cast %parallel_loop3A_244 : i32 to index
        %parallel_loop3A_246 = arith.index_cast %parallel_loop3A_186 : i32 to index
        %parallel_loop3A_247 = arith.constant 48 : index
        %parallel_loop3A_248 = tpu.vector_load %arg7[%parallel_loop3A_245, %parallel_loop3A_246, %parallel_loop3A_247] {strides = array<i32>} : memref<4x200x64xf32, #tpu.memory_space<vmem>>, vector<1x1x16xf32>,
        %parallel_loop3A_249 = vector.shape_cast %parallel_loop3A_248 : vector<1x1x16xf32> to vector<16xf32>
        %parallel_loop3A_250 = vector.shape_cast %parallel_loop3A_243 : vector<16xf32> to vector<1x1x16xf32>
        tpu.vector_store %arg7[%parallel_loop3A_245, %parallel_loop3A_246, %parallel_loop3A_247], %parallel_loop3A_250 {strides = array<i32>} : memref<4x200x64xf32, #tpu.memory_space<vmem>>, vector<1x1x16xf32>,
      } {sc.loop_unroll_factor = 8 : i64, sc.parallel_access}
      %parallel_loop3A_171 = arith.constant 0 : i32
      %parallel_loop3A_172 = arith.constant 200 : i32
      %parallel_loop3A_173 = arith.constant 1 : i32
      scf.for %parallel_loop3A_186 = %parallel_loop3A_171 to %parallel_loop3A_172 step %parallel_loop3A_173  : i32 {
        %parallel_loop3A_187 = arith.constant 2 : i32
        %parallel_loop3A_188 = arith.index_cast %parallel_loop3A_187 : i32 to index
        %parallel_loop3A_189 = arith.index_cast %parallel_loop3A_186 : i32 to index
        %parallel_loop3A_190 = arith.constant 0 : index
        %parallel_loop3A_191 = tpu.vector_load %arg7[%parallel_loop3A_188, %parallel_loop3A_189, %parallel_loop3A_190] {strides = array<i32>} : memref<4x200x64xf32, #tpu.memory_space<vmem>>, vector<1x1x16xf32>,
        %parallel_loop3A_192 = vector.shape_cast %parallel_loop3A_191 : vector<1x1x16xf32> to vector<16xf32>
        %parallel_loop3A_193 = arith.constant 8.000000e+00 : f32
        %parallel_loop3A_194 = vector.broadcast %parallel_loop3A_193 : f32 to vector<16xf32>
        %parallel_loop3A_195 = arith.mulf %parallel_loop3A_192, %parallel_loop3A_194 : vector<16xf32>
        %parallel_loop3A_196 = arith.constant 2 : i32
        %parallel_loop3A_197 = arith.index_cast %parallel_loop3A_196 : i32 to index
        %parallel_loop3A_198 = arith.index_cast %parallel_loop3A_186 : i32 to index
        %parallel_loop3A_199 = arith.constant 0 : index
        %parallel_loop3A_200 = tpu.vector_load %arg7[%parallel_loop3A_197, %parallel_loop3A_198, %parallel_loop3A_199] {strides = array<i32>} : memref<4x200x64xf32, #tpu.memory_space<vmem>>, vector<1x1x16xf32>,
        %parallel_loop3A_201 = vector.shape_cast %parallel_loop3A_200 : vector<1x1x16xf32> to vector<16xf32>
        %parallel_loop3A_202 = vector.shape_cast %parallel_loop3A_195 : vector<16xf32> to vector<1x1x16xf32>
        tpu.vector_store %arg7[%parallel_loop3A_197, %parallel_loop3A_198, %parallel_loop3A_199], %parallel_loop3A_202 {strides = array<i32>} : memref<4x200x64xf32, #tpu.memory_space<vmem>>, vector<1x1x16xf32>,
        %parallel_loop3A_203 = arith.constant 2 : i32
        %parallel_loop3A_204 = arith.index_cast %parallel_loop3A_203 : i32 to index
        %parallel_loop3A_205 = arith.index_cast %parallel_loop3A_186 : i32 to index
        %parallel_loop3A_206 = arith.constant 16 : index
        %parallel_loop3A_207 = tpu.vector_load %arg7[%parallel_loop3A_204, %parallel_loop3A_205, %parallel_loop3A_206] {strides = array<i32>} : memref<4x200x64xf32, #tpu.memory_space<vmem>>, vector<1x1x16xf32>,
        %parallel_loop3A_208 = vector.shape_cast %parallel_loop3A_207 : vector<1x1x16xf32> to vector<16xf32>
        %parallel_loop3A_209 = arith.constant 8.000000e+00 : f32
        %parallel_loop3A_210 = vector.broadcast %parallel_loop3A_209 : f32 to vector<16xf32>
        %parallel_loop3A_211 = arith.mulf %parallel_loop3A_208, %parallel_loop3A_210 : vector<16xf32>
        %parallel_loop3A_212 = arith.constant 2 : i32
        %parallel_loop3A_213 = arith.index_cast %parallel_loop3A_212 : i32 to index
        %parallel_loop3A_214 = arith.index_cast %parallel_loop3A_186 : i32 to index
        %parallel_loop3A_215 = arith.constant 16 : index
        %parallel_loop3A_216 = tpu.vector_load %arg7[%parallel_loop3A_213, %parallel_loop3A_214, %parallel_loop3A_215] {strides = array<i32>} : memref<4x200x64xf32, #tpu.memory_space<vmem>>, vector<1x1x16xf32>,
        %parallel_loop3A_217 = vector.shape_cast %parallel_loop3A_216 : vector<1x1x16xf32> to vector<16xf32>
        %parallel_loop3A_218 = vector.shape_cast %parallel_loop3A_211 : vector<16xf32> to vector<1x1x16xf32>
        tpu.vector_store %arg7[%parallel_loop3A_213, %parallel_loop3A_214, %parallel_loop3A_215], %parallel_loop3A_218 {strides = array<i32>} : memref<4x200x64xf32, #tpu.memory_space<vmem>>, vector<1x1x16xf32>,
        %parallel_loop3A_219 = arith.constant 2 : i32
        %parallel_loop3A_220 = arith.index_cast %parallel_loop3A_219 : i32 to index
        %parallel_loop3A_221 = arith.index_cast %parallel_loop3A_186 : i32 to index
        %parallel_loop3A_222 = arith.constant 32 : index
        %parallel_loop3A_223 = tpu.vector_load %arg7[%parallel_loop3A_220, %parallel_loop3A_221, %parallel_loop3A_222] {strides = array<i32>} : memref<4x200x64xf32, #tpu.memory_space<vmem>>, vector<1x1x16xf32>,
        %parallel_loop3A_224 = vector.shape_cast %parallel_loop3A_223 : vector<1x1x16xf32> to vector<16xf32>
        %parallel_loop3A_225 = arith.constant 8.000000e+00 : f32
        %parallel_loop3A_226 = vector.broadcast %parallel_loop3A_225 : f32 to vector<16xf32>
        %parallel_loop3A_227 = arith.mulf %parallel_loop3A_224, %parallel_loop3A_226 : vector<16xf32>
        %parallel_loop3A_228 = arith.constant 2 : i32
        %parallel_loop3A_229 = arith.index_cast %parallel_loop3A_228 : i32 to index
        %parallel_loop3A_230 = arith.index_cast %parallel_loop3A_186 : i32 to index
        %parallel_loop3A_231 = arith.constant 32 : index
        %parallel_loop3A_232 = tpu.vector_load %arg7[%parallel_loop3A_229, %parallel_loop3A_230, %parallel_loop3A_231] {strides = array<i32>} : memref<4x200x64xf32, #tpu.memory_space<vmem>>, vector<1x1x16xf32>,
        %parallel_loop3A_233 = vector.shape_cast %parallel_loop3A_232 : vector<1x1x16xf32> to vector<16xf32>
        %parallel_loop3A_234 = vector.shape_cast %parallel_loop3A_227 : vector<16xf32> to vector<1x1x16xf32>
        tpu.vector_store %arg7[%parallel_loop3A_229, %parallel_loop3A_230, %parallel_loop3A_231], %parallel_loop3A_234 {strides = array<i32>} : memref<4x200x64xf32, #tpu.memory_space<vmem>>, vector<1x1x16xf32>,
        %parallel_loop3A_235 = arith.constant 2 : i32
        %parallel_loop3A_236 = arith.index_cast %parallel_loop3A_235 : i32 to index
        %parallel_loop3A_237 = arith.index_cast %parallel_loop3A_186 : i32 to index
        %parallel_loop3A_238 = arith.constant 48 : index
        %parallel_loop3A_239 = tpu.vector_load %arg7[%parallel_loop3A_236, %parallel_loop3A_237, %parallel_loop3A_238] {strides = array<i32>} : memref<4x200x64xf32, #tpu.memory_space<vmem>>, vector<1x1x16xf32>,
        %parallel_loop3A_240 = vector.shape_cast %parallel_loop3A_239 : vector<1x1x16xf32> to vector<16xf32>
        %parallel_loop3A_241 = arith.constant 8.000000e+00 : f32
        %parallel_loop3A_242 = vector.broadcast %parallel_loop3A_241 : f32 to vector<16xf32>
        %parallel_loop3A_243 = arith.mulf %parallel_loop3A_240, %parallel_loop3A_242 : vector<16xf32>
        %parallel_loop3A_244 = arith.constant 2 : i32
        %parallel_loop3A_245 = arith.index_cast %parallel_loop3A_244 : i32 to index
        %parallel_loop3A_246 = arith.index_cast %parallel_loop3A_186 : i32 to index
        %parallel_loop3A_247 = arith.constant 48 : index
        %parallel_loop3A_248 = tpu.vector_load %arg7[%parallel_loop3A_245, %parallel_loop3A_246, %parallel_loop3A_247] {strides = array<i32>} : memref<4x200x64xf32, #tpu.memory_space<vmem>>, vector<1x1x16xf32>,
        %parallel_loop3A_249 = vector.shape_cast %parallel_loop3A_248 : vector<1x1x16xf32> to vector<16xf32>
        %parallel_loop3A_250 = vector.shape_cast %parallel_loop3A_243 : vector<16xf32> to vector<1x1x16xf32>
        tpu.vector_store %arg7[%parallel_loop3A_245, %parallel_loop3A_246, %parallel_loop3A_247], %parallel_loop3A_250 {strides = array<i32>} : memref<4x200x64xf32, #tpu.memory_space<vmem>>, vector<1x1x16xf32>,
      } {sc.loop_unroll_factor = 8 : i64, sc.parallel_access}
      %parallel_loop3A_174 = arith.constant 0 : i32
      %parallel_loop3A_175 = arith.constant 200 : i32
      %parallel_loop3A_176 = arith.constant 1 : i32
      scf.for %parallel_loop3A_186 = %parallel_loop3A_174 to %parallel_loop3A_175 step %parallel_loop3A_176  : i32 {
        %parallel_loop3A_187 = arith.constant 3 : i32
        %parallel_loop3A_188 = arith.index_cast %parallel_loop3A_187 : i32 to index
        %parallel_loop3A_189 = arith.index_cast %parallel_loop3A_186 : i32 to index
        %parallel_loop3A_190 = arith.constant 0 : index
        %parallel_loop3A_191 = tpu.vector_load %arg7[%parallel_loop3A_188, %parallel_loop3A_189, %parallel_loop3A_190] {strides = array<i32>} : memref<4x200x64xf32, #tpu.memory_space<vmem>>, vector<1x1x16xf32>,
        %parallel_loop3A_192 = vector.shape_cast %parallel_loop3A_191 : vector<1x1x16xf32> to vector<16xf32>
        %parallel_loop3A_193 = arith.constant 8.000000e+00 : f32
        %parallel_loop3A_194 = vector.broadcast %parallel_loop3A_193 : f32 to vector<16xf32>
        %parallel_loop3A_195 = arith.mulf %parallel_loop3A_192, %parallel_loop3A_194 : vector<16xf32>
        %parallel_loop3A_196 = arith.constant 3 : i32
        %parallel_loop3A_197 = arith.index_cast %parallel_loop3A_196 : i32 to index
        %parallel_loop3A_198 = arith.index_cast %parallel_loop3A_186 : i32 to index
        %parallel_loop3A_199 = arith.constant 0 : index
        %parallel_loop3A_200 = tpu.vector_load %arg7[%parallel_loop3A_197, %parallel_loop3A_198, %parallel_loop3A_199] {strides = array<i32>} : memref<4x200x64xf32, #tpu.memory_space<vmem>>, vector<1x1x16xf32>,
        %parallel_loop3A_201 = vector.shape_cast %parallel_loop3A_200 : vector<1x1x16xf32> to vector<16xf32>
        %parallel_loop3A_202 = vector.shape_cast %parallel_loop3A_195 : vector<16xf32> to vector<1x1x16xf32>
        tpu.vector_store %arg7[%parallel_loop3A_197, %parallel_loop3A_198, %parallel_loop3A_199], %parallel_loop3A_202 {strides = array<i32>} : memref<4x200x64xf32, #tpu.memory_space<vmem>>, vector<1x1x16xf32>,
        %parallel_loop3A_203 = arith.constant 3 : i32
        %parallel_loop3A_204 = arith.index_cast %parallel_loop3A_203 : i32 to index
        %parallel_loop3A_205 = arith.index_cast %parallel_loop3A_186 : i32 to index
        %parallel_loop3A_206 = arith.constant 16 : index
        %parallel_loop3A_207 = tpu.vector_load %arg7[%parallel_loop3A_204, %parallel_loop3A_205, %parallel_loop3A_206] {strides = array<i32>} : memref<4x200x64xf32, #tpu.memory_space<vmem>>, vector<1x1x16xf32>,
        %parallel_loop3A_208 = vector.shape_cast %parallel_loop3A_207 : vector<1x1x16xf32> to vector<16xf32>
        %parallel_loop3A_209 = arith.constant 8.000000e+00 : f32
        %parallel_loop3A_210 = vector.broadcast %parallel_loop3A_209 : f32 to vector<16xf32>
        %parallel_loop3A_211 = arith.mulf %parallel_loop3A_208, %parallel_loop3A_210 : vector<16xf32>
        %parallel_loop3A_212 = arith.constant 3 : i32
        %parallel_loop3A_213 = arith.index_cast %parallel_loop3A_212 : i32 to index
        %parallel_loop3A_214 = arith.index_cast %parallel_loop3A_186 : i32 to index
        %parallel_loop3A_215 = arith.constant 16 : index
        %parallel_loop3A_216 = tpu.vector_load %arg7[%parallel_loop3A_213, %parallel_loop3A_214, %parallel_loop3A_215] {strides = array<i32>} : memref<4x200x64xf32, #tpu.memory_space<vmem>>, vector<1x1x16xf32>,
        %parallel_loop3A_217 = vector.shape_cast %parallel_loop3A_216 : vector<1x1x16xf32> to vector<16xf32>
        %parallel_loop3A_218 = vector.shape_cast %parallel_loop3A_211 : vector<16xf32> to vector<1x1x16xf32>
        tpu.vector_store %arg7[%parallel_loop3A_213, %parallel_loop3A_214, %parallel_loop3A_215], %parallel_loop3A_218 {strides = array<i32>} : memref<4x200x64xf32, #tpu.memory_space<vmem>>, vector<1x1x16xf32>,
        %parallel_loop3A_219 = arith.constant 3 : i32
        %parallel_loop3A_220 = arith.index_cast %parallel_loop3A_219 : i32 to index
        %parallel_loop3A_221 = arith.index_cast %parallel_loop3A_186 : i32 to index
        %parallel_loop3A_222 = arith.constant 32 : index
        %parallel_loop3A_223 = tpu.vector_load %arg7[%parallel_loop3A_220, %parallel_loop3A_221, %parallel_loop3A_222] {strides = array<i32>} : memref<4x200x64xf32, #tpu.memory_space<vmem>>, vector<1x1x16xf32>,
        %parallel_loop3A_224 = vector.shape_cast %parallel_loop3A_223 : vector<1x1x16xf32> to vector<16xf32>
        %parallel_loop3A_225 = arith.constant 8.000000e+00 : f32
        %parallel_loop3A_226 = vector.broadcast %parallel_loop3A_225 : f32 to vector<16xf32>
        %parallel_loop3A_227 = arith.mulf %parallel_loop3A_224, %parallel_loop3A_226 : vector<16xf32>
        %parallel_loop3A_228 = arith.constant 3 : i32
        %parallel_loop3A_229 = arith.index_cast %parallel_loop3A_228 : i32 to index
        %parallel_loop3A_230 = arith.index_cast %parallel_loop3A_186 : i32 to index
        %parallel_loop3A_231 = arith.constant 32 : index
        %parallel_loop3A_232 = tpu.vector_load %arg7[%parallel_loop3A_229, %parallel_loop3A_230, %parallel_loop3A_231] {strides = array<i32>} : memref<4x200x64xf32, #tpu.memory_space<vmem>>, vector<1x1x16xf32>,
        %parallel_loop3A_233 = vector.shape_cast %parallel_loop3A_232 : vector<1x1x16xf32> to vector<16xf32>
        %parallel_loop3A_234 = vector.shape_cast %parallel_loop3A_227 : vector<16xf32> to vector<1x1x16xf32>
        tpu.vector_store %arg7[%parallel_loop3A_229, %parallel_loop3A_230, %parallel_loop3A_231], %parallel_loop3A_234 {strides = array<i32>} : memref<4x200x64xf32, #tpu.memory_space<vmem>>, vector<1x1x16xf32>,
        %parallel_loop3A_235 = arith.constant 3 : i32
        %parallel_loop3A_236 = arith.index_cast %parallel_loop3A_235 : i32 to index
        %parallel_loop3A_237 = arith.index_cast %parallel_loop3A_186 : i32 to index
        %parallel_loop3A_238 = arith.constant 48 : index
        %parallel_loop3A_239 = tpu.vector_load %arg7[%parallel_loop3A_236, %parallel_loop3A_237, %parallel_loop3A_238] {strides = array<i32>} : memref<4x200x64xf32, #tpu.memory_space<vmem>>, vector<1x1x16xf32>,
        %parallel_loop3A_240 = vector.shape_cast %parallel_loop3A_239 : vector<1x1x16xf32> to vector<16xf32>
        %parallel_loop3A_241 = arith.constant 8.000000e+00 : f32
        %parallel_loop3A_242 = vector.broadcast %parallel_loop3A_241 : f32 to vector<16xf32>
        %parallel_loop3A_243 = arith.mulf %parallel_loop3A_240, %parallel_loop3A_242 : vector<16xf32>
        %parallel_loop3A_244 = arith.constant 3 : i32
        %parallel_loop3A_245 = arith.index_cast %parallel_loop3A_244 : i32 to index
        %parallel_loop3A_246 = arith.index_cast %parallel_loop3A_186 : i32 to index
        %parallel_loop3A_247 = arith.constant 48 : index
        %parallel_loop3A_248 = tpu.vector_load %arg7[%parallel_loop3A_245, %parallel_loop3A_246, %parallel_loop3A_247] {strides = array<i32>} : memref<4x200x64xf32, #tpu.memory_space<vmem>>, vector<1x1x16xf32>,
        %parallel_loop3A_249 = vector.shape_cast %parallel_loop3A_248 : vector<1x1x16xf32> to vector<16xf32>
        %parallel_loop3A_250 = vector.shape_cast %parallel_loop3A_243 : vector<16xf32> to vector<1x1x16xf32>
        tpu.vector_store %arg7[%parallel_loop3A_245, %parallel_loop3A_246, %parallel_loop3A_247], %parallel_loop3A_250 {strides = array<i32>} : memref<4x200x64xf32, #tpu.memory_space<vmem>>, vector<1x1x16xf32>,
      } {sc.loop_unroll_factor = 8 : i64, sc.parallel_access}
      %mul3A_177 = arith.constant 4 : i32
      %mul3A_178 = arith.muli %add3A_151, %mul3A_177 : i32
      %add3A_179 = arith.addi %mul3A_2, %mul3A_178 : i32
      %dma_start3A_180 = arith.constant 0 : i32
      %dma_start3A_181 = arith.constant 0 : i32
      %dma_start3A_182 = tpu.memref_slice %arg4[%add3A_179, %dma_start3A_180, %dma_start3A_181] : memref<4096x200x128xf32, #tpu.memory_space<hbm>> -> memref<4x200x64xf32, #tpu.memory_space<hbm>>
      %dma_start3A_183 = arith.constant 0 : i32
      %dma_start3A_184 = arith.constant 0 : i32
      %dma_start3A_185 = tpu.memref_slice %arg4[%add3A_179, %dma_start3A_183, %dma_start3A_184] : memref<4096x200x128xf32, #tpu.memory_space<hbm>> -> memref<4x200x64xf32, #tpu.memory_space<hbm>>
      tpu.enqueue_dma source(%arg7 : memref<4x200x64xf32, #tpu.memory_space<vmem>>) target(%dma_start3A_185 : memref<4x200x64xf32, #tpu.memory_space<hbm>>) target_semaphore(%arg11 : memref<!tpu.dma_semaphore, #tpu.memory_space<semaphore_mem>>)
    }
    %scan3A_101 = arith.constant 16 : i32
    %dma_wait3A = arith.constant 0 : i32
    %dma_wait3A_102 = arith.constant 0 : i32
    %dma_wait3A_103 = tpu.memref_slice %arg4[%mul3A_2, %dma_wait3A, %dma_wait3A_102] : memref<4096x200x128xf32, #tpu.memory_space<hbm>> -> memref<4x200x64xf32, #tpu.memory_space<hbm>>
    %dma_wait3A_104 = arith.constant 0 : i32
    %dma_wait3A_105 = arith.constant 0 : i32
    %dma_wait3A_106 = tpu.memref_slice %arg4[%mul3A_2, %dma_wait3A_104, %dma_wait3A_105] : memref<4096x200x128xf32, #tpu.memory_space<hbm>> -> memref<4x200x64xf32, #tpu.memory_space<hbm>>
    tpu.wait_dma2 semaphore(%arg10 : memref<!tpu.dma_semaphore, #tpu.memory_space<semaphore_mem>>) src(%arg6 : memref<4x200x64xf32, #tpu.memory_space<vmem>>) dst(%dma_wait3A_106 : memref<4x200x64xf32, #tpu.memory_space<hbm>>)
    %dma_wait3A_107 = arith.constant 0 : i32
    %dma_wait3A_108 = arith.constant 0 : i32
    %dma_wait3A_109 = tpu.memref_slice %arg4[%mul3A_2, %dma_wait3A_107, %dma_wait3A_108] : memref<4096x200x128xf32, #tpu.memory_space<hbm>> -> memref<4x200x64xf32, #tpu.memory_space<hbm>>
    %dma_wait3A_110 = arith.constant 0 : i32
    %dma_wait3A_111 = arith.constant 0 : i32
    %dma_wait3A_112 = tpu.memref_slice %arg4[%mul3A_2, %dma_wait3A_110, %dma_wait3A_111] : memref<4096x200x128xf32, #tpu.memory_space<hbm>> -> memref<4x200x64xf32, #tpu.memory_space<hbm>>
    tpu.wait_dma2 semaphore(%arg11 : memref<!tpu.dma_semaphore, #tpu.memory_space<semaphore_mem>>) src(%arg7 : memref<4x200x64xf32, #tpu.memory_space<vmem>>) dst(%dma_wait3A_112 : memref<4x200x64xf32, #tpu.memory_space<hbm>>)
    return
  }
}

</mosaic_0001>

<sc_bundles>
// kernel: kernel.3.cloned.1.call-start
scs
__scs_entry_jumppad:
0x0: {  	(pc) =	sbr.rel $0x88, $3  }
0x1: {  	(tag) =	ssettag $0x0;
	lr =	simm.s32 $0x1  }
0x2: {  	[smem:$0x3F9F] =	sst lr;
	_ =	strace $0xD0000000  }
0x3: {  	_ = 	snop  }
0x4: {  	_ = 	snop  }
0x5: {  	_ = 	snop  }
0x6: {  	_ = 	snop  }
0x7: {  	_ = 	snop  }
__scs_overlays_trampoline_lowered:
0x8: {  	[smem:$0x3FAE] =	sst s0  }
0x9: {  	[smem:$0x3FAF] =	sst s1  }
0xa: {  	[smem:$0x3FB0] =	sst s2  }
0xb: {  	[smem:$0x3FB1] =	sst s3  }
0xc: {  	[smem:$0x3FB2] =	sst s4  }
0xd: {  	[smem:$0x3FB3] =	sst s5  }
0xe: {  	[smem:$0x3FB4] =	sst s6  }
0xf: {  	[smem:$0x3FB5] =	sst s7  }
0x10: {  	[smem:$0x3FB6] =	sst s8  }
0x11: {  	[smem:$0x3FB7] =	sst s9;
	s0 =	simm.s32 @!p0 $0x0  }
0x12: {  	s1 =	sld [smem:$0x3F9D];
	s0 =	simm.s32 @p0 $0x1  }
0x13: {  	[smem:$0x3FB8] =	sst s0;
	s0 =	simm.s32 @!p1 $0x0  }
0x14: {  	s2 =	sld [smem:$0x3F9C];
	s0 =	simm.s32 @p1 $0x1  }
0x15: {  	[smem:$0x3FB9] =	sst s0;
	s0 =	simm.s32 @!p2 $0x0  }
0x16: {  	s3 =	sld [smem:$0x3FDB];
	s0 =	simm.s32 @p2 $0x1  }
0x17: {  	s4 =	simm.s32 $0x1BF5;
	[smem:$0x3FBB] =	sst s0  }
0x18: {  	s0 =	sld [smem:$0x3F9E];
	_ =	swait.ge [sflag:s4], $0x0  }
0x19: {  	s7 =	sld [smem:$0x3F9F]  }
0x1a: {  	s8 =	sadd.s32 $0xFFFFE003, lr  }
0x1b: {  	s9 =	sadd.s32 $0xFFFFFEF7, lr;
	s5 =	simm.s32 $0xFFFFFFFF;
	p2 =	slt.u32 s8, $0xFFFFF086  }
0x1c: {  	p1 =	slt.u32 s9, $0xF7A;
	s5 =	simm.s32 @!p2 $0x0  }
0x1d: {  	s5 =	simm.s32 @p1 $0x1;
	p0 =	seq.s32 s7, s2  }
0x1e: {  	s7 =	smul.u32 @!p0 $0xF7A, s2;
	p2 =	seq.s32 @!p0 s5, $0x0  }
0x1f: {  	s9 =	smul.u32 $0xF7A, s1;
	s8 =	simm.s32 @!p0 $0x1BF5;
	p2 =	por !p2, p0  }
0x20: {  	[sflag:s8] =	ssyncset.s32 @!p0 $0xFFFFF086;
	s6 =	sadd.s32 @!p0 s3, s7;
	s7 =	simm.s32 @!p0 $0x108  }
0x21: {  	s3 =	sadd.s32 s3, s9;
	s6 =	sadd.s32 @!p0 $0x88, s6;
	s7 =	simm.s32 @p2 $0x1082  }
0x22: {  	[simem:s7], [sflag:s8] =	dma.local @!p0 [hbm:s6], $0xF7A  }
0x23: {  	s9 =	sor.u32 $0xD0000000, s2;
	s6 =	simm.s32 $0x108;
	_ =	swait.ge @!p0 [sflag:s8], $0x0  }
0x24: {  	s3 =	sadd.s32 $0x88, s3;
	s6 =	simm.s32 @!p1 $0x1082;
	[sflag:s4] =	ssyncset.s32 $0xFFFFF086  }
0x25: {  	[simem:s6], [sflag:s4] =	dma.local [hbm:s3], $0xF7A  }
0x26: {  	[smem:$0x3F9F] =	sst s1;
	(tag) =	ssettag s2;
	_ =	strace s9  }
0x27: {  	s1 =	sld [smem:$0x3FAF]  }
0x28: {  	s2 =	sld [smem:$0x3FB0]  }
0x29: {  	s4 =	sld [smem:$0x3FB2]  }
0x2a: {  	p0 =	seq.s32 s5, $0x0;
	s5 =	sld [smem:$0x3FB3]  }
0x2b: {  	s6 =	sld [smem:$0x3FB4]  }
0x2c: {  	s7 =	sld [smem:$0x3FB5]  }
0x2d: {  	s3 =	simm.s32 $0x108;
	s8 =	sld [smem:$0x3FB6]  }
0x2e: {  	s3 =	simm.s32 @!p0 $0x1082;
	s9 =	sld [smem:$0x3FB7]  }
0x2f: {  	lr =	sadd.s32 s0, s3;
	s0 =	sld [smem:$0x3FAE]  }
0x30: {  	s3 =	sld [smem:$0x3FB1]  }
0x31: {  	[smem:$0x3FBA] =	sst s10  }
0x32: {  	s10 =	sld [smem:$0x3FB8];
	_ =	sdelay $0x3  }
0x33: {  	p0 =	seq.s32 s10, $0x1;
	s10 =	sld [smem:$0x3FBA];
	_ =	sdelay $0x3  }
0x34: {  	[smem:$0x3FBA] =	sst s10  }
0x35: {  	s10 =	sld [smem:$0x3FB9];
	_ =	sdelay $0x3  }
0x36: {  	p1 =	seq.s32 s10, $0x1;
	s10 =	sld [smem:$0x3FBA];
	_ =	sdelay $0x3  }
0x37: {  	[smem:$0x3FBA] =	sst s10  }
0x38: {  	s10 =	sld [smem:$0x3FBB]  }
0x39: {  	_ = 	snop;
	(pc) =	sbr.ind lr, $3  }
0x3a: {  	_ = 	snop  }
0x3b: {  	_ = 	snop  }
0x3c: {  	p2 =	seq.s32 s10, $0x1;
	s10 =	sld [smem:$0x3FBA]  }
0x3d: {  	_ =	shalt  }
0x3e: {  	_ =	shalt  }
0x3f: {  	_ =	shalt  }
0x40: {  	_ =	shalt  }
0x41: {  	_ =	shalt  }
0x42: {  	_ =	shalt  }
0x43: {  	_ =	shalt  }
0x44: {  	_ =	shalt  }
0x45: {  	_ =	shalt  }
0x46: {  	_ =	shalt  }
0x47: {  	_ =	shalt  }
0x48: {  	_ =	shalt  }
0x49: {  	_ =	shalt  }
0x4a: {  	_ =	shalt  }
0x4b: {  	_ =	shalt  }
0x4c: {  	_ =	shalt  }
0x4d: {  	_ =	shalt  }
0x4e: {  	_ =	shalt  }
0x4f: {  	_ =	shalt  }
0x50: {  	_ =	shalt  }
0x51: {  	_ =	shalt  }
0x52: {  	_ =	shalt  }
0x53: {  	_ =	shalt  }
0x54: {  	_ =	shalt  }
0x55: {  	_ =	shalt  }
0x56: {  	_ =	shalt  }
0x57: {  	_ =	shalt  }
0x58: {  	_ =	shalt  }
0x59: {  	_ =	shalt  }
0x5a: {  	_ =	shalt  }
0x5b: {  	_ =	shalt  }
0x5c: {  	_ =	shalt  }
0x5d: {  	_ =	shalt  }
0x5e: {  	_ =	shalt  }
0x5f: {  	_ =	shalt  }
0x60: {  	_ =	shalt  }
0x61: {  	_ =	shalt  }
0x62: {  	_ =	shalt  }
0x63: {  	_ =	shalt  }
0x64: {  	_ =	shalt  }
0x65: {  	_ =	shalt  }
0x66: {  	_ =	shalt  }
0x67: {  	_ =	shalt  }
0x68: {  	_ =	shalt  }
0x69: {  	_ =	shalt  }
0x6a: {  	_ =	shalt  }
0x6b: {  	_ =	shalt  }
0x6c: {  	_ =	shalt  }
0x6d: {  	_ =	shalt  }
0x6e: {  	_ =	shalt  }
0x6f: {  	_ =	shalt  }
0x70: {  	_ =	shalt  }
0x71: {  	_ =	shalt  }
0x72: {  	_ =	shalt  }
0x73: {  	_ =	shalt  }
0x74: {  	_ =	shalt  }
0x75: {  	_ =	shalt  }
0x76: {  	_ =	shalt  }
0x77: {  	_ =	shalt  }
0x78: {  	_ =	shalt  }
0x79: {  	_ =	shalt  }
0x7a: {  	_ =	shalt  }
0x7b: {  	_ =	shalt  }
0x7c: {  	_ =	shalt  }
0x7d: {  	_ =	shalt  }
0x7e: {  	_ =	shalt  }
0x7f: {  	_ =	shalt  }
0x80: {  	_ =	shalt  }
0x81: {  	_ =	shalt  }
0x82: {  	_ =	shalt  }
0x83: {  	_ =	shalt  }
0x84: {  	_ =	shalt  }
0x85: {  	_ =	shalt  }
0x86: {  	_ =	shalt  }
0x87: {  	_ =	shalt  }
.Lfunc_end0:
.L_simem_size_0:
called_computation.2_lowered:
.L_overlay_start_0:
0x88: {  	s2 =	sld [smem:$0x3FD9]  }
0x89: {  	s3 =	sld [smem:$0x3FFE];
	_ =	sdelay $0x1  }
0x8a: {  	s1 =	srdreg.scid  }
0x8b: {  	s0 =	sand.u32 $0x1, s1  }
0x8c: {  	s17 =	sshll.u32 s0, $0xA;
	s2 =	sadd.s32 s3, s2  }
0x8d: {  	s2 =	sadd.s32 s2, s17  }
0x8e: {  	[smem:$0x3FC6] =	sst s2  }
0x8f: {  	_ = 	snop  }
0x90: {  	s2 =	sld [smem:$0x3FD0];
	(tm) =	ssettm $0x1  }
0x91: {  	s18 =	sld [smem:$0x3FFB];
	_ =	sdelay $0x3  }
0x92: {  	_ =	strace s18  }
0x93: {  	s3 =	sld [smem:$0x3FFC];
	_ =	sdelay $0x3  }
0x94: {  	_ =	strace s3  }
0x95: {  	s3 =	sld [smem:$0x3FFD];
	_ =	sdelay $0x3  }
0x96: {  	_ =	strace s3  }
0x97: {  	_ =	strace $0x8FFFFFFF  }
0x98: {  	s19 =	sld [smem:$0x3FDB];
	_ =	sdelay $0x1  }
0x99: {  	s4 =	simm.s32 $_scs_section_size  }
0x9a: {  	s5 =	simm.s32 $_size__tile_overlayer_lowered;
	s6 =	simm.s32 $_tile_overlayer_lowered  }
0x9b: {  	s22 =	simm.s32 $0x1BFF;
	s21 =	sshll.u32 s6, $0x1;
	s3 =	sadd.s32 s4, s19  }
0x9c: {  	s7 =	simm.s32 $0x0;
	s20 =	sshll.u32 s5, $0x1;
	s5 =	sadd.s32 s21, s3  }
0x9d: {  	[timem:s7], [sflag:s22] =	dma.local [hbm:s5], s20  }
0x9e: {  	_ =	swait.ge [sflag:s22], s20  }
0x9f: {  	s4 =	ssub.s32 $0x0, s20;
	[sflag:s22] =	ssyncset.done $0x0  }
0xa0: {  	[sflag:s22] =	ssyncadd.s32 s4;
	_ =	sdelay $0x1  }
0xa1: {  	s23 =	simm.s32 $0x1B8B  }
0xa2: {  	_ =	swait.ge [sflag:s23], $0x1  }
0xa3: {  	[sflag:s23] =	ssyncset.done $0x0  }
0xa4: {  	s25 =	simm.s32 $0x1B8E;
	s24 =	sld [smem:$0x3FFE];
	[sflag:s23] =	ssyncadd.s32 $0xFFFFFFFF  }
0xa5: {  	s26 =	simm.s32 $execute0_lowered;
	[smem:$0x3FD2] =	sst s25  }
0xa6: {  	s5 =	sshll.u32 s26, $0x1;
	_ =	strace $0x80000049;
	[dreg:$0x1] =	wrdreg $0xFFFFFFFF  }
0xa7: {  	s28 =	simm.s32 $_size_execute0_lowered;
	s3 =	sadd.s32 s3, s5;
	[dreg:$0x0] =	wrdreg $0x0  }
0xa8: {  	s5 =	sshll.u32 s28, $0x1;
	[dreg:$0x2] =	wrdreg s3  }
0xa9: {  	[dreg:$0x3] =	wrdreg s5  }
0xaa: {  	[dreg:$0x4] =	wrdreg $0xC0  }
0xab: {  	_ =	task [dreg:s7], $0x5FFFF  }
0xac: {  	[dreg:$0x1] =	wrdreg $0xFFFFFFFF  }
0xad: {  	[dreg:$0x0] =	wrdreg $0x60  }
0xae: {  	[dreg:$0x2] =	wrdreg s2  }
0xaf: {  	[dreg:$0x3] =	wrdreg s24  }
0xb0: {  	[dreg:$0x4] =	wrdreg $0x9  }
0xb1: {  	_ =	task.clear_ibuf [dreg:s7], $0x5FFFF;
	_ =	strace $0x90000049  }
0xb2: {  	s29 =	simm.s32 $0x9;
	_ =	strace $0x8000004B  }
0xb3: {  	_ =	swait.ge [sflag:s29], $0x1  }
0xb4: {  	[sflag:s29] =	ssyncadd.s32 $0xFFFFFFFF  }
0xb5: {  	_ =	strace $0x9000004B  }
0xb6: {  	_ =	sfence  }
0xb7: {  	s30 =	sld [smem:$0x0];
	_ =	sdelay $0x2  }
0xb8: {  	s31 =	sshll.u32 s1, $0xD;
	s1 =	sshrl.u32 s1, $0x2  }
0xb9: {  	s3 =	sand.u32 $0x4000, s31;
	s1 =	sadd.s32 s1, s30  }
0xba: {  	s0 =	sor.u32 s3, s0;
	s1 =	sshll.u32 s1, $0x11  }
0xbb: {  	s0 =	sor.u32 s1, s0  }
0xbc: {  	s0 =	sadd.s32 $0x8F2B, s0  }
0xbd: {  	[sflag:s0] =	ssyncadd.remote.s32 $0x1  }
0xbe: {  	_ =	sfence.sel $0xFFFF  }
0xbf: {  	[dreg:$0x0] =	wrdreg $0xFFFFFFFF;
	(pc) =	sbr.abs _section_cstart, $3  }
0xc0: {  	[dreg:$0x1] =	wrdreg $0xFFFFFFFF  }
0xc1: {  	_ =	task.clear_ibuf [dreg:s7], $0x2FFFF;
	_ =	strace $0x9FFFFFFF  }
0xc2: {  	(tm) =	ssettm $0x7FFFFFFF  }
0xc3: {  	_ =	shalt  }
tec
execute0_lowered:
.L_overlay_start_1:
0x0: {  	(tag) =	ssettag $0x1  }
0x1: {  	s0 =	rddreg [dreg:$0x0]  }
0x2: {  	s1 =	rddreg [dreg:$0x1]  }
0x3: {  	s2 =	srdreg.scid;
	s4 =	stileid.u32  }
0x4: {  	s9 =	simm.s32 $0x80;
	s10 =	simm.s32 $0x6400;
	s11 =	simm.s32 $0x48  }
0x5: {  	s25 =	simm.s32 $0x12C00;
	s28 =	simm.s32 $0x15E00;
	s29 =	simm.s32 $0x17E00  }
0x6: {  	s30 =	simm.s32 $0x19000;
	s31 =	simm.s32 $0x1B000;
	s12 =	simm.s32 $0x1  }
0x7: {  	s13 =	simm.s32 $0x40;
	s14 =	simm.s32 $0x2;
	s15 =	simm.s32 $0x3  }
0x8: {  	s16 =	simm.s32 $0x4;
	s17 =	simm.s32 $0x0;
	s3 =	sand.u32 $0x1, s2  }
0x9: {  	s2 =	simm.s32 $0x0;
	s4 =	sshll.u32 s4, $0x8;
	s5 =	sshll.u32 s3, $0x7  }
0xa: {  	[smem:$0x7FF] =	sst s2;
	s6 =	ssub.s32 $0x2, s3;
	s3 =	sor.u32 s5, s4  }
0xb: {  	_ =	strace $0x8000004A;
	s7 =	sshrl.u32 s6, $0x1;
	s4 =	sadd.s32 $0xF43200, s1  }
0xc: {  	s5 =	sadd.s32 $0xE00, s1;
	s8 =	smul.u32 $0x19, s3;
	s26 =	ssub.s32 s6, s7  }
0xd: {  	s1 =	simm.s32 $0x1E200;
	s7 =	smax.u32 s26, $0x1;
	s26 =	simm.s32 $0x14C00  }
0xe: {  	s6 =	sadd.s32 s0, s8;
	s8 =	simm.s32 $0x5;
	s0 =	simm.s32 $0x1C200  }
.LBB2_1:
0xf: {  	[tilespmem:s2], [sflag:$0x5] =	stream.linear.gather [hbm4b:s6+s2], $0x6400, $0x38;
	[tilespmem:$0x1F400] =	vst v63  }
0x10: {  	_ =	swait.ge [sflag:s8], $0x6400  }
0x11: {  	[sflag:s8] =	ssyncset.done $0x0  }
0x12: {  	[sflag:s8] =	ssyncadd.s32 $0xFFFF9C00  }
0x13: {  	[tilespmem:s10], [sflag:$0x1] =	stream.indirect.gather [hbm4b:s4+s9], $0x40, s2, s9, $0xb8;
	[tilespmem:$0x1F400] =	vst v63  }
0x14: {  	s18 =	simm.s32 $0x8400  }
0x15: {  	[tilespmem:s18], [sflag:$0x1] =	stream.indirect.gather [hbm4b:s4+s11], $0x40, s9, s11, $0xb8;
	[tilespmem:$0x1F400] =	vst v63  }
0x16: {  	s20 =	simm.s32 $0xC8;
	s19 =	simm.s32 $0x9600  }
0x17: {  	[tilespmem:s19], [sflag:$0x1] =	stream.indirect.gather [hbm4b:s4+s9], $0x40, s20, s9, $0xb8;
	[tilespmem:$0x1F400] =	vst v63  }
0x18: {  	s21 =	simm.s32 $0x148;
	s22 =	simm.s32 $0xB600  }
0x19: {  	[tilespmem:s22], [sflag:$0x1] =	stream.indirect.gather [hbm4b:s4+s11], $0x40, s21, s11, $0xb8;
	[tilespmem:$0x1F400] =	vst v63  }
0x1a: {  	s23 =	simm.s32 $0x190;
	s24 =	simm.s32 $0xC800  }
0x1b: {  	[tilespmem:s24], [sflag:$0x1] =	stream.indirect.gather [hbm4b:s4+s9], $0x40, s23, s9, $0xb8;
	[tilespmem:$0x1F400] =	vst v63  }
0x1c: {  	s19 =	simm.s32 $0x210;
	s20 =	simm.s32 $0xE800  }
0x1d: {  	[tilespmem:s20], [sflag:$0x1] =	stream.indirect.gather [hbm4b:s4+s11], $0x40, s19, s11, $0xb8;
	[tilespmem:$0x1F400] =	vst v63  }
0x1e: {  	s21 =	simm.s32 $0x258;
	s22 =	simm.s32 $0xFA00  }
0x1f: {  	[tilespmem:s22], [sflag:$0x1] =	stream.indirect.gather [hbm4b:s4+s9], $0x40, s21, s9, $0xb8;
	[tilespmem:$0x1F400] =	vst v63  }
0x20: {  	s18 =	simm.s32 $0x0;
	s23 =	simm.s32 $0x2D8;
	s24 =	simm.s32 $0x11A00  }
0x21: {  	[tilespmem:s24], [sflag:$0x1] =	stream.indirect.gather [hbm4b:s4+s11], $0x40, s23, s11, $0xb8;
	[tilespmem:$0x1F400] =	vst v63  }
.LBB2_2:
0x22: {  	p0 =	seq.s32 s18, $0x0  }
0x23: {  	s19 =	sshllo.u32 s18, $0x1;
	s20 =	simm.s32 @!p0 $0x4  }
0x24: {  	s21 =	smul.u32 $0xC80, s19;
	_ =	swait.ge @!p0 [sflag:s20], $0xC800  }
0x25: {  	[sflag:s20] =	ssyncset.done @!p0 $0x0  }
0x26: {  	[sflag:s20] =	ssyncadd.s32 @!p0 $0xFFFF3800;
	s20 =	sshra.s32 s21, $0x2  }
0x27: {  	[tilespmem:s25], [sflag:$0x2] =	stream.indirect.gather [hbm4b:s4+s9], $0x40, s20, s9, $0xb8;
	[tilespmem:$0x1F400] =	vst v63  }
0x28: {  	s21 =	sadd.s32 $0x80, s20  }
0x29: {  	[tilespmem:s26], [sflag:$0x2] =	stream.indirect.gather [hbm4b:s4+s11], $0x40, s21, s11, $0xb8;
	[tilespmem:$0x1F400] =	vst v63  }
0x2a: {  	s23 =	sadd.s32 $0xC8, s20  }
0x2b: {  	[tilespmem:s28], [sflag:$0x2] =	stream.indirect.gather [hbm4b:s4+s9], $0x40, s23, s9, $0xb8;
	[tilespmem:$0x1F400] =	vst v63  }
0x2c: {  	s24 =	sadd.s32 $0x148, s20  }
0x2d: {  	[tilespmem:s29], [sflag:$0x2] =	stream.indirect.gather [hbm4b:s4+s11], $0x40, s24, s11, $0xb8;
	[tilespmem:$0x1F400] =	vst v63  }
0x2e: {  	s22 =	sadd.s32 $0x190, s20  }
0x2f: {  	[tilespmem:s30], [sflag:$0x2] =	stream.indirect.gather [hbm4b:s4+s9], $0x40, s22, s9, $0xb8;
	[tilespmem:$0x1F400] =	vst v63  }
0x30: {  	s23 =	sadd.s32 $0x210, s20  }
0x31: {  	[tilespmem:s31], [sflag:$0x2] =	stream.indirect.gather [hbm4b:s4+s11], $0x40, s23, s11, $0xb8;
	[tilespmem:$0x1F400] =	vst v63  }
0x32: {  	s24 =	sadd.s32 $0x258, s20  }
0x33: {  	[tilespmem:s0], [sflag:$0x2] =	stream.indirect.gather [hbm4b:s4+s9], $0x40, s24, s9, $0xb8;
	[tilespmem:$0x1F400] =	vst v63  }
0x34: {  	s20 =	sadd.s32 $0x2D8, s20  }
0x35: {  	[tilespmem:s1], [sflag:$0x2] =	stream.indirect.gather [hbm4b:s4+s11], $0x40, s20, s11, $0xb8;
	[tilespmem:$0x1F400] =	vst v63  }
0x36: {  	_ =	swait.ge [sflag:s12], $0xC800  }
0x37: {  	[sflag:s12] =	ssyncset.done $0x0  }
0x38: {  	s21 =	simm.s32 $0x6500;
	[sflag:s12] =	ssyncadd.s32 $0xFFFF3800  }
0x39: {  	v0 =	vld [tilespmem:s21+$0xF0]  }
0x3a: {  	v1 =	vld [tilespmem:s21+$0xFFFFFF10]  }
0x3b: {  	v2 =	vld [tilespmem:s21+$0xFFFFFF20]  }
0x3c: {  	v3 =	vld [tilespmem:s21+$0xFFFFFF30]  }
0x3d: {  	v4 =	vld [tilespmem:s21+$0xFFFFFF40]  }
0x3e: {  	v5 =	vld [tilespmem:s21+$0xFFFFFF50];
	v0 =	vmul.f32 $8.000000000e+00, v0  }
0x3f: {  	v6 =	vld [tilespmem:s21+$0xFFFFFF60];
	v1 =	vmul.f32 $8.000000000e+00, v1  }
0x40: {  	v7 =	vld [tilespmem:s21+$0xFFFFFF70];
	v2 =	vmul.f32 $8.000000000e+00, v2;
	[tilespmem:s21+$0xF0] =	vst v0  }
0x41: {  	[tilespmem:s21+$0xFFFFFF10] =	vst v1;
	v0 =	vmul.f32 $8.000000000e+00, v3;
	v1 =	vld [tilespmem:s21+$0xFFFFFF80]  }
0x42: {  	[tilespmem:s21+$0xFFFFFF20] =	vst v2;
	v2 =	vmul.f32 $8.000000000e+00, v4;
	v3 =	vld [tilespmem:s21+$0xFFFFFF90]  }
0x43: {  	v4 =	vld [tilespmem:s21+$0xFFFFFFA0];
	[tilespmem:s21+$0xFFFFFF30] =	vst v0;
	v0 =	vmul.f32 $8.000000000e+00, v5  }
0x44: {  	[tilespmem:s21+$0xFFFFFF40] =	vst v2;
	v2 =	vmul.f32 $8.000000000e+00, v6;
	v5 =	vld [tilespmem:s21+$0xFFFFFFB0]  }
0x45: {  	v6 =	vld [tilespmem:s21+$0xFFFFFFC0];
	[tilespmem:s21+$0xFFFFFF50] =	vst v0;
	v0 =	vmul.f32 $8.000000000e+00, v7  }
0x46: {  	[tilespmem:s21+$0xFFFFFF60] =	vst v2;
	v2 =	vld [tilespmem:s21+$0xFFFFFFD0];
	v1 =	vmul.f32 $8.000000000e+00, v1  }
0x47: {  	[tilespmem:s21+$0xFFFFFF70] =	vst v0;
	v0 =	vmul.f32 $8.000000000e+00, v3;
	v3 =	vld [tilespmem:s21+$0xFFFFFFE0]  }
0x48: {  	[tilespmem:s21+$0xFFFFFF80] =	vst v1;
	v1 =	vmul.f32 $8.000000000e+00, v4;
	v4 =	vld [tilespmem:s21+$0xFFFFFFF0]  }
0x49: {  	[tilespmem:s21+$0xFFFFFF90] =	vst v0;
	v0 =	vmul.f32 $8.000000000e+00, v5;
	v5 =	vld [tilespmem:s21+$0x0]  }
0x4a: {  	[tilespmem:s21+$0xFFFFFFA0] =	vst v1;
	v1 =	vmul.f32 $8.000000000e+00, v6;
	v6 =	vld [tilespmem:s21+$0x10]  }
0x4b: {  	[tilespmem:s21+$0xFFFFFFB0] =	vst v0;
	v0 =	vmul.f32 $8.000000000e+00, v2;
	v2 =	vld [tilespmem:s21+$0x20]  }
0x4c: {  	[tilespmem:s21+$0xFFFFFFC0] =	vst v1;
	v1 =	vmul.f32 $8.000000000e+00, v3;
	v3 =	vld [tilespmem:s21+$0x30]  }
0x4d: {  	[tilespmem:s21+$0xFFFFFFD0] =	vst v0;
	v0 =	vmul.f32 $8.000000000e+00, v4;
	v4 =	vld [tilespmem:s21+$0x40]  }
0x4e: {  	[tilespmem:s21+$0xFFFFFFE0] =	vst v1;
	v1 =	vmul.f32 $8.000000000e+00, v5;
	v5 =	vld [tilespmem:s21+$0x50]  }
0x4f: {  	[tilespmem:s21+$0xFFFFFFF0] =	vst v0;
	v0 =	vmul.f32 $8.000000000e+00, v6;
	v6 =	vld [tilespmem:s21+$0x60]  }
0x50: {  	[tilespmem:s21+$0x0] =	vst v1;
	v1 =	vmul.f32 $8.000000000e+00, v2;
	v2 =	vld [tilespmem:s21+$0x70]  }
0x51: {  	[tilespmem:s21+$0x10] =	vst v0;
	v0 =	vmul.f32 $8.000000000e+00, v3;
	v3 =	vld [tilespmem:s21+$0x80]  }
0x52: {  	[tilespmem:s21+$0x20] =	vst v1;
	v1 =	vmul.f32 $8.000000000e+00, v4;
	v4 =	vld [tilespmem:s21+$0x90]  }
0x53: {  	v7 =	vld [tilespmem:s21+$0xA0];
	[tilespmem:s21+$0x30] =	vst v0;
	v5 =	vmul.f32 $8.000000000e+00, v5  }
0x54: {  	v0 =	vld [tilespmem:s21+$0xB0];
	[tilespmem:s21+$0x40] =	vst v1;
	v6 =	vmul.f32 $8.000000000e+00, v6  }
0x55: {  	v1 =	vld [tilespmem:s21+$0xC0];
	[tilespmem:s21+$0x50] =	vst v5;
	v5 =	vmul.f32 $8.000000000e+00, v2  }
0x56: {  	v2 =	vld [tilespmem:s21+$0xD0];
	[tilespmem:s21+$0x60] =	vst v6;
	v6 =	vmul.f32 $8.000000000e+00, v3  }
0x57: {  	v3 =	vld [tilespmem:s21+$0xE0];
	[tilespmem:s21+$0x70] =	vst v5;
	v5 =	vmul.f32 $8.000000000e+00, v4  }
0x58: {  	s22 =	simm.s32 $0x0;
	s23 =	simm.s32 $0x6700;
	s20 =	simm.s32 $0x97F0;
	v4 =	vld [tilespmem:s21+$0xFFFFFF00];
	[tilespmem:s21+$0x80] =	vst v6;
	v6 =	vmul.f32 $8.000000000e+00, v7  }
.LBB2_3:
0x59: {  	v7 =	vld [tilespmem:s23+$0xF0];
	s22 =	sadd.s32 $0x8, s22;
	[tilespmem:s21+$0x90] =	vst v5;
	v0 =	vmul.f32 $8.000000000e+00, v0  }
0x5a: {  	v5 =	vld [tilespmem:s23+$0xFFFFFF10];
	p0 =	slt.u32 s22, $0xC0;
	[tilespmem:s21+$0xA0] =	vst v6;
	v1 =	vmul.f32 $8.000000000e+00, v1  }
0x5b: {  	v6 =	vld [tilespmem:s23+$0xFFFFFF20];
	[tilespmem:s21+$0xB0] =	vst v0;
	v0 =	vmul.f32 $8.000000000e+00, v2  }
0x5c: {  	v2 =	vld [tilespmem:s23+$0xFFFFFF30];
	[tilespmem:s21+$0xC0] =	vst v1;
	v1 =	vmul.f32 $8.000000000e+00, v3  }
0x5d: {  	v3 =	vld [tilespmem:s23+$0xFFFFFF40];
	v4 =	vmul.f32 $8.000000000e+00, v4;
	[tilespmem:s21+$0xD0] =	vst v0  }
0x5e: {  	v0 =	vld [tilespmem:s23+$0xFFFFFF50];
	v7 =	vmul.f32 $8.000000000e+00, v7;
	[tilespmem:s21+$0xE0] =	vst v1  }
0x5f: {  	v1 =	vmul.f32 $8.000000000e+00, v5;
	v5 =	vld [tilespmem:s23+$0xFFFFFF60];
	[tilespmem:s21+$0xFFFFFF00] =	vst v4;
	s21 =	smov.u32 s23  }
0x60: {  	v4 =	vmul.f32 $8.000000000e+00, v6;
	v6 =	vld [tilespmem:s23+$0xFFFFFF70];
	[tilespmem:s23+$0xF0] =	vst v7  }
0x61: {  	[tilespmem:s23+$0xFFFFFF10] =	vst v1;
	v1 =	vmul.f32 $8.000000000e+00, v2;
	v2 =	vld [tilespmem:s23+$0xFFFFFF80]  }
0x62: {  	[tilespmem:s23+$0xFFFFFF20] =	vst v4;
	v3 =	vmul.f32 $8.000000000e+00, v3;
	v4 =	vld [tilespmem:s23+$0xFFFFFF90]  }
0x63: {  	[tilespmem:s23+$0xFFFFFF30] =	vst v1;
	v0 =	vmul.f32 $8.000000000e+00, v0;
	v1 =	vld [tilespmem:s23+$0xFFFFFFA0]  }
0x64: {  	[tilespmem:s23+$0xFFFFFF40] =	vst v3;
	v3 =	vmul.f32 $8.000000000e+00, v5;
	v5 =	vld [tilespmem:s23+$0xFFFFFFB0]  }
0x65: {  	[tilespmem:s23+$0xFFFFFF50] =	vst v0;
	v0 =	vmul.f32 $8.000000000e+00, v6;
	v6 =	vld [tilespmem:s23+$0xFFFFFFC0]  }
0x66: {  	[tilespmem:s23+$0xFFFFFF60] =	vst v3;
	v2 =	vmul.f32 $8.000000000e+00, v2;
	v3 =	vld [tilespmem:s23+$0xFFFFFFD0]  }
0x67: {  	[tilespmem:s23+$0xFFFFFF70] =	vst v0;
	v0 =	vmul.f32 $8.000000000e+00, v4;
	v4 =	vld [tilespmem:s23+$0xFFFFFFE0]  }
0x68: {  	[tilespmem:s23+$0xFFFFFF80] =	vst v2;
	v1 =	vmul.f32 $8.000000000e+00, v1;
	v2 =	vld [tilespmem:s23+$0xFFFFFFF0]  }
0x69: {  	[tilespmem:s23+$0xFFFFFF90] =	vst v0;
	v0 =	vmul.f32 $8.000000000e+00, v5;
	v5 =	vld [tilespmem:s23+$0x0]  }
0x6a: {  	[tilespmem:s23+$0xFFFFFFA0] =	vst v1;
	v1 =	vmul.f32 $8.000000000e+00, v6;
	v6 =	vld [tilespmem:s23+$0x10]  }
0x6b: {  	[tilespmem:s23+$0xFFFFFFB0] =	vst v0;
	v0 =	vmul.f32 $8.000000000e+00, v3;
	v3 =	vld [tilespmem:s23+$0x20]  }
0x6c: {  	[tilespmem:s23+$0xFFFFFFC0] =	vst v1;
	v1 =	vmul.f32 $8.000000000e+00, v4;
	v4 =	vld [tilespmem:s23+$0x30]  }
0x6d: {  	[tilespmem:s23+$0xFFFFFFD0] =	vst v0;
	v0 =	vmul.f32 $8.000000000e+00, v2;
	v2 =	vld [tilespmem:s23+$0x40]  }
0x6e: {  	[tilespmem:s23+$0xFFFFFFE0] =	vst v1;
	v1 =	vmul.f32 $8.000000000e+00, v5;
	v5 =	vld [tilespmem:s23+$0x50]  }
0x6f: {  	[tilespmem:s23+$0xFFFFFFF0] =	vst v0;
	v0 =	vmul.f32 $8.000000000e+00, v6;
	v6 =	vld [tilespmem:s23+$0x60]  }
0x70: {  	[tilespmem:s23+$0x0] =	vst v1;
	v1 =	vmul.f32 $8.000000000e+00, v3;
	v3 =	vld [tilespmem:s23+$0x70]  }
0x71: {  	[tilespmem:s23+$0x10] =	vst v0;
	v0 =	vmul.f32 $8.000000000e+00, v4;
	v4 =	vld [tilespmem:s23+$0x80]  }
0x72: {  	[tilespmem:s23+$0x20] =	vst v1;
	v1 =	vmul.f32 $8.000000000e+00, v2;
	v7 =	vld [tilespmem:s23+$0x90]  }
0x73: {  	[tilespmem:s23+$0x30] =	vst v0;
	v2 =	vmul.f32 $8.000000000e+00, v5;
	v8 =	vld [tilespmem:s23+$0xA0]  }
.Ltmp0:
0x74: {  	[tilespmem:s23+$0x40] =	vst v1;
	v5 =	vmul.f32 $8.000000000e+00, v6;
	v0 =	vld [tilespmem:s23+$0xB0];
	(pc) =	sbr.rel @p0 .LBB2_3-.Ltmp0, $4  }
0x75: {  	[tilespmem:s23+$0x50] =	vst v2;
	v3 =	vmul.f32 $8.000000000e+00, v3;
	v1 =	vld [tilespmem:s23+$0xC0]  }
0x76: {  	[tilespmem:s23+$0x60] =	vst v5;
	v6 =	vmul.f32 $8.000000000e+00, v4;
	v2 =	vld [tilespmem:s23+$0xD0]  }
0x77: {  	[tilespmem:s23+$0x70] =	vst v3;
	v5 =	vmul.f32 $8.000000000e+00, v7;
	v3 =	vld [tilespmem:s23+$0xE0]  }
0x78: {  	s23 =	sadd.s32 $0x200, s23;
	v4 =	vld [tilespmem:s21+$0xFFFFFF00];
	[tilespmem:s21+$0x80] =	vst v6;
	v6 =	vmul.f32 $8.000000000e+00, v8  }
0x79: {  	[tilespmem:s21+$0x90] =	vst v5;
	v0 =	vmul.f32 $8.000000000e+00, v0  }
0x7a: {  	[tilespmem:s21+$0xA0] =	vst v6;
	v1 =	vmul.f32 $8.000000000e+00, v1  }
0x7b: {  	[tilespmem:s21+$0xB0] =	vst v0;
	v0 =	vmul.f32 $8.000000000e+00, v2  }
0x7c: {  	[tilespmem:s21+$0xC0] =	vst v1;
	v1 =	vmul.f32 $8.000000000e+00, v3  }
0x7d: {  	v2 =	vmul.f32 $8.000000000e+00, v4;
	[tilespmem:s21+$0xD0] =	vst v0  }
0x7e: {  	[tilespmem:s21+$0xE0] =	vst v1  }
0x7f: {  	[tilespmem:s21+$0xFFFFFF00] =	vst v2  }
0x80: {  	v0 =	vld [tilespmem:s20+$0x0]  }
0x81: {  	v1 =	vld [tilespmem:s20+$0xFFFFFE20]  }
0x82: {  	v2 =	vld [tilespmem:s20+$0xFFFFFE30]  }
0x83: {  	v3 =	vld [tilespmem:s20+$0xFFFFFE40]  }
0x84: {  	v4 =	vld [tilespmem:s20+$0xFFFFFE50]  }
0x85: {  	v5 =	vld [tilespmem:s20+$0xFFFFFE60];
	v0 =	vmul.f32 $8.000000000e+00, v0  }
0x86: {  	v6 =	vld [tilespmem:s20+$0xFFFFFE70];
	v1 =	vmul.f32 $8.000000000e+00, v1  }
0x87: {  	v7 =	vld [tilespmem:s20+$0xFFFFFE80];
	v2 =	vmul.f32 $8.000000000e+00, v2;
	[tilespmem:s20+$0x0] =	vst v0  }
0x88: {  	[tilespmem:s20+$0xFFFFFE20] =	vst v1;
	v0 =	vmul.f32 $8.000000000e+00, v3;
	v1 =	vld [tilespmem:s20+$0xFFFFFE90]  }
0x89: {  	[tilespmem:s20+$0xFFFFFE30] =	vst v2;
	v2 =	vmul.f32 $8.000000000e+00, v4;
	v3 =	vld [tilespmem:s20+$0xFFFFFEA0]  }
0x8a: {  	v4 =	vld [tilespmem:s20+$0xFFFFFEB0];
	[tilespmem:s20+$0xFFFFFE40] =	vst v0;
	v0 =	vmul.f32 $8.000000000e+00, v5  }
0x8b: {  	[tilespmem:s20+$0xFFFFFE50] =	vst v2;
	v2 =	vmul.f32 $8.000000000e+00, v6;
	v5 =	vld [tilespmem:s20+$0xFFFFFEC0]  }
0x8c: {  	v6 =	vld [tilespmem:s20+$0xFFFFFED0];
	[tilespmem:s20+$0xFFFFFE60] =	vst v0;
	v0 =	vmul.f32 $8.000000000e+00, v7  }
0x8d: {  	[tilespmem:s20+$0xFFFFFE70] =	vst v2;
	v2 =	vld [tilespmem:s20+$0xFFFFFEE0];
	v1 =	vmul.f32 $8.000000000e+00, v1  }
0x8e: {  	[tilespmem:s20+$0xFFFFFE80] =	vst v0;
	v0 =	vmul.f32 $8.000000000e+00, v3;
	v3 =	vld [tilespmem:s20+$0xFFFFFEF0]  }
0x8f: {  	[tilespmem:s20+$0xFFFFFE90] =	vst v1;
	v1 =	vmul.f32 $8.000000000e+00, v4;
	v4 =	vld [tilespmem:s20+$0xFFFFFF00]  }
0x90: {  	[tilespmem:s20+$0xFFFFFEA0] =	vst v0;
	v0 =	vmul.f32 $8.000000000e+00, v5;
	v5 =	vld [tilespmem:s20+$0xFFFFFF10]  }
0x91: {  	[tilespmem:s20+$0xFFFFFEB0] =	vst v1;
	v1 =	vmul.f32 $8.000000000e+00, v6;
	v6 =	vld [tilespmem:s20+$0xFFFFFF20]  }
0x92: {  	[tilespmem:s20+$0xFFFFFEC0] =	vst v0;
	v0 =	vmul.f32 $8.000000000e+00, v2;
	v2 =	vld [tilespmem:s20+$0xFFFFFF30]  }
0x93: {  	[tilespmem:s20+$0xFFFFFED0] =	vst v1;
	v1 =	vmul.f32 $8.000000000e+00, v3;
	v3 =	vld [tilespmem:s20+$0xFFFFFF40]  }
0x94: {  	[tilespmem:s20+$0xFFFFFEE0] =	vst v0;
	v0 =	vmul.f32 $8.000000000e+00, v4;
	v4 =	vld [tilespmem:s20+$0xFFFFFF50]  }
0x95: {  	[tilespmem:s20+$0xFFFFFEF0] =	vst v1;
	v1 =	vmul.f32 $8.000000000e+00, v5;
	v5 =	vld [tilespmem:s20+$0xFFFFFF60]  }
0x96: {  	[tilespmem:s20+$0xFFFFFF00] =	vst v0;
	v0 =	vmul.f32 $8.000000000e+00, v6;
	v6 =	vld [tilespmem:s20+$0xFFFFFF70]  }
0x97: {  	[tilespmem:s20+$0xFFFFFF10] =	vst v1;
	v1 =	vmul.f32 $8.000000000e+00, v2;
	v2 =	vld [tilespmem:s20+$0xFFFFFF80]  }
0x98: {  	[tilespmem:s20+$0xFFFFFF20] =	vst v0;
	v0 =	vmul.f32 $8.000000000e+00, v3;
	v3 =	vld [tilespmem:s20+$0xFFFFFF90]  }
0x99: {  	[tilespmem:s20+$0xFFFFFF30] =	vst v1;
	v1 =	vmul.f32 $8.000000000e+00, v4;
	v4 =	vld [tilespmem:s20+$0xFFFFFFA0]  }
0x9a: {  	v7 =	vld [tilespmem:s20+$0xFFFFFFB0];
	[tilespmem:s20+$0xFFFFFF40] =	vst v0;
	v5 =	vmul.f32 $8.000000000e+00, v5  }
0x9b: {  	v0 =	vld [tilespmem:s20+$0xFFFFFFC0];
	[tilespmem:s20+$0xFFFFFF50] =	vst v1;
	v6 =	vmul.f32 $8.000000000e+00, v6  }
0x9c: {  	v1 =	vld [tilespmem:s20+$0xFFFFFFD0];
	[tilespmem:s20+$0xFFFFFF60] =	vst v5;
	v5 =	vmul.f32 $8.000000000e+00, v2  }
0x9d: {  	v2 =	vld [tilespmem:s20+$0xFFFFFFE0];
	[tilespmem:s20+$0xFFFFFF70] =	vst v6;
	v6 =	vmul.f32 $8.000000000e+00, v3  }
0x9e: {  	v3 =	vld [tilespmem:s20+$0xFFFFFFF0];
	[tilespmem:s20+$0xFFFFFF80] =	vst v5;
	v5 =	vmul.f32 $8.000000000e+00, v4  }
0x9f: {  	s22 =	simm.s32 $0x0;
	s23 =	simm.s32 $0x99F0;
	v4 =	vld [tilespmem:s20+$0xFFFFFE10];
	[tilespmem:s20+$0xFFFFFF90] =	vst v6;
	v6 =	vmul.f32 $8.000000000e+00, v7  }
.LBB2_5:
0xa0: {  	v7 =	vld [tilespmem:s23+$0x0];
	s22 =	sadd.s32 $0x8, s22;
	[tilespmem:s20+$0xFFFFFFA0] =	vst v5;
	v0 =	vmul.f32 $8.000000000e+00, v0  }
0xa1: {  	v5 =	vld [tilespmem:s23+$0xFFFFFE20];
	p0 =	slt.u32 s22, $0xC0;
	[tilespmem:s20+$0xFFFFFFB0] =	vst v6;
	v1 =	vmul.f32 $8.000000000e+00, v1  }
0xa2: {  	v6 =	vld [tilespmem:s23+$0xFFFFFE30];
	[tilespmem:s20+$0xFFFFFFC0] =	vst v0;
	v0 =	vmul.f32 $8.000000000e+00, v2  }
0xa3: {  	v2 =	vld [tilespmem:s23+$0xFFFFFE40];
	[tilespmem:s20+$0xFFFFFFD0] =	vst v1;
	v1 =	vmul.f32 $8.000000000e+00, v3  }
0xa4: {  	v3 =	vld [tilespmem:s23+$0xFFFFFE50];
	v4 =	vmul.f32 $8.000000000e+00, v4;
	[tilespmem:s20+$0xFFFFFFE0] =	vst v0  }
0xa5: {  	v0 =	vld [tilespmem:s23+$0xFFFFFE60];
	v7 =	vmul.f32 $8.000000000e+00, v7;
	[tilespmem:s20+$0xFFFFFFF0] =	vst v1  }
0xa6: {  	v1 =	vmul.f32 $8.000000000e+00, v5;
	v5 =	vld [tilespmem:s23+$0xFFFFFE70];
	[tilespmem:s20+$0xFFFFFE10] =	vst v4;
	s20 =	smov.u32 s23  }
0xa7: {  	s21 =	simm.s32 $0xC800;
	v4 =	vmul.f32 $8.000000000e+00, v6;
	v6 =	vld [tilespmem:s23+$0xFFFFFE80];
	[tilespmem:s23+$0x0] =	vst v7  }
0xa8: {  	[tilespmem:s23+$0xFFFFFE20] =	vst v1;
	v1 =	vmul.f32 $8.000000000e+00, v2;
	v2 =	vld [tilespmem:s23+$0xFFFFFE90]  }
0xa9: {  	[tilespmem:s23+$0xFFFFFE30] =	vst v4;
	v3 =	vmul.f32 $8.000000000e+00, v3;
	v4 =	vld [tilespmem:s23+$0xFFFFFEA0]  }
0xaa: {  	[tilespmem:s23+$0xFFFFFE40] =	vst v1;
	v0 =	vmul.f32 $8.000000000e+00, v0;
	v1 =	vld [tilespmem:s23+$0xFFFFFEB0]  }
0xab: {  	[tilespmem:s23+$0xFFFFFE50] =	vst v3;
	v3 =	vmul.f32 $8.000000000e+00, v5;
	v5 =	vld [tilespmem:s23+$0xFFFFFEC0]  }
0xac: {  	[tilespmem:s23+$0xFFFFFE60] =	vst v0;
	v0 =	vmul.f32 $8.000000000e+00, v6;
	v6 =	vld [tilespmem:s23+$0xFFFFFED0]  }
0xad: {  	[tilespmem:s23+$0xFFFFFE70] =	vst v3;
	v2 =	vmul.f32 $8.000000000e+00, v2;
	v3 =	vld [tilespmem:s23+$0xFFFFFEE0]  }
0xae: {  	[tilespmem:s23+$0xFFFFFE80] =	vst v0;
	v0 =	vmul.f32 $8.000000000e+00, v4;
	v4 =	vld [tilespmem:s23+$0xFFFFFEF0]  }
0xaf: {  	[tilespmem:s23+$0xFFFFFE90] =	vst v2;
	v1 =	vmul.f32 $8.000000000e+00, v1;
	v2 =	vld [tilespmem:s23+$0xFFFFFF00]  }
0xb0: {  	[tilespmem:s23+$0xFFFFFEA0] =	vst v0;
	v0 =	vmul.f32 $8.000000000e+00, v5;
	v5 =	vld [tilespmem:s23+$0xFFFFFF10]  }
0xb1: {  	[tilespmem:s23+$0xFFFFFEB0] =	vst v1;
	v1 =	vmul.f32 $8.000000000e+00, v6;
	v6 =	vld [tilespmem:s23+$0xFFFFFF20]  }
0xb2: {  	[tilespmem:s23+$0xFFFFFEC0] =	vst v0;
	v0 =	vmul.f32 $8.000000000e+00, v3;
	v3 =	vld [tilespmem:s23+$0xFFFFFF30]  }
0xb3: {  	[tilespmem:s23+$0xFFFFFED0] =	vst v1;
	v1 =	vmul.f32 $8.000000000e+00, v4;
	v4 =	vld [tilespmem:s23+$0xFFFFFF40]  }
0xb4: {  	[tilespmem:s23+$0xFFFFFEE0] =	vst v0;
	v0 =	vmul.f32 $8.000000000e+00, v2;
	v2 =	vld [tilespmem:s23+$0xFFFFFF50]  }
0xb5: {  	[tilespmem:s23+$0xFFFFFEF0] =	vst v1;
	v1 =	vmul.f32 $8.000000000e+00, v5;
	v5 =	vld [tilespmem:s23+$0xFFFFFF60]  }
0xb6: {  	[tilespmem:s23+$0xFFFFFF00] =	vst v0;
	v0 =	vmul.f32 $8.000000000e+00, v6;
	v6 =	vld [tilespmem:s23+$0xFFFFFF70]  }
0xb7: {  	[tilespmem:s23+$0xFFFFFF10] =	vst v1;
	v1 =	vmul.f32 $8.000000000e+00, v3;
	v3 =	vld [tilespmem:s23+$0xFFFFFF80]  }
0xb8: {  	[tilespmem:s23+$0xFFFFFF20] =	vst v0;
	v0 =	vmul.f32 $8.000000000e+00, v4;
	v4 =	vld [tilespmem:s23+$0xFFFFFF90]  }
0xb9: {  	[tilespmem:s23+$0xFFFFFF30] =	vst v1;
	v1 =	vmul.f32 $8.000000000e+00, v2;
	v7 =	vld [tilespmem:s23+$0xFFFFFFA0]  }
0xba: {  	[tilespmem:s23+$0xFFFFFF40] =	vst v0;
	v2 =	vmul.f32 $8.000000000e+00, v5;
	v8 =	vld [tilespmem:s23+$0xFFFFFFB0]  }
.Ltmp1:
0xbb: {  	[tilespmem:s23+$0xFFFFFF50] =	vst v1;
	v5 =	vmul.f32 $8.000000000e+00, v6;
	v0 =	vld [tilespmem:s23+$0xFFFFFFC0];
	(pc) =	sbr.rel @p0 .LBB2_5-.Ltmp1, $4  }
0xbc: {  	[tilespmem:s23+$0xFFFFFF60] =	vst v2;
	v3 =	vmul.f32 $8.000000000e+00, v3;
	v1 =	vld [tilespmem:s23+$0xFFFFFFD0]  }
0xbd: {  	[tilespmem:s23+$0xFFFFFF70] =	vst v5;
	v6 =	vmul.f32 $8.000000000e+00, v4;
	v2 =	vld [tilespmem:s23+$0xFFFFFFE0]  }
0xbe: {  	[tilespmem:s23+$0xFFFFFF80] =	vst v3;
	v5 =	vmul.f32 $8.000000000e+00, v7;
	v3 =	vld [tilespmem:s23+$0xFFFFFFF0]  }
0xbf: {  	s23 =	sadd.s32 $0x200, s23;
	v4 =	vld [tilespmem:s20+$0xFFFFFE10];
	[tilespmem:s20+$0xFFFFFF90] =	vst v6;
	v6 =	vmul.f32 $8.000000000e+00, v8  }
0xc0: {  	[tilespmem:s20+$0xFFFFFFA0] =	vst v5;
	v0 =	vmul.f32 $8.000000000e+00, v0  }
0xc1: {  	[tilespmem:s20+$0xFFFFFFB0] =	vst v6;
	v1 =	vmul.f32 $8.000000000e+00, v1  }
0xc2: {  	[tilespmem:s20+$0xFFFFFFC0] =	vst v0;
	v0 =	vmul.f32 $8.000000000e+00, v2  }
0xc3: {  	[tilespmem:s20+$0xFFFFFFD0] =	vst v1;
	v1 =	vmul.f32 $8.000000000e+00, v3  }
0xc4: {  	v2 =	vmul.f32 $8.000000000e+00, v4;
	[tilespmem:s20+$0xFFFFFFE0] =	vst v0  }
0xc5: {  	[tilespmem:s20+$0xFFFFFFF0] =	vst v1  }
0xc6: {  	[tilespmem:s20+$0xFFFFFE10] =	vst v2  }
0xc7: {  	v0 =	vld [tilespmem:s21+$0x1F0]  }
0xc8: {  	v1 =	vld [tilespmem:s21+$0x10]  }
0xc9: {  	v2 =	vld [tilespmem:s21+$0x20]  }
0xca: {  	v3 =	vld [tilespmem:s21+$0x30]  }
0xcb: {  	v4 =	vld [tilespmem:s21+$0x40]  }
0xcc: {  	v5 =	vld [tilespmem:s21+$0x50];
	v0 =	vmul.f32 $8.000000000e+00, v0  }
0xcd: {  	v6 =	vld [tilespmem:s21+$0x60];
	v1 =	vmul.f32 $8.000000000e+00, v1  }
0xce: {  	v7 =	vld [tilespmem:s21+$0x70];
	v2 =	vmul.f32 $8.000000000e+00, v2;
	[tilespmem:s21+$0x1F0] =	vst v0  }
0xcf: {  	[tilespmem:s21+$0x10] =	vst v1;
	v0 =	vmul.f32 $8.000000000e+00, v3;
	v1 =	vld [tilespmem:s21+$0x80]  }
0xd0: {  	[tilespmem:s21+$0x20] =	vst v2;
	v2 =	vmul.f32 $8.000000000e+00, v4;
	v3 =	vld [tilespmem:s21+$0x90]  }
0xd1: {  	v4 =	vld [tilespmem:s21+$0xA0];
	[tilespmem:s21+$0x30] =	vst v0;
	v0 =	vmul.f32 $8.000000000e+00, v5  }
0xd2: {  	[tilespmem:s21+$0x40] =	vst v2;
	v2 =	vmul.f32 $8.000000000e+00, v6;
	v5 =	vld [tilespmem:s21+$0xB0]  }
0xd3: {  	v6 =	vld [tilespmem:s21+$0xC0];
	[tilespmem:s21+$0x50] =	vst v0;
	v0 =	vmul.f32 $8.000000000e+00, v7  }
0xd4: {  	[tilespmem:s21+$0x60] =	vst v2;
	v2 =	vld [tilespmem:s21+$0xD0];
	v1 =	vmul.f32 $8.000000000e+00, v1  }
0xd5: {  	[tilespmem:s21+$0x70] =	vst v0;
	v0 =	vmul.f32 $8.000000000e+00, v3;
	v3 =	vld [tilespmem:s21+$0xE0]  }
0xd6: {  	[tilespmem:s21+$0x80] =	vst v1;
	v1 =	vmul.f32 $8.000000000e+00, v4;
	v4 =	vld [tilespmem:s21+$0xF0]  }
0xd7: {  	[tilespmem:s21+$0x90] =	vst v0;
	v0 =	vmul.f32 $8.000000000e+00, v5;
	v5 =	vld [tilespmem:s21+$0x100]  }
0xd8: {  	[tilespmem:s21+$0xA0] =	vst v1;
	v1 =	vmul.f32 $8.000000000e+00, v6;
	v6 =	vld [tilespmem:s21+$0x110]  }
0xd9: {  	[tilespmem:s21+$0xB0] =	vst v0;
	v0 =	vmul.f32 $8.000000000e+00, v2;
	v2 =	vld [tilespmem:s21+$0x120]  }
0xda: {  	[tilespmem:s21+$0xC0] =	vst v1;
	v1 =	vmul.f32 $8.000000000e+00, v3;
	v3 =	vld [tilespmem:s21+$0x130]  }
0xdb: {  	[tilespmem:s21+$0xD0] =	vst v0;
	v0 =	vmul.f32 $8.000000000e+00, v4;
	v4 =	vld [tilespmem:s21+$0x140]  }
0xdc: {  	[tilespmem:s21+$0xE0] =	vst v1;
	v1 =	vmul.f32 $8.000000000e+00, v5;
	v5 =	vld [tilespmem:s21+$0x150]  }
0xdd: {  	[tilespmem:s21+$0xF0] =	vst v0;
	v0 =	vmul.f32 $8.000000000e+00, v6;
	v6 =	vld [tilespmem:s21+$0x160]  }
0xde: {  	[tilespmem:s21+$0x100] =	vst v1;
	v1 =	vmul.f32 $8.000000000e+00, v2;
	v2 =	vld [tilespmem:s21+$0x170]  }
0xdf: {  	[tilespmem:s21+$0x110] =	vst v0;
	v0 =	vmul.f32 $8.000000000e+00, v3;
	v3 =	vld [tilespmem:s21+$0x180]  }
0xe0: {  	[tilespmem:s21+$0x120] =	vst v1;
	v1 =	vmul.f32 $8.000000000e+00, v4;
	v4 =	vld [tilespmem:s21+$0x190]  }
0xe1: {  	v7 =	vld [tilespmem:s21+$0x1A0];
	[tilespmem:s21+$0x130] =	vst v0;
	v5 =	vmul.f32 $8.000000000e+00, v5  }
0xe2: {  	v0 =	vld [tilespmem:s21+$0x1B0];
	[tilespmem:s21+$0x140] =	vst v1;
	v6 =	vmul.f32 $8.000000000e+00, v6  }
0xe3: {  	v1 =	vld [tilespmem:s21+$0x1C0];
	[tilespmem:s21+$0x150] =	vst v5;
	v5 =	vmul.f32 $8.000000000e+00, v2  }
0xe4: {  	v2 =	vld [tilespmem:s21+$0x1D0];
	[tilespmem:s21+$0x160] =	vst v6;
	v6 =	vmul.f32 $8.000000000e+00, v3  }
0xe5: {  	v3 =	vld [tilespmem:s21+$0x1E0];
	[tilespmem:s21+$0x170] =	vst v5;
	v5 =	vmul.f32 $8.000000000e+00, v4  }
0xe6: {  	s22 =	simm.s32 $0x0;
	s23 =	simm.s32 $0xCA00;
	v4 =	vld [tilespmem:s21+$0x0];
	[tilespmem:s21+$0x180] =	vst v6;
	v6 =	vmul.f32 $8.000000000e+00, v7  }
.LBB2_7:
0xe7: {  	v7 =	vld [tilespmem:s23+$0x1F0];
	s22 =	sadd.s32 $0x8, s22;
	[tilespmem:s21+$0x190] =	vst v5;
	v0 =	vmul.f32 $8.000000000e+00, v0  }
0xe8: {  	v5 =	vld [tilespmem:s23+$0x10];
	p0 =	slt.u32 s22, $0xC0;
	[tilespmem:s21+$0x1A0] =	vst v6;
	v1 =	vmul.f32 $8.000000000e+00, v1  }
0xe9: {  	v6 =	vld [tilespmem:s23+$0x20];
	[tilespmem:s21+$0x1B0] =	vst v0;
	v0 =	vmul.f32 $8.000000000e+00, v2  }
0xea: {  	v2 =	vld [tilespmem:s23+$0x30];
	[tilespmem:s21+$0x1C0] =	vst v1;
	v1 =	vmul.f32 $8.000000000e+00, v3  }
0xeb: {  	v3 =	vld [tilespmem:s23+$0x40];
	v4 =	vmul.f32 $8.000000000e+00, v4;
	[tilespmem:s21+$0x1D0] =	vst v0  }
0xec: {  	v0 =	vld [tilespmem:s23+$0x50];
	v7 =	vmul.f32 $8.000000000e+00, v7;
	[tilespmem:s21+$0x1E0] =	vst v1  }
0xed: {  	v1 =	vmul.f32 $8.000000000e+00, v5;
	v5 =	vld [tilespmem:s23+$0x60];
	[tilespmem:s21+$0x0] =	vst v4;
	s21 =	smov.u32 s23  }
0xee: {  	s20 =	simm.s32 $0xFA00;
	v4 =	vmul.f32 $8.000000000e+00, v6;
	v6 =	vld [tilespmem:s23+$0x70];
	[tilespmem:s23+$0x1F0] =	vst v7  }
0xef: {  	[tilespmem:s23+$0x10] =	vst v1;
	v1 =	vmul.f32 $8.000000000e+00, v2;
	v2 =	vld [tilespmem:s23+$0x80]  }
0xf0: {  	[tilespmem:s23+$0x20] =	vst v4;
	v3 =	vmul.f32 $8.000000000e+00, v3;
	v4 =	vld [tilespmem:s23+$0x90]  }
0xf1: {  	[tilespmem:s23+$0x30] =	vst v1;
	v0 =	vmul.f32 $8.000000000e+00, v0;
	v1 =	vld [tilespmem:s23+$0xA0]  }
0xf2: {  	[tilespmem:s23+$0x40] =	vst v3;
	v3 =	vmul.f32 $8.000000000e+00, v5;
	v5 =	vld [tilespmem:s23+$0xB0]  }
0xf3: {  	[tilespmem:s23+$0x50] =	vst v0;
	v0 =	vmul.f32 $8.000000000e+00, v6;
	v6 =	vld [tilespmem:s23+$0xC0]  }
0xf4: {  	[tilespmem:s23+$0x60] =	vst v3;
	v2 =	vmul.f32 $8.000000000e+00, v2;
	v3 =	vld [tilespmem:s23+$0xD0]  }
0xf5: {  	[tilespmem:s23+$0x70] =	vst v0;
	v0 =	vmul.f32 $8.000000000e+00, v4;
	v4 =	vld [tilespmem:s23+$0xE0]  }
0xf6: {  	[tilespmem:s23+$0x80] =	vst v2;
	v1 =	vmul.f32 $8.000000000e+00, v1;
	v2 =	vld [tilespmem:s23+$0xF0]  }
0xf7: {  	[tilespmem:s23+$0x90] =	vst v0;
	v0 =	vmul.f32 $8.000000000e+00, v5;
	v5 =	vld [tilespmem:s23+$0x100]  }
0xf8: {  	[tilespmem:s23+$0xA0] =	vst v1;
	v1 =	vmul.f32 $8.000000000e+00, v6;
	v6 =	vld [tilespmem:s23+$0x110]  }
0xf9: {  	[tilespmem:s23+$0xB0] =	vst v0;
	v0 =	vmul.f32 $8.000000000e+00, v3;
	v3 =	vld [tilespmem:s23+$0x120]  }
0xfa: {  	[tilespmem:s23+$0xC0] =	vst v1;
	v1 =	vmul.f32 $8.000000000e+00, v4;
	v4 =	vld [tilespmem:s23+$0x130]  }
0xfb: {  	[tilespmem:s23+$0xD0] =	vst v0;
	v0 =	vmul.f32 $8.000000000e+00, v2;
	v2 =	vld [tilespmem:s23+$0x140]  }
0xfc: {  	[tilespmem:s23+$0xE0] =	vst v1;
	v1 =	vmul.f32 $8.000000000e+00, v5;
	v5 =	vld [tilespmem:s23+$0x150]  }
0xfd: {  	[tilespmem:s23+$0xF0] =	vst v0;
	v0 =	vmul.f32 $8.000000000e+00, v6;
	v6 =	vld [tilespmem:s23+$0x160]  }
0xfe: {  	[tilespmem:s23+$0x100] =	vst v1;
	v1 =	vmul.f32 $8.000000000e+00, v3;
	v3 =	vld [tilespmem:s23+$0x170]  }
0xff: {  	[tilespmem:s23+$0x110] =	vst v0;
	v0 =	vmul.f32 $8.000000000e+00, v4;
	v4 =	vld [tilespmem:s23+$0x180]  }
0x100: {  	[tilespmem:s23+$0x120] =	vst v1;
	v1 =	vmul.f32 $8.000000000e+00, v2;
	v7 =	vld [tilespmem:s23+$0x190]  }
0x101: {  	[tilespmem:s23+$0x130] =	vst v0;
	v2 =	vmul.f32 $8.000000000e+00, v5;
	v8 =	vld [tilespmem:s23+$0x1A0]  }
.Ltmp2:
0x102: {  	[tilespmem:s23+$0x140] =	vst v1;
	v5 =	vmul.f32 $8.000000000e+00, v6;
	v0 =	vld [tilespmem:s23+$0x1B0];
	(pc) =	sbr.rel @p0 .LBB2_7-.Ltmp2, $4  }
0x103: {  	[tilespmem:s23+$0x150] =	vst v2;
	v3 =	vmul.f32 $8.000000000e+00, v3;
	v1 =	vld [tilespmem:s23+$0x1C0]  }
0x104: {  	[tilespmem:s23+$0x160] =	vst v5;
	v6 =	vmul.f32 $8.000000000e+00, v4;
	v2 =	vld [tilespmem:s23+$0x1D0]  }
0x105: {  	[tilespmem:s23+$0x170] =	vst v3;
	v5 =	vmul.f32 $8.000000000e+00, v7;
	v3 =	vld [tilespmem:s23+$0x1E0]  }
0x106: {  	s23 =	sadd.s32 $0x200, s23;
	v4 =	vld [tilespmem:s21+$0x0];
	[tilespmem:s21+$0x180] =	vst v6;
	v6 =	vmul.f32 $8.000000000e+00, v8  }
0x107: {  	[tilespmem:s21+$0x190] =	vst v5;
	v0 =	vmul.f32 $8.000000000e+00, v0  }
0x108: {  	[tilespmem:s21+$0x1A0] =	vst v6;
	v1 =	vmul.f32 $8.000000000e+00, v1  }
0x109: {  	[tilespmem:s21+$0x1B0] =	vst v0;
	v0 =	vmul.f32 $8.000000000e+00, v2  }
0x10a: {  	[tilespmem:s21+$0x1C0] =	vst v1;
	v1 =	vmul.f32 $8.000000000e+00, v3  }
0x10b: {  	v2 =	vmul.f32 $8.000000000e+00, v4;
	[tilespmem:s21+$0x1D0] =	vst v0  }
0x10c: {  	[tilespmem:s21+$0x1E0] =	vst v1  }
0x10d: {  	[tilespmem:s21+$0x0] =	vst v2  }
0x10e: {  	v0 =	vld [tilespmem:s20+$0x1F0]  }
0x10f: {  	v1 =	vld [tilespmem:s20+$0x10]  }
0x110: {  	v2 =	vld [tilespmem:s20+$0x20]  }
0x111: {  	v3 =	vld [tilespmem:s20+$0x30]  }
0x112: {  	v4 =	vld [tilespmem:s20+$0x40]  }
0x113: {  	v5 =	vld [tilespmem:s20+$0x50];
	v0 =	vmul.f32 $8.000000000e+00, v0  }
0x114: {  	v6 =	vld [tilespmem:s20+$0x60];
	v1 =	vmul.f32 $8.000000000e+00, v1  }
0x115: {  	v7 =	vld [tilespmem:s20+$0x70];
	v2 =	vmul.f32 $8.000000000e+00, v2;
	[tilespmem:s20+$0x1F0] =	vst v0  }
0x116: {  	[tilespmem:s20+$0x10] =	vst v1;
	v0 =	vmul.f32 $8.000000000e+00, v3;
	v1 =	vld [tilespmem:s20+$0x80]  }
0x117: {  	[tilespmem:s20+$0x20] =	vst v2;
	v2 =	vmul.f32 $8.000000000e+00, v4;
	v3 =	vld [tilespmem:s20+$0x90]  }
0x118: {  	v4 =	vld [tilespmem:s20+$0xA0];
	[tilespmem:s20+$0x30] =	vst v0;
	v0 =	vmul.f32 $8.000000000e+00, v5  }
0x119: {  	[tilespmem:s20+$0x40] =	vst v2;
	v2 =	vmul.f32 $8.000000000e+00, v6;
	v5 =	vld [tilespmem:s20+$0xB0]  }
0x11a: {  	v6 =	vld [tilespmem:s20+$0xC0];
	[tilespmem:s20+$0x50] =	vst v0;
	v0 =	vmul.f32 $8.000000000e+00, v7  }
0x11b: {  	[tilespmem:s20+$0x60] =	vst v2;
	v2 =	vld [tilespmem:s20+$0xD0];
	v1 =	vmul.f32 $8.000000000e+00, v1  }
0x11c: {  	[tilespmem:s20+$0x70] =	vst v0;
	v0 =	vmul.f32 $8.000000000e+00, v3;
	v3 =	vld [tilespmem:s20+$0xE0]  }
0x11d: {  	[tilespmem:s20+$0x80] =	vst v1;
	v1 =	vmul.f32 $8.000000000e+00, v4;
	v4 =	vld [tilespmem:s20+$0xF0]  }
0x11e: {  	[tilespmem:s20+$0x90] =	vst v0;
	v0 =	vmul.f32 $8.000000000e+00, v5;
	v5 =	vld [tilespmem:s20+$0x100]  }
0x11f: {  	[tilespmem:s20+$0xA0] =	vst v1;
	v1 =	vmul.f32 $8.000000000e+00, v6;
	v6 =	vld [tilespmem:s20+$0x110]  }
0x120: {  	[tilespmem:s20+$0xB0] =	vst v0;
	v0 =	vmul.f32 $8.000000000e+00, v2;
	v2 =	vld [tilespmem:s20+$0x120]  }
0x121: {  	[tilespmem:s20+$0xC0] =	vst v1;
	v1 =	vmul.f32 $8.000000000e+00, v3;
	v3 =	vld [tilespmem:s20+$0x130]  }
0x122: {  	[tilespmem:s20+$0xD0] =	vst v0;
	v0 =	vmul.f32 $8.000000000e+00, v4;
	v4 =	vld [tilespmem:s20+$0x140]  }
0x123: {  	[tilespmem:s20+$0xE0] =	vst v1;
	v1 =	vmul.f32 $8.000000000e+00, v5;
	v5 =	vld [tilespmem:s20+$0x150]  }
0x124: {  	[tilespmem:s20+$0xF0] =	vst v0;
	v0 =	vmul.f32 $8.000000000e+00, v6;
	v6 =	vld [tilespmem:s20+$0x160]  }
0x125: {  	[tilespmem:s20+$0x100] =	vst v1;
	v1 =	vmul.f32 $8.000000000e+00, v2;
	v2 =	vld [tilespmem:s20+$0x170]  }
0x126: {  	[tilespmem:s20+$0x110] =	vst v0;
	v0 =	vmul.f32 $8.000000000e+00, v3;
	v3 =	vld [tilespmem:s20+$0x180]  }
0x127: {  	v7 =	vld [tilespmem:s20+$0x190];
	[tilespmem:s20+$0x120] =	vst v1;
	v1 =	vmul.f32 $8.000000000e+00, v4  }
0x128: {  	v8 =	vld [tilespmem:s20+$0x1A0];
	[tilespmem:s20+$0x130] =	vst v0;
	v4 =	vmul.f32 $8.000000000e+00, v5  }
0x129: {  	v0 =	vld [tilespmem:s20+$0x1B0];
	[tilespmem:s20+$0x140] =	vst v1;
	v5 =	vmul.f32 $8.000000000e+00, v6  }
0x12a: {  	v1 =	vld [tilespmem:s20+$0x1C0];
	[tilespmem:s20+$0x150] =	vst v4;
	v2 =	vmul.f32 $8.000000000e+00, v2  }
0x12b: {  	v4 =	vld [tilespmem:s20+$0x1D0];
	[tilespmem:s20+$0x160] =	vst v5;
	v6 =	vmul.f32 $8.000000000e+00, v3  }
0x12c: {  	v5 =	vmul.f32 $8.000000000e+00, v7;
	[tilespmem:s20+$0x170] =	vst v2;
	v2 =	vld [tilespmem:s20+$0x1E0]  }
0x12d: {  	s22 =	simm.s32 $0xFC00;
	s21 =	simm.s32 $0x0;
	v3 =	vld [tilespmem:s20+$0x0];
	[tilespmem:s20+$0x180] =	vst v6;
	v6 =	vmul.f32 $8.000000000e+00, v8  }
.LBB2_9:
0x12e: {  	v7 =	vld [tilespmem:s22+$0x1F0];
	s21 =	sadd.s32 $0x8, s21;
	[tilespmem:s20+$0x190] =	vst v5;
	v0 =	vmul.f32 $8.000000000e+00, v0  }
0x12f: {  	v5 =	vld [tilespmem:s22+$0x10];
	p0 =	slt.u32 s21, $0xC0;
	[tilespmem:s20+$0x1A0] =	vst v6;
	v1 =	vmul.f32 $8.000000000e+00, v1  }
0x130: {  	v6 =	vld [tilespmem:s22+$0x20];
	[tilespmem:s20+$0x1B0] =	vst v0;
	v0 =	vmul.f32 $8.000000000e+00, v4  }
0x131: {  	v4 =	vld [tilespmem:s22+$0x30];
	[tilespmem:s20+$0x1C0] =	vst v1;
	v1 =	vmul.f32 $8.000000000e+00, v2  }
0x132: {  	v2 =	vld [tilespmem:s22+$0x40];
	v3 =	vmul.f32 $8.000000000e+00, v3;
	[tilespmem:s20+$0x1D0] =	vst v0  }
0x133: {  	v0 =	vld [tilespmem:s22+$0x50];
	v7 =	vmul.f32 $8.000000000e+00, v7;
	[tilespmem:s20+$0x1E0] =	vst v1  }
0x134: {  	v1 =	vmul.f32 $8.000000000e+00, v5;
	v5 =	vld [tilespmem:s22+$0x60];
	[tilespmem:s20+$0x0] =	vst v3;
	s20 =	smov.u32 s22  }
0x135: {  	v3 =	vmul.f32 $8.000000000e+00, v6;
	v6 =	vld [tilespmem:s22+$0x70];
	[tilespmem:s22+$0x1F0] =	vst v7  }
0x136: {  	[tilespmem:s22+$0x10] =	vst v1;
	v1 =	vmul.f32 $8.000000000e+00, v4;
	v4 =	vld [tilespmem:s22+$0x80]  }
0x137: {  	[tilespmem:s22+$0x20] =	vst v3;
	v2 =	vmul.f32 $8.000000000e+00, v2;
	v3 =	vld [tilespmem:s22+$0x90]  }
0x138: {  	[tilespmem:s22+$0x30] =	vst v1;
	v0 =	vmul.f32 $8.000000000e+00, v0;
	v1 =	vld [tilespmem:s22+$0xA0]  }
0x139: {  	[tilespmem:s22+$0x40] =	vst v2;
	v2 =	vmul.f32 $8.000000000e+00, v5;
	v5 =	vld [tilespmem:s22+$0xB0]  }
0x13a: {  	[tilespmem:s22+$0x50] =	vst v0;
	v0 =	vmul.f32 $8.000000000e+00, v6;
	v6 =	vld [tilespmem:s22+$0xC0]  }
0x13b: {  	[tilespmem:s22+$0x60] =	vst v2;
	v2 =	vmul.f32 $8.000000000e+00, v4;
	v4 =	vld [tilespmem:s22+$0xD0]  }
0x13c: {  	[tilespmem:s22+$0x70] =	vst v0;
	v0 =	vmul.f32 $8.000000000e+00, v3;
	v3 =	vld [tilespmem:s22+$0xE0]  }
0x13d: {  	[tilespmem:s22+$0x80] =	vst v2;
	v1 =	vmul.f32 $8.000000000e+00, v1;
	v2 =	vld [tilespmem:s22+$0xF0]  }
0x13e: {  	[tilespmem:s22+$0x90] =	vst v0;
	v0 =	vmul.f32 $8.000000000e+00, v5;
	v5 =	vld [tilespmem:s22+$0x100]  }
0x13f: {  	[tilespmem:s22+$0xA0] =	vst v1;
	v1 =	vmul.f32 $8.000000000e+00, v6;
	v6 =	vld [tilespmem:s22+$0x110]  }
0x140: {  	[tilespmem:s22+$0xB0] =	vst v0;
	v0 =	vmul.f32 $8.000000000e+00, v4;
	v4 =	vld [tilespmem:s22+$0x120]  }
0x141: {  	[tilespmem:s22+$0xC0] =	vst v1;
	v1 =	vmul.f32 $8.000000000e+00, v3;
	v3 =	vld [tilespmem:s22+$0x130]  }
0x142: {  	[tilespmem:s22+$0xD0] =	vst v0;
	v0 =	vmul.f32 $8.000000000e+00, v2;
	v2 =	vld [tilespmem:s22+$0x140]  }
0x143: {  	[tilespmem:s22+$0xE0] =	vst v1;
	v1 =	vmul.f32 $8.000000000e+00, v5;
	v5 =	vld [tilespmem:s22+$0x150]  }
0x144: {  	[tilespmem:s22+$0xF0] =	vst v0;
	v0 =	vmul.f32 $8.000000000e+00, v6;
	v6 =	vld [tilespmem:s22+$0x160]  }
0x145: {  	[tilespmem:s22+$0x100] =	vst v1;
	v1 =	vmul.f32 $8.000000000e+00, v4;
	v4 =	vld [tilespmem:s22+$0x170]  }
0x146: {  	[tilespmem:s22+$0x110] =	vst v0;
	v0 =	vmul.f32 $8.000000000e+00, v3;
	v3 =	vld [tilespmem:s22+$0x180]  }
0x147: {  	[tilespmem:s22+$0x120] =	vst v1;
	v1 =	vmul.f32 $8.000000000e+00, v2;
	v2 =	vld [tilespmem:s22+$0x190]  }
0x148: {  	[tilespmem:s22+$0x130] =	vst v0;
	v5 =	vmul.f32 $8.000000000e+00, v5;
	v7 =	vld [tilespmem:s22+$0x1A0]  }
.Ltmp3:
0x149: {  	[tilespmem:s22+$0x140] =	vst v1;
	v6 =	vmul.f32 $8.000000000e+00, v6;
	v0 =	vld [tilespmem:s22+$0x1B0];
	(pc) =	sbr.rel @p0 .LBB2_9-.Ltmp3, $4  }
0x14a: {  	[tilespmem:s22+$0x150] =	vst v5;
	v5 =	vmul.f32 $8.000000000e+00, v4;
	v1 =	vld [tilespmem:s22+$0x1C0]  }
0x14b: {  	[tilespmem:s22+$0x160] =	vst v6;
	v6 =	vmul.f32 $8.000000000e+00, v3;
	v4 =	vld [tilespmem:s22+$0x1D0]  }
0x14c: {  	[tilespmem:s22+$0x170] =	vst v5;
	v5 =	vmul.f32 $8.000000000e+00, v2;
	v2 =	vld [tilespmem:s22+$0x1E0]  }
0x14d: {  	s22 =	sadd.s32 $0x200, s22;
	v3 =	vld [tilespmem:s20+$0x0];
	[tilespmem:s20+$0x180] =	vst v6;
	v6 =	vmul.f32 $8.000000000e+00, v7  }
0x14e: {  	[tilespmem:s20+$0x190] =	vst v5;
	v0 =	vmul.f32 $8.000000000e+00, v0  }
0x14f: {  	[tilespmem:s20+$0x1A0] =	vst v6;
	v1 =	vmul.f32 $8.000000000e+00, v1  }
0x150: {  	s21 =	sshll.u32 s18, $0x3;
	[tilespmem:s20+$0x1B0] =	vst v0;
	v0 =	vmul.f32 $8.000000000e+00, v4  }
0x151: {  	s21 =	sadd.s32 s3, s21;
	[tilespmem:s20+$0x1C0] =	vst v1;
	v1 =	vmul.f32 $8.000000000e+00, v2  }
0x152: {  	s21 =	smul.u32 $0xC80, s21;
	v2 =	vmul.f32 $8.000000000e+00, v3;
	[tilespmem:s20+$0x1D0] =	vst v0  }
0x153: {  	p0 =	seq.s32 s18, $0xF;
	[tilespmem:s20+$0x1E0] =	vst v1  }
0x154: {  	s24 =	sadd.s32 s5, s21;
	[tilespmem:s20+$0x0] =	vst v2;
	s20 =	simm.s32 @!p0 $0x3  }
0x155: {  	[hbm4b:s24+s13] =	stream.strided.scatter [tilespmem:s10], [sflag:$0x3], $0xC800, s9, s13, $0x38;
	[tilespmem:$0x1F400] =	vst v63  }
0x156: {  	s21 =	smul.u32 @!p0 $0x1900, s18;
	_ =	swait.ge @!p0 [sflag:s20], $0xC800  }
0x157: {  	[sflag:s20] =	ssyncset.done @!p0 $0x0  }
0x158: {  	[sflag:s20] =	ssyncadd.s32 @!p0 $0xFFFF3800;
	s20 =	sshra.s32 @!p0 s21, $0x2  }
0x159: {  	s22 =	simm.s32 @!p0 $0x80;
	s23 =	simm.s32 @!p0 $0x6400;
	s21 =	sadd.s32 @!p0 $0x640, s20  }
0x15a: {  	[tilespmem:s23], [sflag:$0x1] =	stream.indirect.gather @!p0 [hbm4b:s4+s22], $0x40, s21, s22, $0xb8;
	[tilespmem:$0x1F400] =	vst v63  }
0x15b: {  	s24 =	simm.s32 @!p0 $0x8400;
	s21 =	sadd.s32 @!p0 $0x6C0, s20;
	s23 =	simm.s32 @!p0 $0x48  }
0x15c: {  	[tilespmem:s24], [sflag:$0x1] =	stream.indirect.gather @!p0 [hbm4b:s4+s23], $0x40, s21, s23, $0xb8;
	[tilespmem:$0x1F400] =	vst v63  }
0x15d: {  	s21 =	sadd.s32 @!p0 $0x708, s20;
	s24 =	simm.s32 @!p0 $0x9600  }
0x15e: {  	[tilespmem:s24], [sflag:$0x1] =	stream.indirect.gather @!p0 [hbm4b:s4+s22], $0x40, s21, s22, $0xb8;
	[tilespmem:$0x1F400] =	vst v63  }
0x15f: {  	s21 =	sadd.s32 @!p0 $0x788, s20;
	s24 =	simm.s32 @!p0 $0xB600  }
0x160: {  	[tilespmem:s24], [sflag:$0x1] =	stream.indirect.gather @!p0 [hbm4b:s4+s23], $0x40, s21, s23, $0xb8;
	[tilespmem:$0x1F400] =	vst v63  }
0x161: {  	s21 =	sadd.s32 @!p0 $0x7D0, s20;
	s24 =	simm.s32 @!p0 $0xC800  }
0x162: {  	[tilespmem:s24], [sflag:$0x1] =	stream.indirect.gather @!p0 [hbm4b:s4+s22], $0x40, s21, s22, $0xb8;
	[tilespmem:$0x1F400] =	vst v63  }
0x163: {  	s21 =	sadd.s32 @!p0 $0x850, s20;
	s24 =	simm.s32 @!p0 $0xE800  }
0x164: {  	[tilespmem:s24], [sflag:$0x1] =	stream.indirect.gather @!p0 [hbm4b:s4+s23], $0x40, s21, s23, $0xb8;
	[tilespmem:$0x1F400] =	vst v63  }
0x165: {  	s21 =	sadd.s32 @!p0 $0x898, s20;
	s24 =	simm.s32 @!p0 $0xFA00  }
0x166: {  	[tilespmem:s24], [sflag:$0x1] =	stream.indirect.gather @!p0 [hbm4b:s4+s22], $0x40, s21, s22, $0xb8;
	[tilespmem:$0x1F400] =	vst v63  }
0x167: {  	s20 =	sadd.s32 @!p0 $0x918, s20;
	s21 =	simm.s32 @!p0 $0x11A00  }
0x168: {  	[tilespmem:s21], [sflag:$0x1] =	stream.indirect.gather @!p0 [hbm4b:s4+s23], $0x40, s20, s23, $0xb8;
	[tilespmem:$0x1F400] =	vst v63  }
0x169: {  	_ =	swait.ge [sflag:s14], $0xC800  }
0x16a: {  	[sflag:s14] =	ssyncset.done $0x0  }
0x16b: {  	s21 =	simm.s32 $0x12D00;
	[sflag:s14] =	ssyncadd.s32 $0xFFFF3800  }
0x16c: {  	v0 =	vld [tilespmem:s21+$0xF0]  }
0x16d: {  	v1 =	vld [tilespmem:s21+$0xFFFFFF10]  }
0x16e: {  	v2 =	vld [tilespmem:s21+$0xFFFFFF20]  }
0x16f: {  	v3 =	vld [tilespmem:s21+$0xFFFFFF30]  }
0x170: {  	v4 =	vld [tilespmem:s21+$0xFFFFFF40]  }
0x171: {  	v5 =	vld [tilespmem:s21+$0xFFFFFF50];
	v0 =	vmul.f32 $8.000000000e+00, v0  }
0x172: {  	v6 =	vld [tilespmem:s21+$0xFFFFFF60];
	v1 =	vmul.f32 $8.000000000e+00, v1  }
0x173: {  	v7 =	vld [tilespmem:s21+$0xFFFFFF70];
	v2 =	vmul.f32 $8.000000000e+00, v2;
	[tilespmem:s21+$0xF0] =	vst v0  }
0x174: {  	[tilespmem:s21+$0xFFFFFF10] =	vst v1;
	v0 =	vmul.f32 $8.000000000e+00, v3;
	v1 =	vld [tilespmem:s21+$0xFFFFFF80]  }
0x175: {  	[tilespmem:s21+$0xFFFFFF20] =	vst v2;
	v2 =	vmul.f32 $8.000000000e+00, v4;
	v3 =	vld [tilespmem:s21+$0xFFFFFF90]  }
0x176: {  	v4 =	vld [tilespmem:s21+$0xFFFFFFA0];
	[tilespmem:s21+$0xFFFFFF30] =	vst v0;
	v0 =	vmul.f32 $8.000000000e+00, v5  }
0x177: {  	[tilespmem:s21+$0xFFFFFF40] =	vst v2;
	v2 =	vmul.f32 $8.000000000e+00, v6;
	v5 =	vld [tilespmem:s21+$0xFFFFFFB0]  }
0x178: {  	v6 =	vld [tilespmem:s21+$0xFFFFFFC0];
	[tilespmem:s21+$0xFFFFFF50] =	vst v0;
	v0 =	vmul.f32 $8.000000000e+00, v7  }
0x179: {  	[tilespmem:s21+$0xFFFFFF60] =	vst v2;
	v2 =	vld [tilespmem:s21+$0xFFFFFFD0];
	v1 =	vmul.f32 $8.000000000e+00, v1  }
0x17a: {  	[tilespmem:s21+$0xFFFFFF70] =	vst v0;
	v0 =	vmul.f32 $8.000000000e+00, v3;
	v3 =	vld [tilespmem:s21+$0xFFFFFFE0]  }
0x17b: {  	[tilespmem:s21+$0xFFFFFF80] =	vst v1;
	v1 =	vmul.f32 $8.000000000e+00, v4;
	v4 =	vld [tilespmem:s21+$0xFFFFFFF0]  }
0x17c: {  	[tilespmem:s21+$0xFFFFFF90] =	vst v0;
	v0 =	vmul.f32 $8.000000000e+00, v5;
	v5 =	vld [tilespmem:s21+$0x0]  }
0x17d: {  	[tilespmem:s21+$0xFFFFFFA0] =	vst v1;
	v1 =	vmul.f32 $8.000000000e+00, v6;
	v6 =	vld [tilespmem:s21+$0x10]  }
0x17e: {  	[tilespmem:s21+$0xFFFFFFB0] =	vst v0;
	v0 =	vmul.f32 $8.000000000e+00, v2;
	v2 =	vld [tilespmem:s21+$0x20]  }
0x17f: {  	[tilespmem:s21+$0xFFFFFFC0] =	vst v1;
	v1 =	vmul.f32 $8.000000000e+00, v3;
	v3 =	vld [tilespmem:s21+$0x30]  }
0x180: {  	[tilespmem:s21+$0xFFFFFFD0] =	vst v0;
	v0 =	vmul.f32 $8.000000000e+00, v4;
	v4 =	vld [tilespmem:s21+$0x40]  }
0x181: {  	[tilespmem:s21+$0xFFFFFFE0] =	vst v1;
	v1 =	vmul.f32 $8.000000000e+00, v5;
	v5 =	vld [tilespmem:s21+$0x50]  }
0x182: {  	[tilespmem:s21+$0xFFFFFFF0] =	vst v0;
	v0 =	vmul.f32 $8.000000000e+00, v6;
	v6 =	vld [tilespmem:s21+$0x60]  }
0x183: {  	[tilespmem:s21+$0x0] =	vst v1;
	v1 =	vmul.f32 $8.000000000e+00, v2;
	v2 =	vld [tilespmem:s21+$0x70]  }
0x184: {  	[tilespmem:s21+$0x10] =	vst v0;
	v0 =	vmul.f32 $8.000000000e+00, v3;
	v3 =	vld [tilespmem:s21+$0x80]  }
0x185: {  	[tilespmem:s21+$0x20] =	vst v1;
	v1 =	vmul.f32 $8.000000000e+00, v4;
	v4 =	vld [tilespmem:s21+$0x90]  }
0x186: {  	v7 =	vld [tilespmem:s21+$0xA0];
	[tilespmem:s21+$0x30] =	vst v0;
	v5 =	vmul.f32 $8.000000000e+00, v5  }
0x187: {  	v0 =	vld [tilespmem:s21+$0xB0];
	[tilespmem:s21+$0x40] =	vst v1;
	v6 =	vmul.f32 $8.000000000e+00, v6  }
0x188: {  	v1 =	vld [tilespmem:s21+$0xC0];
	[tilespmem:s21+$0x50] =	vst v5;
	v5 =	vmul.f32 $8.000000000e+00, v2  }
0x189: {  	v2 =	vld [tilespmem:s21+$0xD0];
	[tilespmem:s21+$0x60] =	vst v6;
	v6 =	vmul.f32 $8.000000000e+00, v3  }
0x18a: {  	v3 =	vld [tilespmem:s21+$0xE0];
	[tilespmem:s21+$0x70] =	vst v5;
	v5 =	vmul.f32 $8.000000000e+00, v4  }
0x18b: {  	s22 =	simm.s32 $0x0;
	s20 =	simm.s32 $0x15FF0;
	s23 =	simm.s32 $0x12F00;
	v4 =	vld [tilespmem:s21+$0xFFFFFF00];
	[tilespmem:s21+$0x80] =	vst v6;
	v6 =	vmul.f32 $8.000000000e+00, v7  }
.LBB2_11:
0x18c: {  	v7 =	vld [tilespmem:s23+$0xF0];
	s22 =	sadd.s32 $0x8, s22;
	[tilespmem:s21+$0x90] =	vst v5;
	v0 =	vmul.f32 $8.000000000e+00, v0  }
0x18d: {  	v5 =	vld [tilespmem:s23+$0xFFFFFF10];
	p0 =	slt.u32 s22, $0xC0;
	[tilespmem:s21+$0xA0] =	vst v6;
	v1 =	vmul.f32 $8.000000000e+00, v1  }
0x18e: {  	v6 =	vld [tilespmem:s23+$0xFFFFFF20];
	[tilespmem:s21+$0xB0] =	vst v0;
	v0 =	vmul.f32 $8.000000000e+00, v2  }
0x18f: {  	v2 =	vld [tilespmem:s23+$0xFFFFFF30];
	[tilespmem:s21+$0xC0] =	vst v1;
	v1 =	vmul.f32 $8.000000000e+00, v3  }
0x190: {  	v3 =	vld [tilespmem:s23+$0xFFFFFF40];
	v4 =	vmul.f32 $8.000000000e+00, v4;
	[tilespmem:s21+$0xD0] =	vst v0  }
0x191: {  	v0 =	vld [tilespmem:s23+$0xFFFFFF50];
	v7 =	vmul.f32 $8.000000000e+00, v7;
	[tilespmem:s21+$0xE0] =	vst v1  }
0x192: {  	v1 =	vmul.f32 $8.000000000e+00, v5;
	v5 =	vld [tilespmem:s23+$0xFFFFFF60];
	[tilespmem:s21+$0xFFFFFF00] =	vst v4;
	s21 =	smov.u32 s23  }
0x193: {  	v4 =	vmul.f32 $8.000000000e+00, v6;
	v6 =	vld [tilespmem:s23+$0xFFFFFF70];
	[tilespmem:s23+$0xF0] =	vst v7  }
0x194: {  	[tilespmem:s23+$0xFFFFFF10] =	vst v1;
	v1 =	vmul.f32 $8.000000000e+00, v2;
	v2 =	vld [tilespmem:s23+$0xFFFFFF80]  }
0x195: {  	[tilespmem:s23+$0xFFFFFF20] =	vst v4;
	v3 =	vmul.f32 $8.000000000e+00, v3;
	v4 =	vld [tilespmem:s23+$0xFFFFFF90]  }
0x196: {  	[tilespmem:s23+$0xFFFFFF30] =	vst v1;
	v0 =	vmul.f32 $8.000000000e+00, v0;
	v1 =	vld [tilespmem:s23+$0xFFFFFFA0]  }
0x197: {  	[tilespmem:s23+$0xFFFFFF40] =	vst v3;
	v3 =	vmul.f32 $8.000000000e+00, v5;
	v5 =	vld [tilespmem:s23+$0xFFFFFFB0]  }
0x198: {  	[tilespmem:s23+$0xFFFFFF50] =	vst v0;
	v0 =	vmul.f32 $8.000000000e+00, v6;
	v6 =	vld [tilespmem:s23+$0xFFFFFFC0]  }
0x199: {  	[tilespmem:s23+$0xFFFFFF60] =	vst v3;
	v2 =	vmul.f32 $8.000000000e+00, v2;
	v3 =	vld [tilespmem:s23+$0xFFFFFFD0]  }
0x19a: {  	[tilespmem:s23+$0xFFFFFF70] =	vst v0;
	v0 =	vmul.f32 $8.000000000e+00, v4;
	v4 =	vld [tilespmem:s23+$0xFFFFFFE0]  }
0x19b: {  	[tilespmem:s23+$0xFFFFFF80] =	vst v2;
	v1 =	vmul.f32 $8.000000000e+00, v1;
	v2 =	vld [tilespmem:s23+$0xFFFFFFF0]  }
0x19c: {  	[tilespmem:s23+$0xFFFFFF90] =	vst v0;
	v0 =	vmul.f32 $8.000000000e+00, v5;
	v5 =	vld [tilespmem:s23+$0x0]  }
0x19d: {  	[tilespmem:s23+$0xFFFFFFA0] =	vst v1;
	v1 =	vmul.f32 $8.000000000e+00, v6;
	v6 =	vld [tilespmem:s23+$0x10]  }
0x19e: {  	[tilespmem:s23+$0xFFFFFFB0] =	vst v0;
	v0 =	vmul.f32 $8.000000000e+00, v3;
	v3 =	vld [tilespmem:s23+$0x20]  }
0x19f: {  	[tilespmem:s23+$0xFFFFFFC0] =	vst v1;
	v1 =	vmul.f32 $8.000000000e+00, v4;
	v4 =	vld [tilespmem:s23+$0x30]  }
0x1a0: {  	[tilespmem:s23+$0xFFFFFFD0] =	vst v0;
	v0 =	vmul.f32 $8.000000000e+00, v2;
	v2 =	vld [tilespmem:s23+$0x40]  }
0x1a1: {  	[tilespmem:s23+$0xFFFFFFE0] =	vst v1;
	v1 =	vmul.f32 $8.000000000e+00, v5;
	v5 =	vld [tilespmem:s23+$0x50]  }
0x1a2: {  	[tilespmem:s23+$0xFFFFFFF0] =	vst v0;
	v0 =	vmul.f32 $8.000000000e+00, v6;
	v6 =	vld [tilespmem:s23+$0x60]  }
0x1a3: {  	[tilespmem:s23+$0x0] =	vst v1;
	v1 =	vmul.f32 $8.000000000e+00, v3;
	v3 =	vld [tilespmem:s23+$0x70]  }
0x1a4: {  	[tilespmem:s23+$0x10] =	vst v0;
	v0 =	vmul.f32 $8.000000000e+00, v4;
	v4 =	vld [tilespmem:s23+$0x80]  }
0x1a5: {  	[tilespmem:s23+$0x20] =	vst v1;
	v1 =	vmul.f32 $8.000000000e+00, v2;
	v7 =	vld [tilespmem:s23+$0x90]  }
0x1a6: {  	[tilespmem:s23+$0x30] =	vst v0;
	v2 =	vmul.f32 $8.000000000e+00, v5;
	v8 =	vld [tilespmem:s23+$0xA0]  }
.Ltmp4:
0x1a7: {  	[tilespmem:s23+$0x40] =	vst v1;
	v5 =	vmul.f32 $8.000000000e+00, v6;
	v0 =	vld [tilespmem:s23+$0xB0];
	(pc) =	sbr.rel @p0 .LBB2_11-.Ltmp4, $4  }
0x1a8: {  	[tilespmem:s23+$0x50] =	vst v2;
	v3 =	vmul.f32 $8.000000000e+00, v3;
	v1 =	vld [tilespmem:s23+$0xC0]  }
0x1a9: {  	[tilespmem:s23+$0x60] =	vst v5;
	v6 =	vmul.f32 $8.000000000e+00, v4;
	v2 =	vld [tilespmem:s23+$0xD0]  }
0x1aa: {  	[tilespmem:s23+$0x70] =	vst v3;
	v5 =	vmul.f32 $8.000000000e+00, v7;
	v3 =	vld [tilespmem:s23+$0xE0]  }
0x1ab: {  	s23 =	sadd.s32 $0x200, s23;
	v4 =	vld [tilespmem:s21+$0xFFFFFF00];
	[tilespmem:s21+$0x80] =	vst v6;
	v6 =	vmul.f32 $8.000000000e+00, v8  }
0x1ac: {  	[tilespmem:s21+$0x90] =	vst v5;
	v0 =	vmul.f32 $8.000000000e+00, v0  }
0x1ad: {  	[tilespmem:s21+$0xA0] =	vst v6;
	v1 =	vmul.f32 $8.000000000e+00, v1  }
0x1ae: {  	[tilespmem:s21+$0xB0] =	vst v0;
	v0 =	vmul.f32 $8.000000000e+00, v2  }
0x1af: {  	[tilespmem:s21+$0xC0] =	vst v1;
	v1 =	vmul.f32 $8.000000000e+00, v3  }
0x1b0: {  	v2 =	vmul.f32 $8.000000000e+00, v4;
	[tilespmem:s21+$0xD0] =	vst v0  }
0x1b1: {  	[tilespmem:s21+$0xE0] =	vst v1  }
0x1b2: {  	[tilespmem:s21+$0xFFFFFF00] =	vst v2  }
0x1b3: {  	v0 =	vld [tilespmem:s20+$0x0]  }
0x1b4: {  	v1 =	vld [tilespmem:s20+$0xFFFFFE20]  }
0x1b5: {  	v2 =	vld [tilespmem:s20+$0xFFFFFE30]  }
0x1b6: {  	v3 =	vld [tilespmem:s20+$0xFFFFFE40]  }
0x1b7: {  	v4 =	vld [tilespmem:s20+$0xFFFFFE50]  }
0x1b8: {  	v5 =	vld [tilespmem:s20+$0xFFFFFE60];
	v0 =	vmul.f32 $8.000000000e+00, v0  }
0x1b9: {  	v6 =	vld [tilespmem:s20+$0xFFFFFE70];
	v1 =	vmul.f32 $8.000000000e+00, v1  }
0x1ba: {  	v7 =	vld [tilespmem:s20+$0xFFFFFE80];
	v2 =	vmul.f32 $8.000000000e+00, v2;
	[tilespmem:s20+$0x0] =	vst v0  }
0x1bb: {  	[tilespmem:s20+$0xFFFFFE20] =	vst v1;
	v0 =	vmul.f32 $8.000000000e+00, v3;
	v1 =	vld [tilespmem:s20+$0xFFFFFE90]  }
0x1bc: {  	[tilespmem:s20+$0xFFFFFE30] =	vst v2;
	v2 =	vmul.f32 $8.000000000e+00, v4;
	v3 =	vld [tilespmem:s20+$0xFFFFFEA0]  }
0x1bd: {  	v4 =	vld [tilespmem:s20+$0xFFFFFEB0];
	[tilespmem:s20+$0xFFFFFE40] =	vst v0;
	v0 =	vmul.f32 $8.000000000e+00, v5  }
0x1be: {  	[tilespmem:s20+$0xFFFFFE50] =	vst v2;
	v2 =	vmul.f32 $8.000000000e+00, v6;
	v5 =	vld [tilespmem:s20+$0xFFFFFEC0]  }
0x1bf: {  	v6 =	vld [tilespmem:s20+$0xFFFFFED0];
	[tilespmem:s20+$0xFFFFFE60] =	vst v0;
	v0 =	vmul.f32 $8.000000000e+00, v7  }
0x1c0: {  	[tilespmem:s20+$0xFFFFFE70] =	vst v2;
	v2 =	vld [tilespmem:s20+$0xFFFFFEE0];
	v1 =	vmul.f32 $8.000000000e+00, v1  }
0x1c1: {  	[tilespmem:s20+$0xFFFFFE80] =	vst v0;
	v0 =	vmul.f32 $8.000000000e+00, v3;
	v3 =	vld [tilespmem:s20+$0xFFFFFEF0]  }
0x1c2: {  	[tilespmem:s20+$0xFFFFFE90] =	vst v1;
	v1 =	vmul.f32 $8.000000000e+00, v4;
	v4 =	vld [tilespmem:s20+$0xFFFFFF00]  }
0x1c3: {  	[tilespmem:s20+$0xFFFFFEA0] =	vst v0;
	v0 =	vmul.f32 $8.000000000e+00, v5;
	v5 =	vld [tilespmem:s20+$0xFFFFFF10]  }
0x1c4: {  	[tilespmem:s20+$0xFFFFFEB0] =	vst v1;
	v1 =	vmul.f32 $8.000000000e+00, v6;
	v6 =	vld [tilespmem:s20+$0xFFFFFF20]  }
0x1c5: {  	[tilespmem:s20+$0xFFFFFEC0] =	vst v0;
	v0 =	vmul.f32 $8.000000000e+00, v2;
	v2 =	vld [tilespmem:s20+$0xFFFFFF30]  }
0x1c6: {  	[tilespmem:s20+$0xFFFFFED0] =	vst v1;
	v1 =	vmul.f32 $8.000000000e+00, v3;
	v3 =	vld [tilespmem:s20+$0xFFFFFF40]  }
0x1c7: {  	[tilespmem:s20+$0xFFFFFEE0] =	vst v0;
	v0 =	vmul.f32 $8.000000000e+00, v4;
	v4 =	vld [tilespmem:s20+$0xFFFFFF50]  }
0x1c8: {  	[tilespmem:s20+$0xFFFFFEF0] =	vst v1;
	v1 =	vmul.f32 $8.000000000e+00, v5;
	v5 =	vld [tilespmem:s20+$0xFFFFFF60]  }
0x1c9: {  	[tilespmem:s20+$0xFFFFFF00] =	vst v0;
	v0 =	vmul.f32 $8.000000000e+00, v6;
	v6 =	vld [tilespmem:s20+$0xFFFFFF70]  }
0x1ca: {  	[tilespmem:s20+$0xFFFFFF10] =	vst v1;
	v1 =	vmul.f32 $8.000000000e+00, v2;
	v2 =	vld [tilespmem:s20+$0xFFFFFF80]  }
0x1cb: {  	[tilespmem:s20+$0xFFFFFF20] =	vst v0;
	v0 =	vmul.f32 $8.000000000e+00, v3;
	v3 =	vld [tilespmem:s20+$0xFFFFFF90]  }
0x1cc: {  	[tilespmem:s20+$0xFFFFFF30] =	vst v1;
	v1 =	vmul.f32 $8.000000000e+00, v4;
	v4 =	vld [tilespmem:s20+$0xFFFFFFA0]  }
0x1cd: {  	v7 =	vld [tilespmem:s20+$0xFFFFFFB0];
	[tilespmem:s20+$0xFFFFFF40] =	vst v0;
	v5 =	vmul.f32 $8.000000000e+00, v5  }
0x1ce: {  	v0 =	vld [tilespmem:s20+$0xFFFFFFC0];
	[tilespmem:s20+$0xFFFFFF50] =	vst v1;
	v6 =	vmul.f32 $8.000000000e+00, v6  }
0x1cf: {  	v1 =	vld [tilespmem:s20+$0xFFFFFFD0];
	[tilespmem:s20+$0xFFFFFF60] =	vst v5;
	v5 =	vmul.f32 $8.000000000e+00, v2  }
0x1d0: {  	v2 =	vld [tilespmem:s20+$0xFFFFFFE0];
	[tilespmem:s20+$0xFFFFFF70] =	vst v6;
	v6 =	vmul.f32 $8.000000000e+00, v3  }
0x1d1: {  	v3 =	vld [tilespmem:s20+$0xFFFFFFF0];
	[tilespmem:s20+$0xFFFFFF80] =	vst v5;
	v5 =	vmul.f32 $8.000000000e+00, v4  }
0x1d2: {  	s22 =	simm.s32 $0x0;
	s23 =	simm.s32 $0x161F0;
	v4 =	vld [tilespmem:s20+$0xFFFFFE10];
	[tilespmem:s20+$0xFFFFFF90] =	vst v6;
	v6 =	vmul.f32 $8.000000000e+00, v7  }
.LBB2_13:
0x1d3: {  	v7 =	vld [tilespmem:s23+$0x0];
	s22 =	sadd.s32 $0x8, s22;
	[tilespmem:s20+$0xFFFFFFA0] =	vst v5;
	v0 =	vmul.f32 $8.000000000e+00, v0  }
0x1d4: {  	v5 =	vld [tilespmem:s23+$0xFFFFFE20];
	p0 =	slt.u32 s22, $0xC0;
	[tilespmem:s20+$0xFFFFFFB0] =	vst v6;
	v1 =	vmul.f32 $8.000000000e+00, v1  }
0x1d5: {  	v6 =	vld [tilespmem:s23+$0xFFFFFE30];
	[tilespmem:s20+$0xFFFFFFC0] =	vst v0;
	v0 =	vmul.f32 $8.000000000e+00, v2  }
0x1d6: {  	v2 =	vld [tilespmem:s23+$0xFFFFFE40];
	[tilespmem:s20+$0xFFFFFFD0] =	vst v1;
	v1 =	vmul.f32 $8.000000000e+00, v3  }
0x1d7: {  	v3 =	vld [tilespmem:s23+$0xFFFFFE50];
	v4 =	vmul.f32 $8.000000000e+00, v4;
	[tilespmem:s20+$0xFFFFFFE0] =	vst v0  }
0x1d8: {  	v0 =	vld [tilespmem:s23+$0xFFFFFE60];
	v7 =	vmul.f32 $8.000000000e+00, v7;
	[tilespmem:s20+$0xFFFFFFF0] =	vst v1  }
0x1d9: {  	v1 =	vmul.f32 $8.000000000e+00, v5;
	v5 =	vld [tilespmem:s23+$0xFFFFFE70];
	[tilespmem:s20+$0xFFFFFE10] =	vst v4;
	s20 =	smov.u32 s23  }
0x1da: {  	s21 =	simm.s32 $0x19000;
	v4 =	vmul.f32 $8.000000000e+00, v6;
	v6 =	vld [tilespmem:s23+$0xFFFFFE80];
	[tilespmem:s23+$0x0] =	vst v7  }
0x1db: {  	[tilespmem:s23+$0xFFFFFE20] =	vst v1;
	v1 =	vmul.f32 $8.000000000e+00, v2;
	v2 =	vld [tilespmem:s23+$0xFFFFFE90]  }
0x1dc: {  	[tilespmem:s23+$0xFFFFFE30] =	vst v4;
	v3 =	vmul.f32 $8.000000000e+00, v3;
	v4 =	vld [tilespmem:s23+$0xFFFFFEA0]  }
0x1dd: {  	[tilespmem:s23+$0xFFFFFE40] =	vst v1;
	v0 =	vmul.f32 $8.000000000e+00, v0;
	v1 =	vld [tilespmem:s23+$0xFFFFFEB0]  }
0x1de: {  	[tilespmem:s23+$0xFFFFFE50] =	vst v3;
	v3 =	vmul.f32 $8.000000000e+00, v5;
	v5 =	vld [tilespmem:s23+$0xFFFFFEC0]  }
0x1df: {  	[tilespmem:s23+$0xFFFFFE60] =	vst v0;
	v0 =	vmul.f32 $8.000000000e+00, v6;
	v6 =	vld [tilespmem:s23+$0xFFFFFED0]  }
0x1e0: {  	[tilespmem:s23+$0xFFFFFE70] =	vst v3;
	v2 =	vmul.f32 $8.000000000e+00, v2;
	v3 =	vld [tilespmem:s23+$0xFFFFFEE0]  }
0x1e1: {  	[tilespmem:s23+$0xFFFFFE80] =	vst v0;
	v0 =	vmul.f32 $8.000000000e+00, v4;
	v4 =	vld [tilespmem:s23+$0xFFFFFEF0]  }
0x1e2: {  	[tilespmem:s23+$0xFFFFFE90] =	vst v2;
	v1 =	vmul.f32 $8.000000000e+00, v1;
	v2 =	vld [tilespmem:s23+$0xFFFFFF00]  }
0x1e3: {  	[tilespmem:s23+$0xFFFFFEA0] =	vst v0;
	v0 =	vmul.f32 $8.000000000e+00, v5;
	v5 =	vld [tilespmem:s23+$0xFFFFFF10]  }
0x1e4: {  	[tilespmem:s23+$0xFFFFFEB0] =	vst v1;
	v1 =	vmul.f32 $8.000000000e+00, v6;
	v6 =	vld [tilespmem:s23+$0xFFFFFF20]  }
0x1e5: {  	[tilespmem:s23+$0xFFFFFEC0] =	vst v0;
	v0 =	vmul.f32 $8.000000000e+00, v3;
	v3 =	vld [tilespmem:s23+$0xFFFFFF30]  }
0x1e6: {  	[tilespmem:s23+$0xFFFFFED0] =	vst v1;
	v1 =	vmul.f32 $8.000000000e+00, v4;
	v4 =	vld [tilespmem:s23+$0xFFFFFF40]  }
0x1e7: {  	[tilespmem:s23+$0xFFFFFEE0] =	vst v0;
	v0 =	vmul.f32 $8.000000000e+00, v2;
	v2 =	vld [tilespmem:s23+$0xFFFFFF50]  }
0x1e8: {  	[tilespmem:s23+$0xFFFFFEF0] =	vst v1;
	v1 =	vmul.f32 $8.000000000e+00, v5;
	v5 =	vld [tilespmem:s23+$0xFFFFFF60]  }
0x1e9: {  	[tilespmem:s23+$0xFFFFFF00] =	vst v0;
	v0 =	vmul.f32 $8.000000000e+00, v6;
	v6 =	vld [tilespmem:s23+$0xFFFFFF70]  }
0x1ea: {  	[tilespmem:s23+$0xFFFFFF10] =	vst v1;
	v1 =	vmul.f32 $8.000000000e+00, v3;
	v3 =	vld [tilespmem:s23+$0xFFFFFF80]  }
0x1eb: {  	[tilespmem:s23+$0xFFFFFF20] =	vst v0;
	v0 =	vmul.f32 $8.000000000e+00, v4;
	v4 =	vld [tilespmem:s23+$0xFFFFFF90]  }
0x1ec: {  	[tilespmem:s23+$0xFFFFFF30] =	vst v1;
	v1 =	vmul.f32 $8.000000000e+00, v2;
	v7 =	vld [tilespmem:s23+$0xFFFFFFA0]  }
0x1ed: {  	[tilespmem:s23+$0xFFFFFF40] =	vst v0;
	v2 =	vmul.f32 $8.000000000e+00, v5;
	v8 =	vld [tilespmem:s23+$0xFFFFFFB0]  }
.Ltmp5:
0x1ee: {  	[tilespmem:s23+$0xFFFFFF50] =	vst v1;
	v5 =	vmul.f32 $8.000000000e+00, v6;
	v0 =	vld [tilespmem:s23+$0xFFFFFFC0];
	(pc) =	sbr.rel @p0 .LBB2_13-.Ltmp5, $4  }
0x1ef: {  	[tilespmem:s23+$0xFFFFFF60] =	vst v2;
	v3 =	vmul.f32 $8.000000000e+00, v3;
	v1 =	vld [tilespmem:s23+$0xFFFFFFD0]  }
0x1f0: {  	[tilespmem:s23+$0xFFFFFF70] =	vst v5;
	v6 =	vmul.f32 $8.000000000e+00, v4;
	v2 =	vld [tilespmem:s23+$0xFFFFFFE0]  }
0x1f1: {  	[tilespmem:s23+$0xFFFFFF80] =	vst v3;
	v5 =	vmul.f32 $8.000000000e+00, v7;
	v3 =	vld [tilespmem:s23+$0xFFFFFFF0]  }
0x1f2: {  	s23 =	sadd.s32 $0x200, s23;
	v4 =	vld [tilespmem:s20+$0xFFFFFE10];
	[tilespmem:s20+$0xFFFFFF90] =	vst v6;
	v6 =	vmul.f32 $8.000000000e+00, v8  }
0x1f3: {  	[tilespmem:s20+$0xFFFFFFA0] =	vst v5;
	v0 =	vmul.f32 $8.000000000e+00, v0  }
0x1f4: {  	[tilespmem:s20+$0xFFFFFFB0] =	vst v6;
	v1 =	vmul.f32 $8.000000000e+00, v1  }
0x1f5: {  	[tilespmem:s20+$0xFFFFFFC0] =	vst v0;
	v0 =	vmul.f32 $8.000000000e+00, v2  }
0x1f6: {  	[tilespmem:s20+$0xFFFFFFD0] =	vst v1;
	v1 =	vmul.f32 $8.000000000e+00, v3  }
0x1f7: {  	v2 =	vmul.f32 $8.000000000e+00, v4;
	[tilespmem:s20+$0xFFFFFFE0] =	vst v0  }
0x1f8: {  	[tilespmem:s20+$0xFFFFFFF0] =	vst v1  }
0x1f9: {  	[tilespmem:s20+$0xFFFFFE10] =	vst v2  }
0x1fa: {  	v0 =	vld [tilespmem:s21+$0x1F0]  }
0x1fb: {  	v1 =	vld [tilespmem:s21+$0x10]  }
0x1fc: {  	v2 =	vld [tilespmem:s21+$0x20]  }
0x1fd: {  	v3 =	vld [tilespmem:s21+$0x30]  }
0x1fe: {  	v4 =	vld [tilespmem:s21+$0x40]  }
0x1ff: {  	v5 =	vld [tilespmem:s21+$0x50];
	v0 =	vmul.f32 $8.000000000e+00, v0  }
0x200: {  	v6 =	vld [tilespmem:s21+$0x60];
	v1 =	vmul.f32 $8.000000000e+00, v1  }
0x201: {  	v7 =	vld [tilespmem:s21+$0x70];
	v2 =	vmul.f32 $8.000000000e+00, v2;
	[tilespmem:s21+$0x1F0] =	vst v0  }
0x202: {  	[tilespmem:s21+$0x10] =	vst v1;
	v0 =	vmul.f32 $8.000000000e+00, v3;
	v1 =	vld [tilespmem:s21+$0x80]  }
0x203: {  	[tilespmem:s21+$0x20] =	vst v2;
	v2 =	vmul.f32 $8.000000000e+00, v4;
	v3 =	vld [tilespmem:s21+$0x90]  }
0x204: {  	v4 =	vld [tilespmem:s21+$0xA0];
	[tilespmem:s21+$0x30] =	vst v0;
	v0 =	vmul.f32 $8.000000000e+00, v5  }
0x205: {  	[tilespmem:s21+$0x40] =	vst v2;
	v2 =	vmul.f32 $8.000000000e+00, v6;
	v5 =	vld [tilespmem:s21+$0xB0]  }
0x206: {  	v6 =	vld [tilespmem:s21+$0xC0];
	[tilespmem:s21+$0x50] =	vst v0;
	v0 =	vmul.f32 $8.000000000e+00, v7  }
0x207: {  	[tilespmem:s21+$0x60] =	vst v2;
	v2 =	vld [tilespmem:s21+$0xD0];
	v1 =	vmul.f32 $8.000000000e+00, v1  }
0x208: {  	[tilespmem:s21+$0x70] =	vst v0;
	v0 =	vmul.f32 $8.000000000e+00, v3;
	v3 =	vld [tilespmem:s21+$0xE0]  }
0x209: {  	[tilespmem:s21+$0x80] =	vst v1;
	v1 =	vmul.f32 $8.000000000e+00, v4;
	v4 =	vld [tilespmem:s21+$0xF0]  }
0x20a: {  	[tilespmem:s21+$0x90] =	vst v0;
	v0 =	vmul.f32 $8.000000000e+00, v5;
	v5 =	vld [tilespmem:s21+$0x100]  }
0x20b: {  	[tilespmem:s21+$0xA0] =	vst v1;
	v1 =	vmul.f32 $8.000000000e+00, v6;
	v6 =	vld [tilespmem:s21+$0x110]  }
0x20c: {  	[tilespmem:s21+$0xB0] =	vst v0;
	v0 =	vmul.f32 $8.000000000e+00, v2;
	v2 =	vld [tilespmem:s21+$0x120]  }
0x20d: {  	[tilespmem:s21+$0xC0] =	vst v1;
	v1 =	vmul.f32 $8.000000000e+00, v3;
	v3 =	vld [tilespmem:s21+$0x130]  }
0x20e: {  	[tilespmem:s21+$0xD0] =	vst v0;
	v0 =	vmul.f32 $8.000000000e+00, v4;
	v4 =	vld [tilespmem:s21+$0x140]  }
0x20f: {  	[tilespmem:s21+$0xE0] =	vst v1;
	v1 =	vmul.f32 $8.000000000e+00, v5;
	v5 =	vld [tilespmem:s21+$0x150]  }
0x210: {  	[tilespmem:s21+$0xF0] =	vst v0;
	v0 =	vmul.f32 $8.000000000e+00, v6;
	v6 =	vld [tilespmem:s21+$0x160]  }
0x211: {  	[tilespmem:s21+$0x100] =	vst v1;
	v1 =	vmul.f32 $8.000000000e+00, v2;
	v2 =	vld [tilespmem:s21+$0x170]  }
0x212: {  	[tilespmem:s21+$0x110] =	vst v0;
	v0 =	vmul.f32 $8.000000000e+00, v3;
	v3 =	vld [tilespmem:s21+$0x180]  }
0x213: {  	[tilespmem:s21+$0x120] =	vst v1;
	v1 =	vmul.f32 $8.000000000e+00, v4;
	v4 =	vld [tilespmem:s21+$0x190]  }
0x214: {  	v7 =	vld [tilespmem:s21+$0x1A0];
	[tilespmem:s21+$0x130] =	vst v0;
	v5 =	vmul.f32 $8.000000000e+00, v5  }
0x215: {  	v0 =	vld [tilespmem:s21+$0x1B0];
	[tilespmem:s21+$0x140] =	vst v1;
	v6 =	vmul.f32 $8.000000000e+00, v6  }
0x216: {  	v1 =	vld [tilespmem:s21+$0x1C0];
	[tilespmem:s21+$0x150] =	vst v5;
	v5 =	vmul.f32 $8.000000000e+00, v2  }
0x217: {  	v2 =	vld [tilespmem:s21+$0x1D0];
	[tilespmem:s21+$0x160] =	vst v6;
	v6 =	vmul.f32 $8.000000000e+00, v3  }
0x218: {  	v3 =	vld [tilespmem:s21+$0x1E0];
	[tilespmem:s21+$0x170] =	vst v5;
	v5 =	vmul.f32 $8.000000000e+00, v4  }
0x219: {  	s22 =	simm.s32 $0x0;
	s23 =	simm.s32 $0x19200;
	v4 =	vld [tilespmem:s21+$0x0];
	[tilespmem:s21+$0x180] =	vst v6;
	v6 =	vmul.f32 $8.000000000e+00, v7  }
.LBB2_15:
0x21a: {  	v7 =	vld [tilespmem:s23+$0x1F0];
	s22 =	sadd.s32 $0x8, s22;
	[tilespmem:s21+$0x190] =	vst v5;
	v0 =	vmul.f32 $8.000000000e+00, v0  }
0x21b: {  	v5 =	vld [tilespmem:s23+$0x10];
	p0 =	slt.u32 s22, $0xC0;
	[tilespmem:s21+$0x1A0] =	vst v6;
	v1 =	vmul.f32 $8.000000000e+00, v1  }
0x21c: {  	v6 =	vld [tilespmem:s23+$0x20];
	[tilespmem:s21+$0x1B0] =	vst v0;
	v0 =	vmul.f32 $8.000000000e+00, v2  }
0x21d: {  	v2 =	vld [tilespmem:s23+$0x30];
	[tilespmem:s21+$0x1C0] =	vst v1;
	v1 =	vmul.f32 $8.000000000e+00, v3  }
0x21e: {  	v3 =	vld [tilespmem:s23+$0x40];
	v4 =	vmul.f32 $8.000000000e+00, v4;
	[tilespmem:s21+$0x1D0] =	vst v0  }
0x21f: {  	v0 =	vld [tilespmem:s23+$0x50];
	v7 =	vmul.f32 $8.000000000e+00, v7;
	[tilespmem:s21+$0x1E0] =	vst v1  }
0x220: {  	v1 =	vmul.f32 $8.000000000e+00, v5;
	v5 =	vld [tilespmem:s23+$0x60];
	[tilespmem:s21+$0x0] =	vst v4;
	s21 =	smov.u32 s23  }
0x221: {  	s20 =	simm.s32 $0x1C200;
	v4 =	vmul.f32 $8.000000000e+00, v6;
	v6 =	vld [tilespmem:s23+$0x70];
	[tilespmem:s23+$0x1F0] =	vst v7  }
0x222: {  	[tilespmem:s23+$0x10] =	vst v1;
	v1 =	vmul.f32 $8.000000000e+00, v2;
	v2 =	vld [tilespmem:s23+$0x80]  }
0x223: {  	[tilespmem:s23+$0x20] =	vst v4;
	v3 =	vmul.f32 $8.000000000e+00, v3;
	v4 =	vld [tilespmem:s23+$0x90]  }
0x224: {  	[tilespmem:s23+$0x30] =	vst v1;
	v0 =	vmul.f32 $8.000000000e+00, v0;
	v1 =	vld [tilespmem:s23+$0xA0]  }
0x225: {  	[tilespmem:s23+$0x40] =	vst v3;
	v3 =	vmul.f32 $8.000000000e+00, v5;
	v5 =	vld [tilespmem:s23+$0xB0]  }
0x226: {  	[tilespmem:s23+$0x50] =	vst v0;
	v0 =	vmul.f32 $8.000000000e+00, v6;
	v6 =	vld [tilespmem:s23+$0xC0]  }
0x227: {  	[tilespmem:s23+$0x60] =	vst v3;
	v2 =	vmul.f32 $8.000000000e+00, v2;
	v3 =	vld [tilespmem:s23+$0xD0]  }
0x228: {  	[tilespmem:s23+$0x70] =	vst v0;
	v0 =	vmul.f32 $8.000000000e+00, v4;
	v4 =	vld [tilespmem:s23+$0xE0]  }
0x229: {  	[tilespmem:s23+$0x80] =	vst v2;
	v1 =	vmul.f32 $8.000000000e+00, v1;
	v2 =	vld [tilespmem:s23+$0xF0]  }
0x22a: {  	[tilespmem:s23+$0x90] =	vst v0;
	v0 =	vmul.f32 $8.000000000e+00, v5;
	v5 =	vld [tilespmem:s23+$0x100]  }
0x22b: {  	[tilespmem:s23+$0xA0] =	vst v1;
	v1 =	vmul.f32 $8.000000000e+00, v6;
	v6 =	vld [tilespmem:s23+$0x110]  }
0x22c: {  	[tilespmem:s23+$0xB0] =	vst v0;
	v0 =	vmul.f32 $8.000000000e+00, v3;
	v3 =	vld [tilespmem:s23+$0x120]  }
0x22d: {  	[tilespmem:s23+$0xC0] =	vst v1;
	v1 =	vmul.f32 $8.000000000e+00, v4;
	v4 =	vld [tilespmem:s23+$0x130]  }
0x22e: {  	[tilespmem:s23+$0xD0] =	vst v0;
	v0 =	vmul.f32 $8.000000000e+00, v2;
	v2 =	vld [tilespmem:s23+$0x140]  }
0x22f: {  	[tilespmem:s23+$0xE0] =	vst v1;
	v1 =	vmul.f32 $8.000000000e+00, v5;
	v5 =	vld [tilespmem:s23+$0x150]  }
0x230: {  	[tilespmem:s23+$0xF0] =	vst v0;
	v0 =	vmul.f32 $8.000000000e+00, v6;
	v6 =	vld [tilespmem:s23+$0x160]  }
0x231: {  	[tilespmem:s23+$0x100] =	vst v1;
	v1 =	vmul.f32 $8.000000000e+00, v3;
	v3 =	vld [tilespmem:s23+$0x170]  }
0x232: {  	[tilespmem:s23+$0x110] =	vst v0;
	v0 =	vmul.f32 $8.000000000e+00, v4;
	v4 =	vld [tilespmem:s23+$0x180]  }
0x233: {  	[tilespmem:s23+$0x120] =	vst v1;
	v1 =	vmul.f32 $8.000000000e+00, v2;
	v7 =	vld [tilespmem:s23+$0x190]  }
0x234: {  	[tilespmem:s23+$0x130] =	vst v0;
	v2 =	vmul.f32 $8.000000000e+00, v5;
	v8 =	vld [tilespmem:s23+$0x1A0]  }
.Ltmp6:
0x235: {  	[tilespmem:s23+$0x140] =	vst v1;
	v5 =	vmul.f32 $8.000000000e+00, v6;
	v0 =	vld [tilespmem:s23+$0x1B0];
	(pc) =	sbr.rel @p0 .LBB2_15-.Ltmp6, $4  }
0x236: {  	[tilespmem:s23+$0x150] =	vst v2;
	v3 =	vmul.f32 $8.000000000e+00, v3;
	v1 =	vld [tilespmem:s23+$0x1C0]  }
0x237: {  	[tilespmem:s23+$0x160] =	vst v5;
	v6 =	vmul.f32 $8.000000000e+00, v4;
	v2 =	vld [tilespmem:s23+$0x1D0]  }
0x238: {  	[tilespmem:s23+$0x170] =	vst v3;
	v5 =	vmul.f32 $8.000000000e+00, v7;
	v3 =	vld [tilespmem:s23+$0x1E0]  }
0x239: {  	s23 =	sadd.s32 $0x200, s23;
	v4 =	vld [tilespmem:s21+$0x0];
	[tilespmem:s21+$0x180] =	vst v6;
	v6 =	vmul.f32 $8.000000000e+00, v8  }
0x23a: {  	[tilespmem:s21+$0x190] =	vst v5;
	v0 =	vmul.f32 $8.000000000e+00, v0  }
0x23b: {  	[tilespmem:s21+$0x1A0] =	vst v6;
	v1 =	vmul.f32 $8.000000000e+00, v1  }
0x23c: {  	[tilespmem:s21+$0x1B0] =	vst v0;
	v0 =	vmul.f32 $8.000000000e+00, v2  }
0x23d: {  	[tilespmem:s21+$0x1C0] =	vst v1;
	v1 =	vmul.f32 $8.000000000e+00, v3  }
0x23e: {  	v2 =	vmul.f32 $8.000000000e+00, v4;
	[tilespmem:s21+$0x1D0] =	vst v0  }
0x23f: {  	[tilespmem:s21+$0x1E0] =	vst v1  }
0x240: {  	[tilespmem:s21+$0x0] =	vst v2  }
0x241: {  	v0 =	vld [tilespmem:s20+$0x1F0]  }
0x242: {  	v1 =	vld [tilespmem:s20+$0x10]  }
0x243: {  	v2 =	vld [tilespmem:s20+$0x20]  }
0x244: {  	v3 =	vld [tilespmem:s20+$0x30]  }
0x245: {  	v4 =	vld [tilespmem:s20+$0x40]  }
0x246: {  	v5 =	vld [tilespmem:s20+$0x50];
	v0 =	vmul.f32 $8.000000000e+00, v0  }
0x247: {  	v6 =	vld [tilespmem:s20+$0x60];
	v1 =	vmul.f32 $8.000000000e+00, v1  }
0x248: {  	v7 =	vld [tilespmem:s20+$0x70];
	v2 =	vmul.f32 $8.000000000e+00, v2;
	[tilespmem:s20+$0x1F0] =	vst v0  }
0x249: {  	[tilespmem:s20+$0x10] =	vst v1;
	v0 =	vmul.f32 $8.000000000e+00, v3;
	v1 =	vld [tilespmem:s20+$0x80]  }
0x24a: {  	[tilespmem:s20+$0x20] =	vst v2;
	v2 =	vmul.f32 $8.000000000e+00, v4;
	v3 =	vld [tilespmem:s20+$0x90]  }
0x24b: {  	v4 =	vld [tilespmem:s20+$0xA0];
	[tilespmem:s20+$0x30] =	vst v0;
	v0 =	vmul.f32 $8.000000000e+00, v5  }
0x24c: {  	[tilespmem:s20+$0x40] =	vst v2;
	v2 =	vmul.f32 $8.000000000e+00, v6;
	v5 =	vld [tilespmem:s20+$0xB0]  }
0x24d: {  	v6 =	vld [tilespmem:s20+$0xC0];
	[tilespmem:s20+$0x50] =	vst v0;
	v0 =	vmul.f32 $8.000000000e+00, v7  }
0x24e: {  	[tilespmem:s20+$0x60] =	vst v2;
	v2 =	vld [tilespmem:s20+$0xD0];
	v1 =	vmul.f32 $8.000000000e+00, v1  }
0x24f: {  	[tilespmem:s20+$0x70] =	vst v0;
	v0 =	vmul.f32 $8.000000000e+00, v3;
	v3 =	vld [tilespmem:s20+$0xE0]  }
0x250: {  	[tilespmem:s20+$0x80] =	vst v1;
	v1 =	vmul.f32 $8.000000000e+00, v4;
	v4 =	vld [tilespmem:s20+$0xF0]  }
0x251: {  	[tilespmem:s20+$0x90] =	vst v0;
	v0 =	vmul.f32 $8.000000000e+00, v5;
	v5 =	vld [tilespmem:s20+$0x100]  }
0x252: {  	[tilespmem:s20+$0xA0] =	vst v1;
	v1 =	vmul.f32 $8.000000000e+00, v6;
	v6 =	vld [tilespmem:s20+$0x110]  }
0x253: {  	[tilespmem:s20+$0xB0] =	vst v0;
	v0 =	vmul.f32 $8.000000000e+00, v2;
	v2 =	vld [tilespmem:s20+$0x120]  }
0x254: {  	[tilespmem:s20+$0xC0] =	vst v1;
	v1 =	vmul.f32 $8.000000000e+00, v3;
	v3 =	vld [tilespmem:s20+$0x130]  }
0x255: {  	[tilespmem:s20+$0xD0] =	vst v0;
	v0 =	vmul.f32 $8.000000000e+00, v4;
	v4 =	vld [tilespmem:s20+$0x140]  }
0x256: {  	[tilespmem:s20+$0xE0] =	vst v1;
	v1 =	vmul.f32 $8.000000000e+00, v5;
	v5 =	vld [tilespmem:s20+$0x150]  }
0x257: {  	[tilespmem:s20+$0xF0] =	vst v0;
	v0 =	vmul.f32 $8.000000000e+00, v6;
	v6 =	vld [tilespmem:s20+$0x160]  }
0x258: {  	[tilespmem:s20+$0x100] =	vst v1;
	v1 =	vmul.f32 $8.000000000e+00, v2;
	v2 =	vld [tilespmem:s20+$0x170]  }
0x259: {  	[tilespmem:s20+$0x110] =	vst v0;
	v0 =	vmul.f32 $8.000000000e+00, v3;
	v3 =	vld [tilespmem:s20+$0x180]  }
0x25a: {  	v7 =	vld [tilespmem:s20+$0x190];
	[tilespmem:s20+$0x120] =	vst v1;
	v1 =	vmul.f32 $8.000000000e+00, v4  }
0x25b: {  	v8 =	vld [tilespmem:s20+$0x1A0];
	[tilespmem:s20+$0x130] =	vst v0;
	v4 =	vmul.f32 $8.000000000e+00, v5  }
0x25c: {  	v0 =	vld [tilespmem:s20+$0x1B0];
	[tilespmem:s20+$0x140] =	vst v1;
	v5 =	vmul.f32 $8.000000000e+00, v6  }
0x25d: {  	v1 =	vld [tilespmem:s20+$0x1C0];
	[tilespmem:s20+$0x150] =	vst v4;
	v2 =	vmul.f32 $8.000000000e+00, v2  }
0x25e: {  	v4 =	vld [tilespmem:s20+$0x1D0];
	[tilespmem:s20+$0x160] =	vst v5;
	v6 =	vmul.f32 $8.000000000e+00, v3  }
0x25f: {  	v5 =	vmul.f32 $8.000000000e+00, v7;
	[tilespmem:s20+$0x170] =	vst v2;
	v2 =	vld [tilespmem:s20+$0x1E0]  }
0x260: {  	s22 =	simm.s32 $0x1C400;
	s21 =	simm.s32 $0x0;
	v3 =	vld [tilespmem:s20+$0x0];
	[tilespmem:s20+$0x180] =	vst v6;
	v6 =	vmul.f32 $8.000000000e+00, v8  }
.LBB2_17:
0x261: {  	v7 =	vld [tilespmem:s22+$0x1F0];
	s21 =	sadd.s32 $0x8, s21;
	[tilespmem:s20+$0x190] =	vst v5;
	v0 =	vmul.f32 $8.000000000e+00, v0  }
0x262: {  	v5 =	vld [tilespmem:s22+$0x10];
	p0 =	slt.u32 s21, $0xC0;
	[tilespmem:s20+$0x1A0] =	vst v6;
	v1 =	vmul.f32 $8.000000000e+00, v1  }
0x263: {  	v6 =	vld [tilespmem:s22+$0x20];
	[tilespmem:s20+$0x1B0] =	vst v0;
	v0 =	vmul.f32 $8.000000000e+00, v4  }
0x264: {  	v4 =	vld [tilespmem:s22+$0x30];
	[tilespmem:s20+$0x1C0] =	vst v1;
	v1 =	vmul.f32 $8.000000000e+00, v2  }
0x265: {  	v2 =	vld [tilespmem:s22+$0x40];
	v3 =	vmul.f32 $8.000000000e+00, v3;
	[tilespmem:s20+$0x1D0] =	vst v0  }
0x266: {  	v0 =	vld [tilespmem:s22+$0x50];
	v7 =	vmul.f32 $8.000000000e+00, v7;
	[tilespmem:s20+$0x1E0] =	vst v1  }
0x267: {  	v1 =	vmul.f32 $8.000000000e+00, v5;
	v5 =	vld [tilespmem:s22+$0x60];
	[tilespmem:s20+$0x0] =	vst v3;
	s20 =	smov.u32 s22  }
0x268: {  	v3 =	vmul.f32 $8.000000000e+00, v6;
	v6 =	vld [tilespmem:s22+$0x70];
	[tilespmem:s22+$0x1F0] =	vst v7  }
0x269: {  	[tilespmem:s22+$0x10] =	vst v1;
	v1 =	vmul.f32 $8.000000000e+00, v4;
	v4 =	vld [tilespmem:s22+$0x80]  }
0x26a: {  	[tilespmem:s22+$0x20] =	vst v3;
	v2 =	vmul.f32 $8.000000000e+00, v2;
	v3 =	vld [tilespmem:s22+$0x90]  }
0x26b: {  	[tilespmem:s22+$0x30] =	vst v1;
	v0 =	vmul.f32 $8.000000000e+00, v0;
	v1 =	vld [tilespmem:s22+$0xA0]  }
0x26c: {  	[tilespmem:s22+$0x40] =	vst v2;
	v2 =	vmul.f32 $8.000000000e+00, v5;
	v5 =	vld [tilespmem:s22+$0xB0]  }
0x26d: {  	[tilespmem:s22+$0x50] =	vst v0;
	v0 =	vmul.f32 $8.000000000e+00, v6;
	v6 =	vld [tilespmem:s22+$0xC0]  }
0x26e: {  	[tilespmem:s22+$0x60] =	vst v2;
	v2 =	vmul.f32 $8.000000000e+00, v4;
	v4 =	vld [tilespmem:s22+$0xD0]  }
0x26f: {  	[tilespmem:s22+$0x70] =	vst v0;
	v0 =	vmul.f32 $8.000000000e+00, v3;
	v3 =	vld [tilespmem:s22+$0xE0]  }
0x270: {  	[tilespmem:s22+$0x80] =	vst v2;
	v1 =	vmul.f32 $8.000000000e+00, v1;
	v2 =	vld [tilespmem:s22+$0xF0]  }
0x271: {  	[tilespmem:s22+$0x90] =	vst v0;
	v0 =	vmul.f32 $8.000000000e+00, v5;
	v5 =	vld [tilespmem:s22+$0x100]  }
0x272: {  	[tilespmem:s22+$0xA0] =	vst v1;
	v1 =	vmul.f32 $8.000000000e+00, v6;
	v6 =	vld [tilespmem:s22+$0x110]  }
0x273: {  	[tilespmem:s22+$0xB0] =	vst v0;
	v0 =	vmul.f32 $8.000000000e+00, v4;
	v4 =	vld [tilespmem:s22+$0x120]  }
0x274: {  	[tilespmem:s22+$0xC0] =	vst v1;
	v1 =	vmul.f32 $8.000000000e+00, v3;
	v3 =	vld [tilespmem:s22+$0x130]  }
0x275: {  	[tilespmem:s22+$0xD0] =	vst v0;
	v0 =	vmul.f32 $8.000000000e+00, v2;
	v2 =	vld [tilespmem:s22+$0x140]  }
0x276: {  	[tilespmem:s22+$0xE0] =	vst v1;
	v1 =	vmul.f32 $8.000000000e+00, v5;
	v5 =	vld [tilespmem:s22+$0x150]  }
0x277: {  	[tilespmem:s22+$0xF0] =	vst v0;
	v0 =	vmul.f32 $8.000000000e+00, v6;
	v6 =	vld [tilespmem:s22+$0x160]  }
0x278: {  	[tilespmem:s22+$0x100] =	vst v1;
	v1 =	vmul.f32 $8.000000000e+00, v4;
	v4 =	vld [tilespmem:s22+$0x170]  }
0x279: {  	[tilespmem:s22+$0x110] =	vst v0;
	v0 =	vmul.f32 $8.000000000e+00, v3;
	v3 =	vld [tilespmem:s22+$0x180]  }
0x27a: {  	[tilespmem:s22+$0x120] =	vst v1;
	v1 =	vmul.f32 $8.000000000e+00, v2;
	v2 =	vld [tilespmem:s22+$0x190]  }
0x27b: {  	[tilespmem:s22+$0x130] =	vst v0;
	v5 =	vmul.f32 $8.000000000e+00, v5;
	v7 =	vld [tilespmem:s22+$0x1A0]  }
.Ltmp7:
0x27c: {  	[tilespmem:s22+$0x140] =	vst v1;
	v6 =	vmul.f32 $8.000000000e+00, v6;
	v0 =	vld [tilespmem:s22+$0x1B0];
	(pc) =	sbr.rel @p0 .LBB2_17-.Ltmp7, $4  }
0x27d: {  	[tilespmem:s22+$0x150] =	vst v5;
	v5 =	vmul.f32 $8.000000000e+00, v4;
	v1 =	vld [tilespmem:s22+$0x1C0]  }
0x27e: {  	[tilespmem:s22+$0x160] =	vst v6;
	v6 =	vmul.f32 $8.000000000e+00, v3;
	v4 =	vld [tilespmem:s22+$0x1D0]  }
0x27f: {  	[tilespmem:s22+$0x170] =	vst v5;
	v5 =	vmul.f32 $8.000000000e+00, v2;
	v2 =	vld [tilespmem:s22+$0x1E0]  }
0x280: {  	s22 =	sadd.s32 $0x200, s22;
	v3 =	vld [tilespmem:s20+$0x0];
	[tilespmem:s20+$0x180] =	vst v6;
	v6 =	vmul.f32 $8.000000000e+00, v7  }
0x281: {  	[tilespmem:s20+$0x190] =	vst v5;
	v0 =	vmul.f32 $8.000000000e+00, v0  }
0x282: {  	s18 =	sadd.s32 $0x1, s18;
	[tilespmem:s20+$0x1A0] =	vst v6;
	v1 =	vmul.f32 $8.000000000e+00, v1  }
0x283: {  	s19 =	sshll.u32 s19, $0x2;
	p0 =	sne.s32 s18, $0x10;
	[tilespmem:s20+$0x1B0] =	vst v0;
	v61 =	vmul.f32 $8.000000000e+00, v4  }
.Ltmp8:
0x284: {  	s19 =	sadd.s32 s3, s19;
	[tilespmem:s20+$0x1C0] =	vst v1;
	v62 =	vmul.f32 $8.000000000e+00, v2;
	(pc) =	sbr.rel @p0 .LBB2_2-.Ltmp8, $4  }
0x285: {  	s19 =	smul.u32 $0xC80, s19;
	v63 =	vmul.f32 $8.000000000e+00, v3;
	[tilespmem:s20+$0x1D0] =	vst v61  }
0x286: {  	[tilespmem:s20+$0x1E0] =	vst v62  }
0x287: {  	s19 =	sadd.s32 s5, s19;
	[tilespmem:s20+$0x0] =	vst v63  }
0x288: {  	[hbm4b:s19+s13] =	stream.strided.scatter [tilespmem:s25], [sflag:$0x4], $0xC800, s9, s13, $0x38;
	[tilespmem:$0x1F400] =	vst v63  }
0x289: {  	s17 =	sadd.s32 $0x1, s17  }
0x28a: {  	_ =	swait.ge [sflag:s15], $0xC800;
	p0 =	sne.s32 s17, s7  }
.Ltmp9:
0x28b: {  	[sflag:s15] =	ssyncset.done $0x0;
	(pc) =	sbr.rel @p0 .LBB2_1-.Ltmp9, $4  }
0x28c: {  	[sflag:s15] =	ssyncadd.s32 $0xFFFF3800  }
0x28d: {  	_ =	swait.ge [sflag:s16], $0xC800  }
0x28e: {  	[sflag:s16] =	ssyncset.done $0x0  }
0x28f: {  	[sflag:s16] =	ssyncadd.s32 $0xFFFF3800  }
0x290: {  	_ =	sfence.sel $0x180000  }
0x291: {  	[bflag:$0x0] =	sbarrier.arrive $0xFFFF  }
0x292: {  	_ =	strace $0x9000004A  }
0x293: {  	s0 =	stileid.u32;
	[bflag:$0x2] =	sbarrier.arrive $0xFFFF  }
0x294: {  	p0 =	sne.s32 s0, $0x0;
	s0 =	rddreg [dreg:$0x2]  }
0x295: {  	s0 =	sadd.s32 @!p0 $0x100000, s0  }
0x296: {  	[sflag:s0] =	ssyncadd.tile.s32 @!p0 $0x1;
	_ =	shalt  }
.Lfunc_end2:
_tile_overlayer_lowered:
.L_overlay_start_2:
0x297: {  	(tag) =	ssettag $0x2  }
0x298: {  	s0 =	rddreg [dreg:$0x0];
	s2 =	stileid.u32  }
0x299: {  	s1 =	rddreg [dreg:$0x1];
	p0 =	sne.s32 s2, $0x0  }
0x29a: {  	s3 =	rddreg [dreg:$0x2];
	[bflag:$0x3] =	sbarrier.arrive $0xFFFF;
	s2 =	simm.s32 @!p0 $0x1C05  }
0x29b: {  	[timem:s3], [sflag:s2] =	dma.local @!p0 [hbm:s0], s1  }
0x29c: {  	s0 =	simm.s32 @!p0 $0x5  }
0x29d: {  	_ =	swait.ge @!p0 [sflag:s0], s1  }
0x29e: {  	s1 =	ssub.s32 @!p0 $0x0, s1;
	[sflag:s0] =	ssyncset.done @!p0 $0x0  }
0x29f: {  	[sflag:s0] =	ssyncadd.s32 @!p0 s1  }
0x2a0: {  	[bflag:$0x3] =	sbarrier.arrive $0xFFFF  }
0x2a1: {  	_ =	shalt  }

// kernel: sparse-core-data-format-call.1.cloned.1.call-start
scs
called_computation.1_lowered:
.L_overlay_start_0:
0x0: {  	s2 =	sld [smem:$0x3FD9]  }
0x1: {  	s3 =	sld [smem:$0x3FFE];
	_ =	sdelay $0x1  }
0x2: {  	s1 =	srdreg.scid  }
0x3: {  	s0 =	sand.u32 $0x1, s1  }
0x4: {  	s18 =	sshll.u32 s0, $0xA;
	s2 =	sadd.s32 s3, s2  }
0x5: {  	s2 =	sadd.s32 s2, s18  }
0x6: {  	[smem:$0x3FC6] =	sst s2  }
0x7: {  	_ = 	snop  }
0x8: {  	s2 =	sld [smem:$0x3FC8];
	(tm) =	ssettm $0x1  }
0x9: {  	s19 =	sld [smem:$0x3FFB];
	_ =	sdelay $0x3  }
0xa: {  	_ =	strace s19  }
0xb: {  	s3 =	sld [smem:$0x3FFC];
	_ =	sdelay $0x3  }
0xc: {  	_ =	strace s3  }
0xd: {  	s3 =	sld [smem:$0x3FFD];
	_ =	sdelay $0x3  }
0xe: {  	_ =	strace s3  }
0xf: {  	_ =	strace $0x8FFFFFFF  }
0x10: {  	s20 =	sld [smem:$0x3FDB];
	_ =	sdelay $0x1  }
0x11: {  	s4 =	simm.s32 $_scs_section_size  }
0x12: {  	s5 =	simm.s32 $_size__tile_overlayer_lowered;
	s6 =	simm.s32 $_tile_overlayer_lowered  }
0x13: {  	s23 =	simm.s32 $0x1BFF;
	s22 =	sshll.u32 s6, $0x1;
	s3 =	sadd.s32 s4, s20  }
0x14: {  	s7 =	simm.s32 $0x0;
	s21 =	sshll.u32 s5, $0x1;
	s5 =	sadd.s32 s22, s3  }
0x15: {  	[timem:s7], [sflag:s23] =	dma.local [hbm:s5], s21  }
0x16: {  	_ =	swait.ge [sflag:s23], s21  }
0x17: {  	s4 =	ssub.s32 $0x0, s21;
	[sflag:s23] =	ssyncset.done $0x0  }
0x18: {  	[sflag:s23] =	ssyncadd.s32 s4;
	_ =	sdelay $0x1  }
0x19: {  	s24 =	simm.s32 $0x1B8B  }
0x1a: {  	_ =	swait.ge [sflag:s24], $0x1  }
0x1b: {  	[sflag:s24] =	ssyncset.done $0x0  }
0x1c: {  	s26 =	simm.s32 $0x1B8E;
	s25 =	sld [smem:$0x3FFE];
	[sflag:s24] =	ssyncadd.s32 $0xFFFFFFFF  }
0x1d: {  	s27 =	simm.s32 $execute0_lowered;
	[smem:$0x3FD2] =	sst s26  }
0x1e: {  	s5 =	sshll.u32 s27, $0x1;
	_ =	strace $0x80000046;
	[dreg:$0x1] =	wrdreg $0xFFFFFFFF  }
0x1f: {  	s28 =	simm.s32 $_size_execute0_lowered;
	s3 =	sadd.s32 s3, s5;
	[dreg:$0x0] =	wrdreg $0x0  }
0x20: {  	s5 =	sshll.u32 s28, $0x1;
	[dreg:$0x2] =	wrdreg s3  }
0x21: {  	[dreg:$0x3] =	wrdreg s5  }
0x22: {  	[dreg:$0x4] =	wrdreg $0xC0  }
0x23: {  	_ =	task [dreg:s7], $0x5FFFF  }
0x24: {  	[dreg:$0x1] =	wrdreg $0xFFFFFFFF  }
0x25: {  	[dreg:$0x0] =	wrdreg $0x60  }
0x26: {  	[dreg:$0x2] =	wrdreg s2  }
0x27: {  	[dreg:$0x3] =	wrdreg s25  }
0x28: {  	[dreg:$0x4] =	wrdreg $0x9  }
0x29: {  	_ =	task.clear_ibuf [dreg:s7], $0x5FFFF;
	_ =	strace $0x90000046  }
0x2a: {  	s29 =	simm.s32 $0x9;
	_ =	strace $0x80000048  }
0x2b: {  	_ =	swait.ge [sflag:s29], $0x1  }
0x2c: {  	[sflag:s29] =	ssyncadd.s32 $0xFFFFFFFF  }
0x2d: {  	_ =	strace $0x90000048  }
0x2e: {  	_ =	sfence  }
0x2f: {  	s30 =	sld [smem:$0x0];
	_ =	sdelay $0x2  }
0x30: {  	s31 =	sshll.u32 s1, $0xD;
	s1 =	sshrl.u32 s1, $0x2  }
0x31: {  	s3 =	sand.u32 $0x4000, s31;
	s1 =	sadd.s32 s1, s30  }
0x32: {  	s0 =	sor.u32 s3, s0;
	s1 =	sshll.u32 s1, $0x11  }
0x33: {  	s0 =	sor.u32 s1, s0  }
0x34: {  	s0 =	sadd.s32 $0x8F2B, s0  }
0x35: {  	[sflag:s0] =	ssyncadd.remote.s32 $0x1  }
0x36: {  	_ =	sfence.sel $0xFFFF  }
0x37: {  	[dreg:$0x0] =	wrdreg $0xFFFFFFFF;
	(pc) =	sbr.abs _section_cstart, $3  }
0x38: {  	[dreg:$0x1] =	wrdreg $0xFFFFFFFF  }
0x39: {  	_ =	task.clear_ibuf [dreg:s7], $0x2FFFF;
	_ =	strace $0x9FFFFFFF  }
0x3a: {  	(tm) =	ssettm $0x7FFFFFFF  }
0x3b: {  	_ =	shalt  }
tec
execute0_lowered:
.L_overlay_start_1:
0x0: {  	(tag) =	ssettag $0x1  }
0x1: {  	s0 =	srdreg.scid;
	s2 =	rddreg [dreg:$0x0]  }
0x2: {  	s5 =	rddreg [dreg:$0x1];
	s1 =	stileid.u32  }
0x3: {  	s4 =	simm.s32 $0x1;
	s6 =	simm.s32 $0x2;
	s15 =	simm.s32 $0x0  }
0x4: {  	p0 =	por $0x0, $0x0;
	s8 =	simm.s32 $0x80;
	s0 =	sshll.u32 s0, $0x4  }
0x5: {  	s14 =	simm.s32 $0x0;
	s9 =	simm.s32 $0x0;
	s3 =	sand.u32 $0x10, s0  }
.Ltmp0:
0x6: {  	s10 =	simm.s32 $0x0;
	s3 =	sor.u32 s1, s3;
	(pc) =	sbr.rel .LBB1_1-.Ltmp0, $4  }
0x7: {  	s0 =	rddreg [dreg:$0x2];
	_ =	strace $0x80000047;
	s3 =	sshll.u32 s3, $0x7  }
0x8: {  	s12 =	simm.s32 $0x0;
	[sflag:s4] =	ssyncpa.u1 $0x0;
	s7 =	ssub.s32 $0xF4200, s3  }
0x9: {  	s13 =	simm.s32 $0x0;
	[sflag:s6] =	ssyncpa.u1 $0x0;
	s6 =	sshrl.u32 s7, $0xC  }
0xa: {  	s5 =	sadd.s32 $0xE00, s5;
	s11 =	smov.u32 s3;
	s7 =	sadd.s32 $0x2, s6  }
.LBB1_5:
0xb: {  	p1 =	slt.u32 s13, $0x2  }
0xc: {  	s17 =	smov.u32 s15;
	p2 =	sgt.s32 @!p1 s15, $0xF41C0;
	s16 =	sshra.s32 @!p1 s15, $0x1F  }
0xd: {  	p3 =	sgt.s32 @!p1 s14, $0x40;
	s18 =	sshra.s32 @!p1 s14, $0x1F;
	p2 =	por !p2, p1  }
0xe: {  	s15 =	sand.u32 @!p1 s16, s15;
	p3 =	por !p3, p1;
	s16 =	smov.u32 s14  }
0xf: {  	s14 =	sand.u32 @!p1 s18, s14;
	s17 =	simm.s32 @p2 $0xF41C0;
	s16 =	simm.s32 @p3 $0x40  }
0x10: {  	s15 =	ssub.s32 @!p1 s17, s15;
	s14 =	ssub.s32 @!p1 s16, s14  }
0x11: {  	s18 =	smov.u32 s12;
	s16 =	sadd.s32 @!p1 $0xFFF0BE40, s15;
	s17 =	sadd.s32 @!p1 $0xFFFFFFC0, s14  }
0x12: {  	s15 =	ssub.s32 @!p1 $0xF4240, s15;
	p2 =	sgt.s32 @!p1 s16, $0x7F;
	p3 =	sgt.s32 @!p1 s17, $0x3F  }
0x13: {  	s14 =	ssub.s32 @!p1 $0x80, s14;
	p2 =	por !p2, p1;
	p3 =	por !p3, p1  }
0x14: {  	s16 =	sadd.s32 $0x1000, s11;
	s15 =	simm.s32 @!p2 $0x0;
	s14 =	simm.s32 @!p3 $0x0  }
0x15: {  	p2 =	sgt.s32 s16, $0xF423F;
	s14 =	smul.u32 @!p1 s14, s15;
	s15 =	sadd.s32 $0x40, s12  }
0x16: {  	s18 =	smov.u32 @p2 s15  }
0x17: {  	s16 =	smov.u32 @p2 s3;
	p2 =	sgt.s32 s18, $0x3F  }
0x18: {  	s18 =	simm.s32 @p2 $0x0;
	p2 =	sne.s32 s13, s7  }
.Ltmp1:
0x19: {  	p0 =	por !p0, !p0;
	s17 =	simm.s32 @!p1 $0x2;
	(pc) =	sbr.rel @!p2 .LBB1_6-.Ltmp1, $4  }
0x1a: {  	s15 =	smov.u32 s9;
	s9 =	smov.u32 s11;
	s14 =	sand.u32 @!p1 $0x3FFFFFFF, s14  }
0x1b: {  	s11 =	smov.u32 s16;
	_ =	swait.ge @!p1 [sflag:s17], s14;
	s19 =	ssub.s32 @!p1 $0x0, s14  }
0x1c: {  	s14 =	smov.u32 s10;
	s13 =	sadd.s32 $0x1, s13;
	[sflag:s17] =	ssyncset.done @!p1 $0x0  }
0x1d: {  	s10 =	smov.u32 s12;
	s12 =	smov.u32 s18;
	[sflag:s17] =	ssyncadd.s32 @!p1 s19  }
.LBB1_1:
0x1e: {  	p1 =	sgt.u32 s13, s6  }
0x1f: {  	s16 =	sshrl.u32 @!p1 s12, $0x3  }
0x20: {  	s17 =	sshll.u32 @!p1 s11, $0x3;
	s16 =	smul.u32 @!p1 $0x7A1400, s16  }
0x21: {  	s18 =	sshll.u32 @!p1 s12, $0x7;
	s17 =	sand.u32 @!p1 $0xFFFFFC00, s17  }
0x22: {  	s16 =	sadd.s32 @!p1 s16, s17;
	s17 =	sand.u32 @!p1 $0x380, s18  }
0x23: {  	s18 =	sand.u32 @!p1 $0x7F, s11;
	s16 =	sor.u32 @!p1 s17, s16  }
0x24: {  	s17 =	sor.u32 @!p1 s18, s16  }
0x25: {  	s18 =	smulhi.u32 @!p1 $0x218D6287, s17;
	_ =	sdelay $0x1  }
0x26: {  	s16 =	smulhi.u32 @!p1 $0x218D6287, s16;
	s18 =	sshrl.u32 @!p1 s18, $0x11  }
0x27: {  	s18 =	smul.u32 @!p1 $0xF4280, s18  }
0x28: {  	s19 =	sxor.u32 @!p1 $0xFFFFFFFF, s13;
	s16 =	sshrl.u32 @!p1 s16, $0x11  }
0x29: {  	s19 =	sshll.u32 @!p1 s19, $0xD;
	s16 =	sand.u32 @!p1 $0x3F, s16;
	s17 =	ssub.s32 @!p1 s17, s18  }
0x2a: {  	s16 =	smul.u32 @!p1 $0x1E850, s16;
	s18 =	sshrl.u32 @!p1 s17, $0x3;
	s17 =	sand.u32 @!p1 $0x7, s17  }
0x2b: {  	s19 =	sand.u32 @!p1 $0x2000, s19;
	s18 =	sadd.s32 @!p1 s2, s18;
	s17 =	sshll.u32 @!p1 s17, $0x12  }
0x2c: {  	s16 =	sadd.s32 @!p1 s16, s18;
	s17 =	sor.u32 @!p1 $0x400, s17;
	s18 =	simm.s32 @!p1 $0x7A1400  }
0x2d: {  	[tilespmem:s19], [sflag:$0x1] =	stream.strided.gather @!p1 [hbm4b:s16+s17], $0x2000, s18, s17, $0x38;
	[tilespmem:$0x8100] =	vst v63  }
0x2e: {  	p1 =	seq.s32 s13, $0x0  }
0x2f: {  	p2 =	sge.u32 @!p1 s13, s7  }
0x30: {  	p1 =	por p1, p2  }
.Ltmp2:
0x31: {  	_ = 	snop;
	(pc) =	sbr.rel @p1 .LBB1_5-.Ltmp2, $1  }
0x32: {  	_ =	sdelay $0x3  }
0x33: {  	s16 =	simm.s32 $0x1  }
0x34: {  	_ =	swait.ge [sflag:s4], $0x2000;
	s16 =	simm.s32 @!p0 $0x0  }
0x35: {  	[sflag:s4] =	ssyncset.done $0x0;
	s17 =	sshll.u32 s16, $0xD  }
0x36: {  	[sflag:s4] =	ssyncadd.s32 $0xFFFFE000;
	s17 =	sor.u32 $0x40, s17  }
0x37: {  	s16 =	smul.u32 $0x8200, s16;
	v0 =	vld [tilespmem:s17+$0x30]  }
0x38: {  	v1 =	vld [tilespmem:s17+$0xFFFFFFD0]  }
0x39: {  	s16 =	sshrl.u32 s16, $0x2;
	v5 =	vld [tilespmem:s17+$0xFFFFFFE0]  }
0x3a: {  	v6 =	vld [tilespmem:s17+$0xFFFFFFF0];
	s19 =	sor.u32 $0x4000, s16  }
0x3b: {  	s31 =	sand.u32 $0x1, s13;
	v4 =	vld [tilespmem:s17+$0x0];
	s18 =	sadd.s32 $0x0, s19  }
0x3c: {  	v3 =	vld [tilespmem:s17+$0x10];
	s16 =	smul.u32 $0x8200, s31;
	[tilespmem:s18+$0x1C70 ss:$0x41] =	vst.msk $0xffff, v0  }
0x3d: {  	v2 =	vld [tilespmem:s17+$0x20];
	[tilespmem:s18+$0x410 ss:$0x41] =	vst.msk $0xffff, v1  }
0x3e: {  	s16 =	sshrl.u32 s16, $0x2;
	v1 =	vld [tilespmem:s17+$0xFFFFFFC0];
	[tilespmem:s18+$0x820 ss:$0x41] =	vst.msk $0xffff, v5;
	s17 =	sadd.s32 $0x80, s17  }
0x3f: {  	s20 =	simm.s32 $0x4;
	s21 =	simm.s32 $0x8;
	s16 =	sor.u32 $0x4000, s16;
	[tilespmem:s18+$0xC30 ss:$0x41] =	vst.msk $0xffff, v6;
	v0 =	vld [tilespmem:s17+$0x30]  }
.LBB1_3:
0x40: {  	p1 =	sne.s32 s21, $0xFC;
	v5 =	vld [tilespmem:s17+$0xFFFFFFD0];
	[tilespmem:s18+$0x1040 ss:$0x41] =	vst.msk $0xffff, v4  }
0x41: {  	v6 =	vld [tilespmem:s17+$0xFFFFFFE0];
	[tilespmem:s18+$0x1450 ss:$0x41] =	vst.msk $0xffff, v3  }
0x42: {  	s22 =	sshra.s32 s20, $0x2;
	s20 =	smov.u32 s21;
	v7 =	vld [tilespmem:s17+$0xFFFFFFF0];
	[tilespmem:s18+$0x1860 ss:$0x41] =	vst.msk $0xffff, v2  }
.Ltmp3:
0x43: {  	v4 =	vld [tilespmem:s17+$0x0];
	[tilespmem:s18+$0x0 ss:$0x41] =	vst.msk $0xffff, v1;
	s18 =	sadd.s32 s22, s19;
	(pc) =	sbr.rel @p1 .LBB1_3-.Ltmp3, $4  }
0x44: {  	v3 =	vld [tilespmem:s17+$0x10];
	[tilespmem:s18+$0x1C70 ss:$0x41] =	vst.msk $0xffff, v0  }
0x45: {  	[tilespmem:s18+$0x410 ss:$0x41] =	vst.msk $0xffff, v5;
	v2 =	vld [tilespmem:s17+$0x20]  }
0x46: {  	v1 =	vld [tilespmem:s17+$0xFFFFFFC0];
	[tilespmem:s18+$0x820 ss:$0x41] =	vst.msk $0xffff, v6;
	s17 =	sadd.s32 $0x80, s17  }
0x47: {  	s21 =	sadd.s32 $0x4, s21;
	v0 =	vld [tilespmem:s17+$0x30];
	[tilespmem:s18+$0xC30 ss:$0x41] =	vst.msk $0xffff, v7  }
0x48: {  	s21 =	sshll.u32 s9, $0x7;
	s22 =	sshll.u32 s10, $0x3;
	s20 =	sshra.s32 s20, $0x2  }
0x49: {  	p1 =	sgt.s32 s9, $0xF41C0;
	s30 =	sshra.s32 s9, $0x1F;
	s25 =	sshra.s32 s10, $0x1F  }
0x4a: {  	v5 =	vld [tilespmem:s17+$0xFFFFFFD0];
	s28 =	sshrl.u32 s10, $0x3;
	s23 =	sand.u32 $0xFFFFFC00, s21;
	s22 =	sand.u32 $0xFFFFFC00, s22  }
0x4b: {  	[tilespmem:s18+$0x1040 ss:$0x41] =	vst.msk $0xffff, v4;
	v58 =	vld [tilespmem:s17+$0xFFFFFFE0];
	s21 =	sand.u32 $0x380, s21;
	s19 =	sadd.s32 s20, s19;
	s22 =	sadd.s32 s22, s23  }
0x4c: {  	v59 =	vld [tilespmem:s17+$0xFFFFFFF0];
	[tilespmem:s18+$0x1450 ss:$0x41] =	vst.msk $0xffff, v3;
	s29 =	sor.u32 s21, s22;
	s21 =	smov.u32 s9;
	s22 =	sand.u32 s30, s9  }
0x4d: {  	v60 =	vld [tilespmem:s17+$0x0];
	[tilespmem:s18+$0x1860 ss:$0x41] =	vst.msk $0xffff, v2;
	s30 =	sand.u32 $0x7, s10;
	s20 =	sshrl.u32 s29, $0x7;
	s21 =	simm.s32 @!p1 $0xF41C0  }
0x4e: {  	v61 =	vld [tilespmem:s17+$0x10];
	[tilespmem:s18+$0x0 ss:$0x41] =	vst.msk $0xffff, v1;
	p1 =	sgt.s32 s10, $0x40;
	s24 =	ssub.s32 s21, s22;
	s21 =	smov.u32 s10  }
0x4f: {  	v62 =	vld [tilespmem:s17+$0x20];
	[tilespmem:s19+$0x1C70 ss:$0x41] =	vst.msk $0xffff, v0;
	s31 =	smulhi.u32 $0x218DEF5, s20;
	s22 =	sand.u32 s25, s10;
	s21 =	simm.s32 @!p1 $0x40  }
0x50: {  	v63 =	vld [tilespmem:s17+$0xFFFFFFC0];
	[tilespmem:s19+$0x410 ss:$0x41] =	vst.msk $0xffff, v5;
	s26 =	sadd.s32 $0xFFF0BE40, s24;
	s17 =	ssub.s32 $0xF4240, s24;
	s21 =	ssub.s32 s21, s22  }
0x51: {  	[tilespmem:s19+$0x820 ss:$0x41] =	vst.msk $0xffff, v58;
	s23 =	sshrl.u32 s31, $0xD;
	p1 =	sgt.s32 s26, $0x7F;
	s27 =	sadd.s32 $0xFFFFFFC0, s21  }
0x52: {  	[tilespmem:s19+$0xC30 ss:$0x41] =	vst.msk $0xffff, v59;
	s23 =	smul.u32 $0xF4240, s23;
	s18 =	ssub.s32 $0x80, s21;
	p2 =	sgt.s32 s27, $0x3F  }
.Ltmp4:
0x53: {  	[tilespmem:s19+$0x1040 ss:$0x41] =	vst.msk $0xffff, v60;
	s17 =	simm.s32 @p1 $0x0;
	s18 =	simm.s32 @p2 $0x0;
	(pc) =	sbr.rel .LBB1_5-.Ltmp4, $4  }
0x54: {  	s29 =	sand.u32 $0xF, s28;
	[tilespmem:s19+$0x1450 ss:$0x41] =	vst.msk $0xffff, v61;
	s20 =	ssub.s32 s20, s23;
	s17 =	smul.u32 s18, s17  }
0x55: {  	[tilespmem:s19+$0x1860 ss:$0x41] =	vst.msk $0xffff, v62;
	s21 =	sshll.u32 s30, $0x12;
	s20 =	sshll.u32 s20, $0x4;
	s18 =	sadd.s32 s5, s29  }
0x56: {  	[tilespmem:s19+$0x0 ss:$0x41] =	vst.msk $0xffff, v63;
	s31 =	sor.u32 $0x40, s21;
	s18 =	sadd.s32 s20, s18;
	s17 =	sand.u32 $0x3FFFFFFF, s17  }
0x57: {  	[hbm4b:s18+s31] =	stream.strided.scatter [tilespmem:s16], [sflag:$0x2], s17, s8, s31, $0x18;
	[tilespmem:$0x8100] =	vst v63  }
.LBB1_6:
0x58: {  	_ =	sfence.sel $0x180000  }
0x59: {  	s2 =	simm.s32 $0x1;
	[bflag:$0x0] =	sbarrier.arrive $0xFFFF  }
0x5a: {  	s31 =	simm.s32 $0x2;
	[sflag:s2] =	ssyncpa.u1 $0x1  }
0x5b: {  	[sflag:s31] =	ssyncpa.u1 $0x1  }
0x5c: {  	p0 =	sne.s32 s1, $0x0;
	_ =	strace $0x90000047  }
0x5d: {  	s0 =	sadd.s32 @!p0 $0x100000, s0;
	[bflag:$0x2] =	sbarrier.arrive $0xFFFF  }
0x5e: {  	[sflag:s0] =	ssyncadd.tile.s32 @!p0 $0x1;
	_ =	shalt  }
.Lfunc_end1:
_tile_overlayer_lowered:
.L_overlay_start_2:
0x5f: {  	(tag) =	ssettag $0x2  }
0x60: {  	s0 =	rddreg [dreg:$0x0];
	s2 =	stileid.u32  }
0x61: {  	s1 =	rddreg [dreg:$0x1];
	p0 =	sne.s32 s2, $0x0  }
0x62: {  	s3 =	rddreg [dreg:$0x2];
	[bflag:$0x3] =	sbarrier.arrive $0xFFFF;
	s2 =	simm.s32 @!p0 $0x1C01  }
0x63: {  	[timem:s3], [sflag:s2] =	dma.local @!p0 [hbm:s0], s1  }
0x64: {  	s0 =	simm.s32 @!p0 $0x1  }
0x65: {  	_ =	swait.ge @!p0 [sflag:s0], s1  }
0x66: {  	s1 =	ssub.s32 @!p0 $0x0, s1;
	[sflag:s0] =	ssyncset.done @!p0 $0x0  }
0x67: {  	[sflag:s0] =	ssyncadd.s32 @!p0 s1  }
0x68: {  	[bflag:$0x3] =	sbarrier.arrive $0xFFFF  }
0x69: {  	_ =	shalt  }

// kernel: sparse-core-data-format-call.cloned.1.call-start
scs
called_computation_lowered:
.L_overlay_start_0:
0x0: {  	s2 =	sld [smem:$0x3FD9]  }
0x1: {  	s3 =	sld [smem:$0x3FFE];
	_ =	sdelay $0x1  }
0x2: {  	s1 =	srdreg.scid  }
0x3: {  	s0 =	sand.u32 $0x1, s1  }
0x4: {  	s18 =	sshll.u32 s0, $0xA;
	s2 =	sadd.s32 s3, s2  }
0x5: {  	s2 =	sadd.s32 s2, s18  }
0x6: {  	[smem:$0x3FC6] =	sst s2  }
0x7: {  	_ = 	snop  }
0x8: {  	s2 =	sld [smem:$0x3FD0];
	(tm) =	ssettm $0x1  }
0x9: {  	s19 =	sld [smem:$0x3FFB];
	_ =	sdelay $0x3  }
0xa: {  	_ =	strace s19  }
0xb: {  	s3 =	sld [smem:$0x3FFC];
	_ =	sdelay $0x3  }
0xc: {  	_ =	strace s3  }
0xd: {  	s3 =	sld [smem:$0x3FFD];
	_ =	sdelay $0x3  }
0xe: {  	_ =	strace s3  }
0xf: {  	_ =	strace $0x8FFFFFFF  }
0x10: {  	s20 =	sld [smem:$0x3FDB];
	_ =	sdelay $0x1  }
0x11: {  	s4 =	simm.s32 $_scs_section_size  }
0x12: {  	s5 =	simm.s32 $_size__tile_overlayer_lowered;
	s6 =	simm.s32 $_tile_overlayer_lowered  }
0x13: {  	s23 =	simm.s32 $0x1BFF;
	s22 =	sshll.u32 s6, $0x1;
	s3 =	sadd.s32 s4, s20  }
0x14: {  	s7 =	simm.s32 $0x0;
	s21 =	sshll.u32 s5, $0x1;
	s5 =	sadd.s32 s22, s3  }
0x15: {  	[timem:s7], [sflag:s23] =	dma.local [hbm:s5], s21  }
0x16: {  	_ =	swait.ge [sflag:s23], s21  }
0x17: {  	s4 =	ssub.s32 $0x0, s21;
	[sflag:s23] =	ssyncset.done $0x0  }
0x18: {  	[sflag:s23] =	ssyncadd.s32 s4;
	_ =	sdelay $0x1  }
0x19: {  	s24 =	simm.s32 $0x1B8B  }
0x1a: {  	_ =	swait.ge [sflag:s24], $0x1  }
0x1b: {  	[sflag:s24] =	ssyncset.done $0x0  }
0x1c: {  	s26 =	simm.s32 $0x1B8E;
	s25 =	sld [smem:$0x3FFE];
	[sflag:s24] =	ssyncadd.s32 $0xFFFFFFFF  }
0x1d: {  	s27 =	simm.s32 $execute0_lowered;
	[smem:$0x3FD2] =	sst s26  }
0x1e: {  	s5 =	sshll.u32 s27, $0x1;
	_ =	strace $0x8000004C;
	[dreg:$0x1] =	wrdreg $0xFFFFFFFF  }
0x1f: {  	s28 =	simm.s32 $_size_execute0_lowered;
	s3 =	sadd.s32 s3, s5;
	[dreg:$0x0] =	wrdreg $0x0  }
0x20: {  	s5 =	sshll.u32 s28, $0x1;
	[dreg:$0x2] =	wrdreg s3  }
0x21: {  	[dreg:$0x3] =	wrdreg s5  }
0x22: {  	[dreg:$0x4] =	wrdreg $0xC0  }
0x23: {  	_ =	task [dreg:s7], $0x5FFFF  }
0x24: {  	[dreg:$0x1] =	wrdreg $0xFFFFFFFF  }
0x25: {  	[dreg:$0x0] =	wrdreg $0x60  }
0x26: {  	[dreg:$0x2] =	wrdreg s25  }
0x27: {  	[dreg:$0x3] =	wrdreg s2  }
0x28: {  	[dreg:$0x4] =	wrdreg $0x9  }
0x29: {  	_ =	task.clear_ibuf [dreg:s7], $0x5FFFF;
	_ =	strace $0x9000004C  }
0x2a: {  	s29 =	simm.s32 $0x9;
	_ =	strace $0x8000004E  }
0x2b: {  	_ =	swait.ge [sflag:s29], $0x1  }
0x2c: {  	[sflag:s29] =	ssyncadd.s32 $0xFFFFFFFF  }
0x2d: {  	_ =	strace $0x9000004E  }
0x2e: {  	_ =	sfence  }
0x2f: {  	s30 =	sld [smem:$0x0];
	_ =	sdelay $0x2  }
0x30: {  	s31 =	sshll.u32 s1, $0xD;
	s1 =	sshrl.u32 s1, $0x2  }
0x31: {  	s3 =	sand.u32 $0x4000, s31;
	s1 =	sadd.s32 s1, s30  }
0x32: {  	s0 =	sor.u32 s3, s0;
	s1 =	sshll.u32 s1, $0x11  }
0x33: {  	s0 =	sor.u32 s1, s0  }
0x34: {  	s0 =	sadd.s32 $0x8F2B, s0  }
0x35: {  	[sflag:s0] =	ssyncadd.remote.s32 $0x1  }
0x36: {  	_ =	sfence.sel $0xFFFF  }
0x37: {  	[dreg:$0x0] =	wrdreg $0xFFFFFFFF;
	(pc) =	sbr.abs _section_cstart, $3  }
0x38: {  	[dreg:$0x1] =	wrdreg $0xFFFFFFFF  }
0x39: {  	_ =	task.clear_ibuf [dreg:s7], $0x2FFFF;
	_ =	strace $0x9FFFFFFF  }
0x3a: {  	(tm) =	ssettm $0x7FFFFFFF  }
0x3b: {  	_ =	shalt  }
tec
execute0_lowered:
.L_overlay_start_1:
0x0: {  	(tag) =	ssettag $0x1  }
0x1: {  	s0 =	srdreg.scid  }
0x2: {  	s1 =	sshll.u32 s0, $0x4  }
0x3: {  	s0 =	stileid.u32;
	s1 =	sand.u32 $0x10, s1  }
0x4: {  	s1 =	sor.u32 s0, s1  }
0x5: {  	s6 =	rddreg [dreg:$0x0];
	s4 =	simm.s32 $0x1;
	s2 =	sshll.u32 s1, $0x7  }
0x6: {  	s7 =	simm.s32 $0x2;
	s12 =	simm.s32 $0x0;
	s1 =	ssub.s32 $0x1000, s2  }
0x7: {  	s8 =	simm.s32 $0x8000;
	s13 =	simm.s32 $0x0;
	s3 =	sand.u32 $0xF80, s1  }
0x8: {  	s9 =	simm.s32 $0x0;
	s5 =	sshrl.u32 s1, $0xC;
	p0 =	sne.s32 s3, $0x0  }
.Ltmp0:
0x9: {  	s1 =	rddreg [dreg:$0x2];
	s4 =	simm.s32 @!p0 $0x0;
	(pc) =	sbr.rel .LBB1_1-.Ltmp0, $4  }
0xa: {  	s11 =	simm.s32 $0x0;
	s3 =	rddreg [dreg:$0x1];
	s5 =	sadd.s32 s4, s5  }
0xb: {  	_ =	strace $0x8000004D;
	s4 =	simm.s32 $0x1;
	s5 =	smul.u32 $0xC8, s5  }
0xc: {  	s6 =	sadd.s32 $0xE00, s6;
	s10 =	smov.u32 s2;
	[sflag:s4] =	ssyncpa.u1 $0x0  }
0xd: {  	p0 =	por $0x0, $0x0;
	[sflag:s7] =	ssyncpa.u1 $0x0;
	s7 =	sor.u32 $0x1, s5  }
.LBB1_4:
0xe: {  	s16 =	sshll.u32 s13, $0x3;
	s17 =	sand.u32 $0x78, s13  }
0xf: {  	s30 =	sand.u32 $0x7E00, s13;
	s12 =	sshll.u32 s12, $0xF;
	s16 =	sand.u32 $0xC00, s16  }
0x10: {  	[tilespmem:s15+$0x810 ss:$0x81] =	vst.msk $0xffff, v2;
	s31 =	sand.u32 $0x7, s13;
	s16 =	sor.u32 s17, s16;
	s17 =	sadd.s32 s3, s30  }
0x11: {  	[tilespmem:s15+$0x1020 ss:$0x81] =	vst.msk $0xffff, v0;
	s13 =	sshll.u32 s31, $0x12;
	s12 =	sadd.s32 s12, s17;
	s16 =	sshrl.u32 s16, $0x3  }
0x12: {  	[tilespmem:s15+$0x0 ss:$0x81] =	vst.msk $0xffff, v1;
	s13 =	sor.u32 $0x400, s13;
	s12 =	sadd.s32 s16, s12  }
0x13: {  	[hbm4b:s12+s13] =	stream.strided.scatter [tilespmem:s14], [sflag:$0x2], $0x2000, s8, s13, $0x20;
	[tilespmem:$0x8080] =	vst v63  }
.LBB1_5:
0x14: {  	s14 =	sadd.s32 $0x1, s9  }
0x15: {  	s12 =	sadd.s32 $0x1000, s10;
	s16 =	smov.u32 s10;
	p2 =	sgt.s32 s14, $0xC7  }
0x16: {  	s16 =	smov.u32 @p2 s12  }
0x17: {  	s14 =	simm.s32 @p2 $0x0;
	p2 =	sgt.s32 s16, $0xFFF  }
0x18: {  	s16 =	smov.u32 @p2 s2;
	p2 =	sne.s32 s11, s7  }
.Ltmp1:
0x19: {  	p1 =	slt.u32 s11, $0x2;
	(pc) =	sbr.rel @!p2 .LBB1_6-.Ltmp1, $4  }
0x1a: {  	s15 =	simm.s32 @!p1 $0x2  }
0x1b: {  	s13 =	smov.u32 s10;
	p0 =	por !p0, !p0;
	_ =	swait.ge @!p1 [sflag:s15], $0x2000  }
0x1c: {  	s12 =	smov.u32 s9;
	[sflag:s15] =	ssyncset.done @!p1 $0x0;
	s9 =	smov.u32 s14  }
0x1d: {  	s11 =	sadd.s32 $0x1, s11;
	[sflag:s15] =	ssyncadd.s32 @!p1 $0xFFFFE000;
	s10 =	smov.u32 s16  }
.LBB1_1:
0x1e: {  	p1 =	sge.u32 s11, s5  }
0x1f: {  	s14 =	sand.u32 @!p1 $0x1FFFFFF, s9  }
0x20: {  	s15 =	smulhi.u32 @!p1 $0x147AE15, s14;
	_ =	sdelay $0x1  }
0x21: {  	s15 =	smul.u32 @!p1 $0xC8, s15  }
0x22: {  	s16 =	sxor.u32 @!p1 $0xFFFFFFFF, s11;
	s17 =	smul.u32 @!p1 $0xC80, s10  }
0x23: {  	s31 =	sadd.s32 $0xFFFFFFFF, s11;
	s16 =	sshll.u32 @!p1 s16, $0xD;
	s14 =	ssub.s32 @!p1 s14, s15  }
0x24: {  	s15 =	sand.u32 @!p1 $0x2000, s16;
	s16 =	sadd.s32 @!p1 s6, s17;
	s14 =	sshll.u32 @!p1 s14, $0x4  }
0x25: {  	s17 =	simm.s32 @!p1 $0x6400;
	s14 =	sadd.s32 @!p1 s14, s16;
	s16 =	simm.s32 @!p1 $0x40  }
0x26: {  	[tilespmem:s15], [sflag:$0x1] =	stream.strided.gather @!p1 [hbm4b:s14+s16], $0x2000, s17, s16, $0x38;
	[tilespmem:$0x8080] =	vst v63  }
0x27: {  	p1 =	sge.u32 s31, s5  }
.Ltmp2:
0x28: {  	_ = 	snop;
	(pc) =	sbr.rel @p1 .LBB1_5-.Ltmp2, $1  }
0x29: {  	_ =	sdelay $0x3  }
0x2a: {  	s14 =	simm.s32 $0x1  }
0x2b: {  	_ =	swait.ge [sflag:s4], $0x2000;
	s14 =	simm.s32 @!p0 $0x0  }
0x2c: {  	[sflag:s4] =	ssyncset.done $0x0;
	s15 =	sshll.u32 s14, $0xD  }
0x2d: {  	[sflag:s4] =	ssyncadd.s32 $0xFFFFE000;
	s18 =	sor.u32 $0x20, s15  }
0x2e: {  	s14 =	smul.u32 $0x8100, s14;
	v3 =	vld [tilespmem:s18+$0x10]  }
0x2f: {  	s30 =	sand.u32 $0x1, s11;
	v2 =	vld [tilespmem:s18+$0xFFFFFFF0]  }
0x30: {  	s15 =	smul.u32 $0x8100, s30;
	s14 =	sshrl.u32 s14, $0x2;
	v0 =	vld [tilespmem:s18+$0x0]  }
0x31: {  	v1 =	vld [tilespmem:s18+$0xFFFFFFE0];
	s16 =	sor.u32 $0x4000, s14  }
0x32: {  	s31 =	sshrl.u32 s15, $0x2;
	s15 =	sadd.s32 $0x0, s16  }
0x33: {  	s17 =	simm.s32 $0x4;
	s18 =	sadd.s32 $0x40, s18;
	s14 =	sor.u32 $0x4000, s31;
	[tilespmem:s15+$0x1830 ss:$0x81] =	vst.msk $0xffff, v3  }
.LBB1_3:
0x34: {  	v3 =	vld [tilespmem:s18+$0x10];
	p1 =	sne.s32 s17, $0x1FC;
	[tilespmem:s15+$0x810 ss:$0x81] =	vst.msk $0xffff, v2;
	s19 =	smov.u32 s17;
	s17 =	sadd.s32 $0x4, s17  }
.Ltmp3:
0x35: {  	v2 =	vld [tilespmem:s18+$0xFFFFFFF0];
	[tilespmem:s15+$0x1020 ss:$0x81] =	vst.msk $0xffff, v0;
	(pc) =	sbr.rel @p1 .LBB1_3-.Ltmp3, $4  }
0x36: {  	v0 =	vld [tilespmem:s18+$0x0];
	[tilespmem:s15+$0x0 ss:$0x81] =	vst.msk $0xffff, v1  }
0x37: {  	s15 =	sshra.s32 s19, $0x2;
	v1 =	vld [tilespmem:s18+$0xFFFFFFE0]  }
0x38: {  	s15 =	sadd.s32 s15, s16  }
0x39: {  	s18 =	sadd.s32 $0x40, s18;
	[tilespmem:s15+$0x1830 ss:$0x81] =	vst.msk $0xffff, v3  }
.Ltmp4:
0x3a: {  	_ = 	snop;
	(pc) =	sbr.rel .LBB1_4-.Ltmp4, $1  }
0x3b: {  	_ =	sdelay $0x3  }
.LBB1_6:
0x3c: {  	_ =	sfence.sel $0x180000  }
0x3d: {  	s2 =	simm.s32 $0x1;
	[bflag:$0x0] =	sbarrier.arrive $0xFFFF  }
0x3e: {  	s31 =	simm.s32 $0x2;
	[sflag:s2] =	ssyncpa.u1 $0x1  }
0x3f: {  	[sflag:s31] =	ssyncpa.u1 $0x1  }
0x40: {  	p0 =	sne.s32 s0, $0x0;
	_ =	strace $0x9000004D  }
0x41: {  	s0 =	sadd.s32 @!p0 $0x100000, s1;
	[bflag:$0x2] =	sbarrier.arrive $0xFFFF  }
0x42: {  	[sflag:s0] =	ssyncadd.tile.s32 @!p0 $0x1;
	_ =	shalt  }
.Lfunc_end1:
_tile_overlayer_lowered:
.L_overlay_start_2:
0x43: {  	(tag) =	ssettag $0x2  }
0x44: {  	s0 =	rddreg [dreg:$0x0];
	s2 =	stileid.u32  }
0x45: {  	s1 =	rddreg [dreg:$0x1];
	p0 =	sne.s32 s2, $0x0  }
0x46: {  	s3 =	rddreg [dreg:$0x2];
	[bflag:$0x3] =	sbarrier.arrive $0xFFFF;
	s2 =	simm.s32 @!p0 $0x1C01  }
0x47: {  	[timem:s3], [sflag:s2] =	dma.local @!p0 [hbm:s0], s1  }
0x48: {  	s0 =	simm.s32 @!p0 $0x1  }
0x49: {  	_ =	swait.ge @!p0 [sflag:s0], s1  }
0x4a: {  	s1 =	ssub.s32 @!p0 $0x0, s1;
	[sflag:s0] =	ssyncset.done @!p0 $0x0  }
0x4b: {  	[sflag:s0] =	ssyncadd.s32 @!p0 s1  }
0x4c: {  	[bflag:$0x3] =	sbarrier.arrive $0xFFFF  }
0x4d: {  	_ =	shalt  }

</sc_bundles>
